<compile_context>
chip_gen: v7x
topology: tpu7x:2x2x1
jax: 0.10.2.dev20260603
libtpu: 0.0.44.dev20260713+nightly
codegen_flags: <defaults>
</compile_context>

<pallas_src>
import jax
import jax.numpy as jnp
from jax import lax
from jax.experimental import pallas as pl
from jax.experimental.pallas import tpu as pltpu
from jax.experimental.pallas import tpu_sc as plsc

N_NODES = 10000
N_EDGES = 320000
D = 128
DH = D // 2

NC = 2
NS = 16
EPT = N_EDGES // NS
C = 80
NCH = EPT // C
ZB = 1000
DZ = 2000


def _feat_body(x_ref, w_ref, a_ref, h0_ref, h1_ref, s1_ref, s2_ref,
               m1_ref, m2_ref):
    h = jnp.dot(x_ref[...], w_ref[...], preferred_element_type=jnp.float32)
    h0_ref[...] = h[:, :DH]
    h1_ref[...] = h[:, DH:]
    a = a_ref[...]
    s1 = jnp.dot(h, a[:D, :], preferred_element_type=jnp.float32)
    s2 = jnp.dot(h, a[D:, :], preferred_element_type=jnp.float32)
    s1_ref[...] = s1
    s2_ref[...] = s2

    @pl.when(pl.program_id(0) == 0)
    def _init():
        m1_ref[...] = jnp.full((1, D), -3.0e38, jnp.float32)
        m2_ref[...] = jnp.full((1, D), -3.0e38, jnp.float32)

    m1_ref[...] = jnp.maximum(m1_ref[...], jnp.max(s1))
    m2_ref[...] = jnp.maximum(m2_ref[...], jnp.max(s2))


def _features(x, W, a):
    blk = 1000
    return pl.pallas_call(
        _feat_body,
        grid=(N_NODES // blk,),
        in_specs=[
            pl.BlockSpec((blk, D), lambda i: (i, 0)),
            pl.BlockSpec((D, D), lambda i: (0, 0)),
            pl.BlockSpec((2 * D, 1), lambda i: (0, 0)),
        ],
        out_specs=[
            pl.BlockSpec((blk, DH), lambda i: (i, 0)),
            pl.BlockSpec((blk, DH), lambda i: (i, 0)),
            pl.BlockSpec((blk, 1), lambda i: (i, 0)),
            pl.BlockSpec((blk, 1), lambda i: (i, 0)),
            pl.BlockSpec((1, D), lambda i: (0, 0)),
            pl.BlockSpec((1, D), lambda i: (0, 0)),
        ],
        out_shape=[
            jax.ShapeDtypeStruct((N_NODES, DH), jnp.float32),
            jax.ShapeDtypeStruct((N_NODES, DH), jnp.float32),
            jax.ShapeDtypeStruct((N_NODES, 1), jnp.float32),
            jax.ShapeDtypeStruct((N_NODES, 1), jnp.float32),
            jax.ShapeDtypeStruct((1, D), jnp.float32),
            jax.ShapeDtypeStruct((1, D), jnp.float32),
        ],
    )(x, W, a)


def _edge_body(h0_hbm, h1_hbm, s1_hbm, s2_hbm, rc_hbm, c_hbm,
               num_out, den_out,
               s1_v, s2_v, rc_v, exj_v, msg_v, zb_v, c_v,
               acc_sh, den_sh, h_sh,
               g_sem, sa_sem, sd_sem, rc_sem):
    cid = lax.axis_index("c")
    sid = lax.axis_index("s")

    pltpu.sync_copy(s1_hbm, s1_v)
    pltpu.sync_copy(s2_hbm, s2_v)
    pltpu.sync_copy(c_hbm, c_v)

    zeros16 = jnp.zeros((16,), jnp.float32)

    @pl.loop(0, C)
    def _zmsg(i):
        for q in range(DH // 16):
            msg_v[0, i, pl.ds(q * 16, 16)] = zeros16

    @pl.loop(0, DZ // 16)
    def _zzb(i):
        zb_v[pl.ds(i * 16, 16)] = zeros16

    @pl.when(sid < N_NODES // ZB)
    def _zacc():
        zbase = sid * ZB
        for k in range(12):
            pltpu.sync_copy(msg_v.at[0], acc_sh.at[pl.ds(zbase + k * C, C)])
        pltpu.sync_copy(msg_v.at[0], acc_sh.at[pl.ds(zbase + ZB - C, C)])

    @pl.when(sid < N_NODES // DZ)
    def _zden():
        pltpu.sync_copy(zb_v, den_sh.at[pl.ds(sid * DZ, DZ)])

    @pl.when(sid < N_NODES // ZB)
    def _hstage():
        zbase = sid * ZB

        @pl.when(cid == 0)
        def _h0():
            pltpu.sync_copy(h0_hbm.at[pl.ds(zbase, ZB)],
                            h_sh.at[pl.ds(zbase, ZB)])

        @pl.when(cid == 1)
        def _h1():
            pltpu.sync_copy(h1_hbm.at[pl.ds(zbase, ZB)],
                            h_sh.at[pl.ds(zbase, ZB)])

    plsc.subcore_barrier()

    cvec = c_v[...]

    def _exp_np(y):
        t = y * 1.4426950408889634
        k = jnp.maximum(t.astype(jnp.int32), -126)
        r = (t - k.astype(jnp.float32)) * 0.6931471805599453
        p = jnp.ones((16,), jnp.float32)
        for i in range(7, 0, -1):
            p = 1.0 + p * r * (1.0 / i)
        scale = plsc.bitcast((k + 127) << 23, jnp.float32)
        return p * scale

    def _main_loop():
        def _rc_fetch(j):
            pltpu.async_copy(rc_hbm.at[sid, j], rc_v.at[j & 7],
                             rc_sem.at[j & 7])

        def _rc_wait(j):
            pltpu.make_async_copy(rc_hbm.at[sid, j], rc_v.at[j & 7],
                                  rc_sem.at[j & 7]).wait()

        def _gather_start(j):
            pltpu.async_copy(h_sh.at[rc_v.at[j & 7, 1]], msg_v.at[j & 3],
                             g_sem.at[j & 3])

        def _drain_scatter(j):
            pltpu.make_async_copy(msg_v.at[j & 3],
                                  acc_sh.at[rc_v.at[j & 7, 0]],
                                  sa_sem.at[j & 3]).wait()
            pltpu.make_async_copy(exj_v.at[j & 3],
                                  den_sh.at[rc_v.at[j & 7, 0]],
                                  sd_sem.at[j & 3]).wait()

        def _chunk(j):
            g = j & 7
            b = j & 3

            @pl.when(j >= 2)
            def _drain():
                _drain_scatter(j - 2)

            @pl.when(j + 4 < NCH)
            def _fnext():
                _rc_fetch(j + 4)

            @pl.when(j + 2 < NCH)
            def _gnext():
                _rc_wait(j + 2)
                _gather_start(j + 2)

            for k in range(C // 16):
                r16 = rc_v[g, 0, pl.ds(k * 16, 16)]
                c16 = rc_v[g, 1, pl.ds(k * 16, 16)]
                z = (plsc.load_gather(s1_v, [r16])
                     + plsc.load_gather(s2_v, [c16]))
                e = jnp.where(z >= 0.0, z, 0.2 * z)
                exj_v[b, pl.ds(k * 16, 16)] = _exp_np(e - cvec)

            pltpu.make_async_copy(h_sh.at[rc_v.at[g, 1]], msg_v.at[b],
                                  g_sem.at[b]).wait()

            @pl.loop(0, C, unroll=8)
            def _srow(i):
                av = plsc.load_gather(exj_v.at[b],
                                      [jnp.full((16,), i, jnp.int32)])
                for q in range(DH // 16):
                    msg_v[b, i, pl.ds(q * 16, 16)] = (
                        msg_v[b, i, pl.ds(q * 16, 16)] * av)

            pltpu.async_copy(msg_v.at[b], acc_sh.at[rc_v.at[g, 0]],
                             sa_sem.at[b], add=True)
            pltpu.async_copy(exj_v.at[b], den_sh.at[rc_v.at[g, 0]],
                             sd_sem.at[b], add=True)

        for j in range(4):
            _rc_fetch(j)
        for j in range(2):
            _rc_wait(j)
            _gather_start(j)

        @pl.loop(0, NCH)
        def _step(j):
            _chunk(j)

        for jl in range(NCH - 2, NCH):
            _drain_scatter(jl)

    _main_loop()

    plsc.subcore_barrier()

    @pl.when(sid < N_NODES // ZB)
    def _wout():
        zbase = sid * ZB
        pltpu.sync_copy(acc_sh.at[pl.ds(zbase, ZB)],
                        num_out.at[cid, pl.ds(zbase, ZB)])

    @pl.when(sid < N_NODES // DZ)
    def _wden():
        dbase = sid * DZ
        pltpu.sync_copy(den_sh.at[pl.ds(dbase, DZ)], zb_v)
        pltpu.sync_copy(zb_v, den_out.at[pl.ds(cid * N_NODES + dbase, DZ)])


def _edge_aggregate(h0, h1, s1, s2, rc4, c16):
    mesh = plsc.VectorSubcoreMesh(core_axis_name="c", subcore_axis_name="s",
                                  num_cores=NC, num_subcores=NS)
    f = pl.kernel(
        _edge_body,
        out_type=[
            jax.ShapeDtypeStruct((NC, N_NODES, DH), jnp.float32),
            jax.ShapeDtypeStruct((NC * N_NODES,), jnp.float32),
        ],
        mesh=mesh,
        compiler_params=pltpu.CompilerParams(needs_layout_passes=False,
                                             use_tc_tiling_on_sc=False),
        scratch_types=[
            pltpu.VMEM((N_NODES,), jnp.float32),
            pltpu.VMEM((N_NODES,), jnp.float32),
            pltpu.VMEM((8, 2, C), jnp.int32),
            pltpu.VMEM((4, C), jnp.float32),
            pltpu.VMEM((4, C, DH), jnp.float32),
            pltpu.VMEM((DZ,), jnp.float32),
            pltpu.VMEM((16,), jnp.float32),
            pltpu.VMEM_SHARED((N_NODES, DH), jnp.float32),
            pltpu.VMEM_SHARED((N_NODES,), jnp.float32),
            pltpu.VMEM_SHARED((N_NODES, DH), jnp.float32),
            pltpu.SemaphoreType.DMA((4,)),
            pltpu.SemaphoreType.DMA((4,)),
            pltpu.SemaphoreType.DMA((4,)),
            pltpu.SemaphoreType.DMA((8,)),
        ],
    )
    return f(h0, h1, s1, s2, rc4, c16)


def _combine_body(n0_ref, n1_ref, d_ref, o_ref):
    d = d_ref[...]
    d = jnp.where(d > 0.0, d, 1.0)
    o = jnp.concatenate([n0_ref[...], n1_ref[...]], axis=1) / d
    o_ref[...] = jnp.maximum(o, 0.0)


def _combine(n0, n1, den):
    blk = 1000
    return pl.pallas_call(
        _combine_body,
        grid=(N_NODES // blk,),
        in_specs=[
            pl.BlockSpec((blk, DH), lambda i: (i, 0)),
            pl.BlockSpec((blk, DH), lambda i: (i, 0)),
            pl.BlockSpec((blk, 1), lambda i: (i, 0)),
        ],
        out_specs=pl.BlockSpec((blk, D), lambda i: (i, 0)),
        out_shape=jax.ShapeDtypeStruct((N_NODES, D), jnp.float32),
    )(n0, n1, den)


@jax.jit
def kernel(x, edge_index, W, a):
    h0, h1, s1, s2, m1, m2 = _features(x, W, a)
    zmax = m1[0, 0] + m2[0, 0]
    cshift = jnp.where(zmax >= 0.0, zmax, 0.2 * zmax)
    c16 = jnp.full((16,), cshift, jnp.float32)
    rc4 = jnp.stack([edge_index[0].reshape(NS, NCH, C),
                     edge_index[1].reshape(NS, NCH, C)], axis=2)
    num, den = _edge_aggregate(h0, h1, s1.reshape(-1), s2.reshape(-1),
                               rc4, c16)
    den0 = den[:N_NODES]
    return _combine(num[0], num[1], den0.reshape(-1, 1))

# --- scband reference (transcript-rebuilt; emitter-appended) ---
"""Pipeline reference for scband-graph-attention-52166672777276 (READ-ONLY COPY).

The authoritative reference and input builder live on the scoring server;
editing this copy changes nothing except your own understanding.
"""

import jax, jax.numpy as jnp
import numpy as np

N_NODES = 10000
N_EDGES = 320000
D_IN = 128
D_OUT = 128

def _glorot(key, shape):
    limit = np.sqrt(6.0 / (shape[0] + shape[1]))
    return jax.random.uniform(key, shape, dtype=jnp.float32, minval=-limit, maxval=limit)

def setup_inputs(seed: int = 0) -> dict:
    key = jax.random.key(seed)
    k1, k2, k3, k4 = jax.random.split(key, 4)
    x = jax.random.normal(k1, (N_NODES, D_IN), dtype=jnp.float32)
    edge_index = jax.random.randint(k2, (2, N_EDGES), 0, N_NODES, dtype=jnp.int64 if jax.config.jax_enable_x64 else jnp.int32).astype(jnp.int32)
    W = _glorot(k3, (D_IN, D_OUT))
    a = _glorot(k4, (2 * D_OUT, 1))
    return {"x": x, "edge_index": edge_index, "W": W, "a": a}

def reference(x, edge_index, W, a):
    # GraphAttention forward (single head, no dropout, no biases, concat output)
    row = edge_index[0]  # destination/row index of sparse adj
    col = edge_index[1]  # source/col index
    h = jnp.matmul(x, W)  # transformed features [N, D_OUT]
    # attention logits per edge: concat(h[row], h[col]) @ a
    pair = jnp.concatenate([jnp.take(h, row, axis=0), jnp.take(h, col, axis=0)], axis=1)
    e = jnp.matmul(pair, a)[:, 0]
    e = jax.nn.leaky_relu(e, negative_slope=0.2)
    # sparse softmax over each row of the adjacency
    emax = jax.ops.segment_max(e, row, num_segments=N_NODES)
    ex = jnp.exp(e - jnp.take(emax, row))
    denom = jax.ops.segment_sum(ex, row, num_segments=N_NODES)
    alpha = ex / jnp.take(denom, row)
    # sparse-dense matmul: out[i] = sum_{(i,j) in E} alpha_ij * h[j]
    msgs = alpha[:, None] * jnp.take(h, col, axis=0)
    out = jax.ops.segment_sum(msgs, row, num_segments=N_NODES)
    out = jax.nn.relu(out)
    return out

if False:  # reference __main__ guard neutralized (emitter)
    inp = setup_inputs()
    o = reference(**inp)
    print(o.shape, o.dtype)

if __name__ == "__main__":
    import jax
    _d = setup_inputs()
    print(jax.jit(kernel)(*tuple(_d.values())))

</pallas_src>

<mosaic_0001>
#map = affine_map<(d0, d1) -> (0, 0)>
#map1 = affine_map<(d0, d1) -> (0)>
#map2 = affine_map<(d0, d1) -> (0, 0, 0, 0)>
#map3 = affine_map<(d0, d1) -> (0, 0, 0)>
module attributes {stable_mosaic.version = 14 : i64} {
  func.func @_edge_body(%arg0: i32, %arg1: i32, %arg2: memref<10000x64xf32, #tpu.memory_space<hbm>>, %arg3: memref<10000x64xf32, #tpu.memory_space<hbm>>, %arg4: memref<10000xf32, #tpu.memory_space<hbm>>, %arg5: memref<10000xf32, #tpu.memory_space<hbm>>, %arg6: memref<16x250x2x80xi32, #tpu.memory_space<hbm>>, %arg7: memref<16xf32, #tpu.memory_space<hbm>>, %arg8: memref<2x10000x64xf32, #tpu.memory_space<hbm>>, %arg9: memref<20000xf32, #tpu.memory_space<hbm>>, %arg10: memref<10000xf32, #tpu.memory_space<vmem>>, %arg11: memref<10000xf32, #tpu.memory_space<vmem>>, %arg12: memref<8x2x80xi32, #tpu.memory_space<vmem>>, %arg13: memref<4x80xf32, #tpu.memory_space<vmem>>, %arg14: memref<4x80x64xf32, #tpu.memory_space<vmem>>, %arg15: memref<2000xf32, #tpu.memory_space<vmem>>, %arg16: memref<16xf32, #tpu.memory_space<vmem>>, %arg17: memref<10000x64xf32, #tpu.memory_space<vmem_shared>>, %arg18: memref<10000xf32, #tpu.memory_space<vmem_shared>>, %arg19: memref<10000x64xf32, #tpu.memory_space<vmem_shared>>, %arg20: memref<4x!tpu.dma_semaphore, #tpu.memory_space<semaphore_mem>>, %arg21: memref<4x!tpu.dma_semaphore, #tpu.memory_space<semaphore_mem>>, %arg22: memref<4x!tpu.dma_semaphore, #tpu.memory_space<semaphore_mem>>, %arg23: memref<8x!tpu.dma_semaphore, #tpu.memory_space<semaphore_mem>>) attributes {dimension_semantics = [#tpu.dimension_semantics<core_parallel>, #tpu.dimension_semantics<subcore_parallel>], iteration_bounds = array<i64: 2, 16>, scalar_prefetch = 0 : i64, scratch_operands = 14 : i64, tpu.core_type = #tpu.core_type<sc_vector_subcore>, window_params = [{transform_indices = #map}, {transform_indices = #map}, {transform_indices = #map1}, {transform_indices = #map1}, {transform_indices = #map2}, {transform_indices = #map1}, {transform_indices = #map3}, {transform_indices = #map1}]} {
    "tpu.region"() ({
      %run_scoped3A = tpu.sem_alloc : memref<!tpu.dma_semaphore, #tpu.memory_space<semaphore_mem>>
      tpu.enqueue_dma source(%arg4 : memref<10000xf32, #tpu.memory_space<hbm>>) target(%arg10 : memref<10000xf32, #tpu.memory_space<vmem>>) target_semaphore(%run_scoped3A : memref<!tpu.dma_semaphore, #tpu.memory_space<semaphore_mem>>)
      tpu.wait_dma2 semaphore(%run_scoped3A : memref<!tpu.dma_semaphore, #tpu.memory_space<semaphore_mem>>) src(%arg4 : memref<10000xf32, #tpu.memory_space<hbm>>) dst(%arg10 : memref<10000xf32, #tpu.memory_space<vmem>>)
      tpu.yield
    }) : () -> ()
    "tpu.region"() ({
      %run_scoped3A = tpu.sem_alloc : memref<!tpu.dma_semaphore, #tpu.memory_space<semaphore_mem>>
      tpu.enqueue_dma source(%arg5 : memref<10000xf32, #tpu.memory_space<hbm>>) target(%arg11 : memref<10000xf32, #tpu.memory_space<vmem>>) target_semaphore(%run_scoped3A : memref<!tpu.dma_semaphore, #tpu.memory_space<semaphore_mem>>)
      tpu.wait_dma2 semaphore(%run_scoped3A : memref<!tpu.dma_semaphore, #tpu.memory_space<semaphore_mem>>) src(%arg5 : memref<10000xf32, #tpu.memory_space<hbm>>) dst(%arg11 : memref<10000xf32, #tpu.memory_space<vmem>>)
      tpu.yield
    }) : () -> ()
    "tpu.region"() ({
      %run_scoped3A = tpu.sem_alloc : memref<!tpu.dma_semaphore, #tpu.memory_space<semaphore_mem>>
      tpu.enqueue_dma source(%arg7 : memref<16xf32, #tpu.memory_space<hbm>>) target(%arg16 : memref<16xf32, #tpu.memory_space<vmem>>) target_semaphore(%run_scoped3A : memref<!tpu.dma_semaphore, #tpu.memory_space<semaphore_mem>>)
      tpu.wait_dma2 semaphore(%run_scoped3A : memref<!tpu.dma_semaphore, #tpu.memory_space<semaphore_mem>>) src(%arg7 : memref<16xf32, #tpu.memory_space<hbm>>) dst(%arg16 : memref<16xf32, #tpu.memory_space<vmem>>)
      tpu.yield
    }) : () -> ()
    %broadcast_in_dim3A = arith.constant 0.000000e+00 : f32
    %broadcast_in_dim3A_0 = vector.broadcast %broadcast_in_dim3A : f32 to vector<16xf32>
    %scan3A = arith.constant 0 : i32
    %scan3A_1 = arith.constant 80 : i32
    %scan3A_2 = arith.addi %scan3A, %scan3A_1 : i32
    %scan3A_3 = arith.constant 1 : i32
    scf.for %scan3A_255 = %scan3A to %scan3A_2 step %scan3A_3  : i32 {
      %mul3A = arith.constant 1 : i32
      %mul3A_256 = arith.muli %scan3A_255, %mul3A : i32
      %add3A = arith.constant 0 : i32
      %add3A_257 = arith.addi %add3A, %mul3A_256 : i32
      %swap3A = arith.constant 0 : i32
      %swap3A_258 = arith.index_cast %swap3A : i32 to index
      %swap3A_259 = arith.index_cast %add3A_257 : i32 to index
      %swap3A_260 = arith.constant 0 : index
      %swap3A_261 = tpu.vector_load %arg14[%swap3A_258, %swap3A_259, %swap3A_260] {strides = array<i32>} : memref<4x80x64xf32, #tpu.memory_space<vmem>>, vector<16xf32>,
      tpu.vector_store %arg14[%swap3A_258, %swap3A_259, %swap3A_260], %broadcast_in_dim3A_0 {strides = array<i32>} : memref<4x80x64xf32, #tpu.memory_space<vmem>>, vector<16xf32>,
      %swap3A_262 = arith.constant 0 : i32
      %swap3A_263 = arith.index_cast %swap3A_262 : i32 to index
      %swap3A_264 = arith.index_cast %add3A_257 : i32 to index
      %swap3A_265 = arith.constant 16 : index
      %swap3A_266 = tpu.vector_load %arg14[%swap3A_263, %swap3A_264, %swap3A_265] {strides = array<i32>} : memref<4x80x64xf32, #tpu.memory_space<vmem>>, vector<16xf32>,
      tpu.vector_store %arg14[%swap3A_263, %swap3A_264, %swap3A_265], %broadcast_in_dim3A_0 {strides = array<i32>} : memref<4x80x64xf32, #tpu.memory_space<vmem>>, vector<16xf32>,
      %swap3A_267 = arith.constant 0 : i32
      %swap3A_268 = arith.index_cast %swap3A_267 : i32 to index
      %swap3A_269 = arith.index_cast %add3A_257 : i32 to index
      %swap3A_270 = arith.constant 32 : index
      %swap3A_271 = tpu.vector_load %arg14[%swap3A_268, %swap3A_269, %swap3A_270] {strides = array<i32>} : memref<4x80x64xf32, #tpu.memory_space<vmem>>, vector<16xf32>,
      tpu.vector_store %arg14[%swap3A_268, %swap3A_269, %swap3A_270], %broadcast_in_dim3A_0 {strides = array<i32>} : memref<4x80x64xf32, #tpu.memory_space<vmem>>, vector<16xf32>,
      %swap3A_272 = arith.constant 0 : i32
      %swap3A_273 = arith.index_cast %swap3A_272 : i32 to index
      %swap3A_274 = arith.index_cast %add3A_257 : i32 to index
      %swap3A_275 = arith.constant 48 : index
      %swap3A_276 = tpu.vector_load %arg14[%swap3A_273, %swap3A_274, %swap3A_275] {strides = array<i32>} : memref<4x80x64xf32, #tpu.memory_space<vmem>>, vector<16xf32>,
      tpu.vector_store %arg14[%swap3A_273, %swap3A_274, %swap3A_275], %broadcast_in_dim3A_0 {strides = array<i32>} : memref<4x80x64xf32, #tpu.memory_space<vmem>>, vector<16xf32>,
    }
    %scan3A_4 = arith.constant 80 : i32
    %scan3A_5 = arith.constant 0 : i32
    %scan3A_6 = arith.constant 125 : i32
    %scan3A_7 = arith.addi %scan3A_5, %scan3A_6 : i32
    %scan3A_8 = arith.constant 1 : i32
    scf.for %scan3A_255 = %scan3A_5 to %scan3A_7 step %scan3A_8  : i32 {
      %mul3A = arith.constant 1 : i32
      %mul3A_256 = arith.muli %scan3A_255, %mul3A : i32
      %add3A = arith.constant 0 : i32
      %add3A_257 = arith.addi %add3A, %mul3A_256 : i32
      %mul3A_258 = arith.constant 16 : i32
      %mul3A_259 = arith.muli %add3A_257, %mul3A_258 : i32
      %swap3A = arith.index_cast %mul3A_259 : i32 to index
      %swap3A_260 = tpu.vector_load %arg15[%swap3A] {strides = array<i32>} : memref<2000xf32, #tpu.memory_space<vmem>>, vector<16xf32>,
      tpu.vector_store %arg15[%swap3A], %broadcast_in_dim3A_0 {strides = array<i32>} : memref<2000xf32, #tpu.memory_space<vmem>>, vector<16xf32>,
    }
    %scan3A_9 = arith.constant 125 : i32
    %lt3A = arith.constant 10 : i32
    %lt3A_10 = arith.cmpi slt, %arg1, %lt3A : i32
    %convert_element_type3A = arith.extui %lt3A_10 : i1 to i32
    %cond3A = arith.constant 0 : i32
    %cond3A_11 = arith.cmpi ne, %convert_element_type3A, %cond3A : i32
    scf.if %cond3A_11 {
      %mul3A = arith.constant 1000 : i32
      %mul3A_255 = arith.muli %arg1, %mul3A : i32
      %add3A = arith.constant 0 : i32
      %add3A_256 = arith.addi %mul3A_255, %add3A : i32
      %run_scoped3A = arith.constant 0 : i32
      "tpu.region"() ({
        %run_scoped3A_294 = tpu.sem_alloc : memref<!tpu.dma_semaphore, #tpu.memory_space<semaphore_mem>>
        %dma_start3A_295 = arith.constant 0 : i32
        %dma_start3A_296 = arith.constant 0 : i32
        %dma_start3A_297 = tpu.memref_slice %arg14[%run_scoped3A, %dma_start3A_295, %dma_start3A_296] : memref<4x80x64xf32, #tpu.memory_space<vmem>> -> memref<1x80x64xf32, #tpu.memory_space<vmem>>
        %dma_start3A_298 = tpu.memref_squeeze %dma_start3A_297 : memref<1x80x64xf32, #tpu.memory_space<vmem>> -> memref<80x64xf32, #tpu.memory_space<vmem>>
        %dma_start3A_299 = arith.constant 0 : i32
        %dma_start3A_300 = tpu.memref_slice %arg17[%add3A_256, %dma_start3A_299] : memref<10000x64xf32, #tpu.memory_space<vmem_shared>> -> memref<80x64xf32, #tpu.memory_space<vmem_shared>>
        %dma_start3A_301 = arith.constant 0 : i32
        %dma_start3A_302 = tpu.memref_slice %arg17[%add3A_256, %dma_start3A_301] : memref<10000x64xf32, #tpu.memory_space<vmem_shared>> -> memref<80x64xf32, #tpu.memory_space<vmem_shared>>
        %dma_start3A_303 = arith.constant 0 : i32
        %dma_start3A_304 = arith.constant 0 : i32
        %dma_start3A_305 = tpu.memref_slice %arg14[%run_scoped3A, %dma_start3A_303, %dma_start3A_304] : memref<4x80x64xf32, #tpu.memory_space<vmem>> -> memref<1x80x64xf32, #tpu.memory_space<vmem>>
        %dma_start3A_306 = tpu.memref_squeeze %dma_start3A_305 : memref<1x80x64xf32, #tpu.memory_space<vmem>> -> memref<80x64xf32, #tpu.memory_space<vmem>>
        tpu.enqueue_dma source(%dma_start3A_306 : memref<80x64xf32, #tpu.memory_space<vmem>>) target(%dma_start3A_302 : memref<80x64xf32, #tpu.memory_space<vmem_shared>>) target_semaphore(%run_scoped3A_294 : memref<!tpu.dma_semaphore, #tpu.memory_space<semaphore_mem>>)
        %dma_wait3A_307 = arith.constant 0 : i32
        %dma_wait3A_308 = arith.constant 0 : i32
        %dma_wait3A_309 = tpu.memref_slice %arg14[%run_scoped3A, %dma_wait3A_307, %dma_wait3A_308] : memref<4x80x64xf32, #tpu.memory_space<vmem>> -> memref<1x80x64xf32, #tpu.memory_space<vmem>>
        %dma_wait3A_310 = tpu.memref_squeeze %dma_wait3A_309 : memref<1x80x64xf32, #tpu.memory_space<vmem>> -> memref<80x64xf32, #tpu.memory_space<vmem>>
        %dma_wait3A_311 = arith.constant 0 : i32
        %dma_wait3A_312 = tpu.memref_slice %arg17[%add3A_256, %dma_wait3A_311] : memref<10000x64xf32, #tpu.memory_space<vmem_shared>> -> memref<80x64xf32, #tpu.memory_space<vmem_shared>>
        %dma_wait3A_313 = arith.constant 0 : i32
        %dma_wait3A_314 = tpu.memref_slice %arg17[%add3A_256, %dma_wait3A_313] : memref<10000x64xf32, #tpu.memory_space<vmem_shared>> -> memref<80x64xf32, #tpu.memory_space<vmem_shared>>
        %dma_wait3A_315 = arith.constant 0 : i32
        %dma_wait3A_316 = arith.constant 0 : i32
        %dma_wait3A_317 = tpu.memref_slice %arg14[%run_scoped3A, %dma_wait3A_315, %dma_wait3A_316] : memref<4x80x64xf32, #tpu.memory_space<vmem>> -> memref<1x80x64xf32, #tpu.memory_space<vmem>>
        %dma_wait3A_318 = tpu.memref_squeeze %dma_wait3A_317 : memref<1x80x64xf32, #tpu.memory_space<vmem>> -> memref<80x64xf32, #tpu.memory_space<vmem>>
        tpu.wait_dma2 semaphore(%run_scoped3A_294 : memref<!tpu.dma_semaphore, #tpu.memory_space<semaphore_mem>>) src(%dma_wait3A_318 : memref<80x64xf32, #tpu.memory_space<vmem>>) dst(%dma_wait3A_314 : memref<80x64xf32, #tpu.memory_space<vmem_shared>>)
        tpu.yield
      }) : () -> ()
      %add3A_257 = arith.constant 80 : i32
      %add3A_258 = arith.addi %mul3A_255, %add3A_257 : i32
      %run_scoped3A_259 = arith.constant 0 : i32
      "tpu.region"() ({
        %run_scoped3A_294 = tpu.sem_alloc : memref<!tpu.dma_semaphore, #tpu.memory_space<semaphore_mem>>
        %dma_start3A_295 = arith.constant 0 : i32
        %dma_start3A_296 = arith.constant 0 : i32
        %dma_start3A_297 = tpu.memref_slice %arg14[%run_scoped3A_259, %dma_start3A_295, %dma_start3A_296] : memref<4x80x64xf32, #tpu.memory_space<vmem>> -> memref<1x80x64xf32, #tpu.memory_space<vmem>>
        %dma_start3A_298 = tpu.memref_squeeze %dma_start3A_297 : memref<1x80x64xf32, #tpu.memory_space<vmem>> -> memref<80x64xf32, #tpu.memory_space<vmem>>
        %dma_start3A_299 = arith.constant 0 : i32
        %dma_start3A_300 = tpu.memref_slice %arg17[%add3A_258, %dma_start3A_299] : memref<10000x64xf32, #tpu.memory_space<vmem_shared>> -> memref<80x64xf32, #tpu.memory_space<vmem_shared>>
        %dma_start3A_301 = arith.constant 0 : i32
        %dma_start3A_302 = tpu.memref_slice %arg17[%add3A_258, %dma_start3A_301] : memref<10000x64xf32, #tpu.memory_space<vmem_shared>> -> memref<80x64xf32, #tpu.memory_space<vmem_shared>>
        %dma_start3A_303 = arith.constant 0 : i32
        %dma_start3A_304 = arith.constant 0 : i32
        %dma_start3A_305 = tpu.memref_slice %arg14[%run_scoped3A_259, %dma_start3A_303, %dma_start3A_304] : memref<4x80x64xf32, #tpu.memory_space<vmem>> -> memref<1x80x64xf32, #tpu.memory_space<vmem>>
        %dma_start3A_306 = tpu.memref_squeeze %dma_start3A_305 : memref<1x80x64xf32, #tpu.memory_space<vmem>> -> memref<80x64xf32, #tpu.memory_space<vmem>>
        tpu.enqueue_dma source(%dma_start3A_306 : memref<80x64xf32, #tpu.memory_space<vmem>>) target(%dma_start3A_302 : memref<80x64xf32, #tpu.memory_space<vmem_shared>>) target_semaphore(%run_scoped3A_294 : memref<!tpu.dma_semaphore, #tpu.memory_space<semaphore_mem>>)
        %dma_wait3A_307 = arith.constant 0 : i32
        %dma_wait3A_308 = arith.constant 0 : i32
        %dma_wait3A_309 = tpu.memref_slice %arg14[%run_scoped3A_259, %dma_wait3A_307, %dma_wait3A_308] : memref<4x80x64xf32, #tpu.memory_space<vmem>> -> memref<1x80x64xf32, #tpu.memory_space<vmem>>
        %dma_wait3A_310 = tpu.memref_squeeze %dma_wait3A_309 : memref<1x80x64xf32, #tpu.memory_space<vmem>> -> memref<80x64xf32, #tpu.memory_space<vmem>>
        %dma_wait3A_311 = arith.constant 0 : i32
        %dma_wait3A_312 = tpu.memref_slice %arg17[%add3A_258, %dma_wait3A_311] : memref<10000x64xf32, #tpu.memory_space<vmem_shared>> -> memref<80x64xf32, #tpu.memory_space<vmem_shared>>
        %dma_wait3A_313 = arith.constant 0 : i32
        %dma_wait3A_314 = tpu.memref_slice %arg17[%add3A_258, %dma_wait3A_313] : memref<10000x64xf32, #tpu.memory_space<vmem_shared>> -> memref<80x64xf32, #tpu.memory_space<vmem_shared>>
        %dma_wait3A_315 = arith.constant 0 : i32
        %dma_wait3A_316 = arith.constant 0 : i32
        %dma_wait3A_317 = tpu.memref_slice %arg14[%run_scoped3A_259, %dma_wait3A_315, %dma_wait3A_316] : memref<4x80x64xf32, #tpu.memory_space<vmem>> -> memref<1x80x64xf32, #tpu.memory_space<vmem>>
        %dma_wait3A_318 = tpu.memref_squeeze %dma_wait3A_317 : memref<1x80x64xf32, #tpu.memory_space<vmem>> -> memref<80x64xf32, #tpu.memory_space<vmem>>
        tpu.wait_dma2 semaphore(%run_scoped3A_294 : memref<!tpu.dma_semaphore, #tpu.memory_space<semaphore_mem>>) src(%dma_wait3A_318 : memref<80x64xf32, #tpu.memory_space<vmem>>) dst(%dma_wait3A_314 : memref<80x64xf32, #tpu.memory_space<vmem_shared>>)
        tpu.yield
      }) : () -> ()
      %add3A_260 = arith.constant 160 : i32
      %add3A_261 = arith.addi %mul3A_255, %add3A_260 : i32
      %run_scoped3A_262 = arith.constant 0 : i32
      "tpu.region"() ({
        %run_scoped3A_294 = tpu.sem_alloc : memref<!tpu.dma_semaphore, #tpu.memory_space<semaphore_mem>>
        %dma_start3A_295 = arith.constant 0 : i32
        %dma_start3A_296 = arith.constant 0 : i32
        %dma_start3A_297 = tpu.memref_slice %arg14[%run_scoped3A_262, %dma_start3A_295, %dma_start3A_296] : memref<4x80x64xf32, #tpu.memory_space<vmem>> -> memref<1x80x64xf32, #tpu.memory_space<vmem>>
        %dma_start3A_298 = tpu.memref_squeeze %dma_start3A_297 : memref<1x80x64xf32, #tpu.memory_space<vmem>> -> memref<80x64xf32, #tpu.memory_space<vmem>>
        %dma_start3A_299 = arith.constant 0 : i32
        %dma_start3A_300 = tpu.memref_slice %arg17[%add3A_261, %dma_start3A_299] : memref<10000x64xf32, #tpu.memory_space<vmem_shared>> -> memref<80x64xf32, #tpu.memory_space<vmem_shared>>
        %dma_start3A_301 = arith.constant 0 : i32
        %dma_start3A_302 = tpu.memref_slice %arg17[%add3A_261, %dma_start3A_301] : memref<10000x64xf32, #tpu.memory_space<vmem_shared>> -> memref<80x64xf32, #tpu.memory_space<vmem_shared>>
        %dma_start3A_303 = arith.constant 0 : i32
        %dma_start3A_304 = arith.constant 0 : i32
        %dma_start3A_305 = tpu.memref_slice %arg14[%run_scoped3A_262, %dma_start3A_303, %dma_start3A_304] : memref<4x80x64xf32, #tpu.memory_space<vmem>> -> memref<1x80x64xf32, #tpu.memory_space<vmem>>
        %dma_start3A_306 = tpu.memref_squeeze %dma_start3A_305 : memref<1x80x64xf32, #tpu.memory_space<vmem>> -> memref<80x64xf32, #tpu.memory_space<vmem>>
        tpu.enqueue_dma source(%dma_start3A_306 : memref<80x64xf32, #tpu.memory_space<vmem>>) target(%dma_start3A_302 : memref<80x64xf32, #tpu.memory_space<vmem_shared>>) target_semaphore(%run_scoped3A_294 : memref<!tpu.dma_semaphore, #tpu.memory_space<semaphore_mem>>)
        %dma_wait3A_307 = arith.constant 0 : i32
        %dma_wait3A_308 = arith.constant 0 : i32
        %dma_wait3A_309 = tpu.memref_slice %arg14[%run_scoped3A_262, %dma_wait3A_307, %dma_wait3A_308] : memref<4x80x64xf32, #tpu.memory_space<vmem>> -> memref<1x80x64xf32, #tpu.memory_space<vmem>>
        %dma_wait3A_310 = tpu.memref_squeeze %dma_wait3A_309 : memref<1x80x64xf32, #tpu.memory_space<vmem>> -> memref<80x64xf32, #tpu.memory_space<vmem>>
        %dma_wait3A_311 = arith.constant 0 : i32
        %dma_wait3A_312 = tpu.memref_slice %arg17[%add3A_261, %dma_wait3A_311] : memref<10000x64xf32, #tpu.memory_space<vmem_shared>> -> memref<80x64xf32, #tpu.memory_space<vmem_shared>>
        %dma_wait3A_313 = arith.constant 0 : i32
        %dma_wait3A_314 = tpu.memref_slice %arg17[%add3A_261, %dma_wait3A_313] : memref<10000x64xf32, #tpu.memory_space<vmem_shared>> -> memref<80x64xf32, #tpu.memory_space<vmem_shared>>
        %dma_wait3A_315 = arith.constant 0 : i32
        %dma_wait3A_316 = arith.constant 0 : i32
        %dma_wait3A_317 = tpu.memref_slice %arg14[%run_scoped3A_262, %dma_wait3A_315, %dma_wait3A_316] : memref<4x80x64xf32, #tpu.memory_space<vmem>> -> memref<1x80x64xf32, #tpu.memory_space<vmem>>
        %dma_wait3A_318 = tpu.memref_squeeze %dma_wait3A_317 : memref<1x80x64xf32, #tpu.memory_space<vmem>> -> memref<80x64xf32, #tpu.memory_space<vmem>>
        tpu.wait_dma2 semaphore(%run_scoped3A_294 : memref<!tpu.dma_semaphore, #tpu.memory_space<semaphore_mem>>) src(%dma_wait3A_318 : memref<80x64xf32, #tpu.memory_space<vmem>>) dst(%dma_wait3A_314 : memref<80x64xf32, #tpu.memory_space<vmem_shared>>)
        tpu.yield
      }) : () -> ()
      %add3A_263 = arith.constant 240 : i32
      %add3A_264 = arith.addi %mul3A_255, %add3A_263 : i32
      %run_scoped3A_265 = arith.constant 0 : i32
      "tpu.region"() ({
        %run_scoped3A_294 = tpu.sem_alloc : memref<!tpu.dma_semaphore, #tpu.memory_space<semaphore_mem>>
        %dma_start3A_295 = arith.constant 0 : i32
        %dma_start3A_296 = arith.constant 0 : i32
        %dma_start3A_297 = tpu.memref_slice %arg14[%run_scoped3A_265, %dma_start3A_295, %dma_start3A_296] : memref<4x80x64xf32, #tpu.memory_space<vmem>> -> memref<1x80x64xf32, #tpu.memory_space<vmem>>
        %dma_start3A_298 = tpu.memref_squeeze %dma_start3A_297 : memref<1x80x64xf32, #tpu.memory_space<vmem>> -> memref<80x64xf32, #tpu.memory_space<vmem>>
        %dma_start3A_299 = arith.constant 0 : i32
        %dma_start3A_300 = tpu.memref_slice %arg17[%add3A_264, %dma_start3A_299] : memref<10000x64xf32, #tpu.memory_space<vmem_shared>> -> memref<80x64xf32, #tpu.memory_space<vmem_shared>>
        %dma_start3A_301 = arith.constant 0 : i32
        %dma_start3A_302 = tpu.memref_slice %arg17[%add3A_264, %dma_start3A_301] : memref<10000x64xf32, #tpu.memory_space<vmem_shared>> -> memref<80x64xf32, #tpu.memory_space<vmem_shared>>
        %dma_start3A_303 = arith.constant 0 : i32
        %dma_start3A_304 = arith.constant 0 : i32
        %dma_start3A_305 = tpu.memref_slice %arg14[%run_scoped3A_265, %dma_start3A_303, %dma_start3A_304] : memref<4x80x64xf32, #tpu.memory_space<vmem>> -> memref<1x80x64xf32, #tpu.memory_space<vmem>>
        %dma_start3A_306 = tpu.memref_squeeze %dma_start3A_305 : memref<1x80x64xf32, #tpu.memory_space<vmem>> -> memref<80x64xf32, #tpu.memory_space<vmem>>
        tpu.enqueue_dma source(%dma_start3A_306 : memref<80x64xf32, #tpu.memory_space<vmem>>) target(%dma_start3A_302 : memref<80x64xf32, #tpu.memory_space<vmem_shared>>) target_semaphore(%run_scoped3A_294 : memref<!tpu.dma_semaphore, #tpu.memory_space<semaphore_mem>>)
        %dma_wait3A_307 = arith.constant 0 : i32
        %dma_wait3A_308 = arith.constant 0 : i32
        %dma_wait3A_309 = tpu.memref_slice %arg14[%run_scoped3A_265, %dma_wait3A_307, %dma_wait3A_308] : memref<4x80x64xf32, #tpu.memory_space<vmem>> -> memref<1x80x64xf32, #tpu.memory_space<vmem>>
        %dma_wait3A_310 = tpu.memref_squeeze %dma_wait3A_309 : memref<1x80x64xf32, #tpu.memory_space<vmem>> -> memref<80x64xf32, #tpu.memory_space<vmem>>
        %dma_wait3A_311 = arith.constant 0 : i32
        %dma_wait3A_312 = tpu.memref_slice %arg17[%add3A_264, %dma_wait3A_311] : memref<10000x64xf32, #tpu.memory_space<vmem_shared>> -> memref<80x64xf32, #tpu.memory_space<vmem_shared>>
        %dma_wait3A_313 = arith.constant 0 : i32
        %dma_wait3A_314 = tpu.memref_slice %arg17[%add3A_264, %dma_wait3A_313] : memref<10000x64xf32, #tpu.memory_space<vmem_shared>> -> memref<80x64xf32, #tpu.memory_space<vmem_shared>>
        %dma_wait3A_315 = arith.constant 0 : i32
        %dma_wait3A_316 = arith.constant 0 : i32
        %dma_wait3A_317 = tpu.memref_slice %arg14[%run_scoped3A_265, %dma_wait3A_315, %dma_wait3A_316] : memref<4x80x64xf32, #tpu.memory_space<vmem>> -> memref<1x80x64xf32, #tpu.memory_space<vmem>>
        %dma_wait3A_318 = tpu.memref_squeeze %dma_wait3A_317 : memref<1x80x64xf32, #tpu.memory_space<vmem>> -> memref<80x64xf32, #tpu.memory_space<vmem>>
        tpu.wait_dma2 semaphore(%run_scoped3A_294 : memref<!tpu.dma_semaphore, #tpu.memory_space<semaphore_mem>>) src(%dma_wait3A_318 : memref<80x64xf32, #tpu.memory_space<vmem>>) dst(%dma_wait3A_314 : memref<80x64xf32, #tpu.memory_space<vmem_shared>>)
        tpu.yield
      }) : () -> ()
      %add3A_266 = arith.constant 320 : i32
      %add3A_267 = arith.addi %mul3A_255, %add3A_266 : i32
      %run_scoped3A_268 = arith.constant 0 : i32
      "tpu.region"() ({
        %run_scoped3A_294 = tpu.sem_alloc : memref<!tpu.dma_semaphore, #tpu.memory_space<semaphore_mem>>
        %dma_start3A_295 = arith.constant 0 : i32
        %dma_start3A_296 = arith.constant 0 : i32
        %dma_start3A_297 = tpu.memref_slice %arg14[%run_scoped3A_268, %dma_start3A_295, %dma_start3A_296] : memref<4x80x64xf32, #tpu.memory_space<vmem>> -> memref<1x80x64xf32, #tpu.memory_space<vmem>>
        %dma_start3A_298 = tpu.memref_squeeze %dma_start3A_297 : memref<1x80x64xf32, #tpu.memory_space<vmem>> -> memref<80x64xf32, #tpu.memory_space<vmem>>
        %dma_start3A_299 = arith.constant 0 : i32
        %dma_start3A_300 = tpu.memref_slice %arg17[%add3A_267, %dma_start3A_299] : memref<10000x64xf32, #tpu.memory_space<vmem_shared>> -> memref<80x64xf32, #tpu.memory_space<vmem_shared>>
        %dma_start3A_301 = arith.constant 0 : i32
        %dma_start3A_302 = tpu.memref_slice %arg17[%add3A_267, %dma_start3A_301] : memref<10000x64xf32, #tpu.memory_space<vmem_shared>> -> memref<80x64xf32, #tpu.memory_space<vmem_shared>>
        %dma_start3A_303 = arith.constant 0 : i32
        %dma_start3A_304 = arith.constant 0 : i32
        %dma_start3A_305 = tpu.memref_slice %arg14[%run_scoped3A_268, %dma_start3A_303, %dma_start3A_304] : memref<4x80x64xf32, #tpu.memory_space<vmem>> -> memref<1x80x64xf32, #tpu.memory_space<vmem>>
        %dma_start3A_306 = tpu.memref_squeeze %dma_start3A_305 : memref<1x80x64xf32, #tpu.memory_space<vmem>> -> memref<80x64xf32, #tpu.memory_space<vmem>>
        tpu.enqueue_dma source(%dma_start3A_306 : memref<80x64xf32, #tpu.memory_space<vmem>>) target(%dma_start3A_302 : memref<80x64xf32, #tpu.memory_space<vmem_shared>>) target_semaphore(%run_scoped3A_294 : memref<!tpu.dma_semaphore, #tpu.memory_space<semaphore_mem>>)
        %dma_wait3A_307 = arith.constant 0 : i32
        %dma_wait3A_308 = arith.constant 0 : i32
        %dma_wait3A_309 = tpu.memref_slice %arg14[%run_scoped3A_268, %dma_wait3A_307, %dma_wait3A_308] : memref<4x80x64xf32, #tpu.memory_space<vmem>> -> memref<1x80x64xf32, #tpu.memory_space<vmem>>
        %dma_wait3A_310 = tpu.memref_squeeze %dma_wait3A_309 : memref<1x80x64xf32, #tpu.memory_space<vmem>> -> memref<80x64xf32, #tpu.memory_space<vmem>>
        %dma_wait3A_311 = arith.constant 0 : i32
        %dma_wait3A_312 = tpu.memref_slice %arg17[%add3A_267, %dma_wait3A_311] : memref<10000x64xf32, #tpu.memory_space<vmem_shared>> -> memref<80x64xf32, #tpu.memory_space<vmem_shared>>
        %dma_wait3A_313 = arith.constant 0 : i32
        %dma_wait3A_314 = tpu.memref_slice %arg17[%add3A_267, %dma_wait3A_313] : memref<10000x64xf32, #tpu.memory_space<vmem_shared>> -> memref<80x64xf32, #tpu.memory_space<vmem_shared>>
        %dma_wait3A_315 = arith.constant 0 : i32
        %dma_wait3A_316 = arith.constant 0 : i32
        %dma_wait3A_317 = tpu.memref_slice %arg14[%run_scoped3A_268, %dma_wait3A_315, %dma_wait3A_316] : memref<4x80x64xf32, #tpu.memory_space<vmem>> -> memref<1x80x64xf32, #tpu.memory_space<vmem>>
        %dma_wait3A_318 = tpu.memref_squeeze %dma_wait3A_317 : memref<1x80x64xf32, #tpu.memory_space<vmem>> -> memref<80x64xf32, #tpu.memory_space<vmem>>
        tpu.wait_dma2 semaphore(%run_scoped3A_294 : memref<!tpu.dma_semaphore, #tpu.memory_space<semaphore_mem>>) src(%dma_wait3A_318 : memref<80x64xf32, #tpu.memory_space<vmem>>) dst(%dma_wait3A_314 : memref<80x64xf32, #tpu.memory_space<vmem_shared>>)
        tpu.yield
      }) : () -> ()
      %add3A_269 = arith.constant 400 : i32
      %add3A_270 = arith.addi %mul3A_255, %add3A_269 : i32
      %run_scoped3A_271 = arith.constant 0 : i32
      "tpu.region"() ({
        %run_scoped3A_294 = tpu.sem_alloc : memref<!tpu.dma_semaphore, #tpu.memory_space<semaphore_mem>>
        %dma_start3A_295 = arith.constant 0 : i32
        %dma_start3A_296 = arith.constant 0 : i32
        %dma_start3A_297 = tpu.memref_slice %arg14[%run_scoped3A_271, %dma_start3A_295, %dma_start3A_296] : memref<4x80x64xf32, #tpu.memory_space<vmem>> -> memref<1x80x64xf32, #tpu.memory_space<vmem>>
        %dma_start3A_298 = tpu.memref_squeeze %dma_start3A_297 : memref<1x80x64xf32, #tpu.memory_space<vmem>> -> memref<80x64xf32, #tpu.memory_space<vmem>>
        %dma_start3A_299 = arith.constant 0 : i32
        %dma_start3A_300 = tpu.memref_slice %arg17[%add3A_270, %dma_start3A_299] : memref<10000x64xf32, #tpu.memory_space<vmem_shared>> -> memref<80x64xf32, #tpu.memory_space<vmem_shared>>
        %dma_start3A_301 = arith.constant 0 : i32
        %dma_start3A_302 = tpu.memref_slice %arg17[%add3A_270, %dma_start3A_301] : memref<10000x64xf32, #tpu.memory_space<vmem_shared>> -> memref<80x64xf32, #tpu.memory_space<vmem_shared>>
        %dma_start3A_303 = arith.constant 0 : i32
        %dma_start3A_304 = arith.constant 0 : i32
        %dma_start3A_305 = tpu.memref_slice %arg14[%run_scoped3A_271, %dma_start3A_303, %dma_start3A_304] : memref<4x80x64xf32, #tpu.memory_space<vmem>> -> memref<1x80x64xf32, #tpu.memory_space<vmem>>
        %dma_start3A_306 = tpu.memref_squeeze %dma_start3A_305 : memref<1x80x64xf32, #tpu.memory_space<vmem>> -> memref<80x64xf32, #tpu.memory_space<vmem>>
        tpu.enqueue_dma source(%dma_start3A_306 : memref<80x64xf32, #tpu.memory_space<vmem>>) target(%dma_start3A_302 : memref<80x64xf32, #tpu.memory_space<vmem_shared>>) target_semaphore(%run_scoped3A_294 : memref<!tpu.dma_semaphore, #tpu.memory_space<semaphore_mem>>)
        %dma_wait3A_307 = arith.constant 0 : i32
        %dma_wait3A_308 = arith.constant 0 : i32
        %dma_wait3A_309 = tpu.memref_slice %arg14[%run_scoped3A_271, %dma_wait3A_307, %dma_wait3A_308] : memref<4x80x64xf32, #tpu.memory_space<vmem>> -> memref<1x80x64xf32, #tpu.memory_space<vmem>>
        %dma_wait3A_310 = tpu.memref_squeeze %dma_wait3A_309 : memref<1x80x64xf32, #tpu.memory_space<vmem>> -> memref<80x64xf32, #tpu.memory_space<vmem>>
        %dma_wait3A_311 = arith.constant 0 : i32
        %dma_wait3A_312 = tpu.memref_slice %arg17[%add3A_270, %dma_wait3A_311] : memref<10000x64xf32, #tpu.memory_space<vmem_shared>> -> memref<80x64xf32, #tpu.memory_space<vmem_shared>>
        %dma_wait3A_313 = arith.constant 0 : i32
        %dma_wait3A_314 = tpu.memref_slice %arg17[%add3A_270, %dma_wait3A_313] : memref<10000x64xf32, #tpu.memory_space<vmem_shared>> -> memref<80x64xf32, #tpu.memory_space<vmem_shared>>
        %dma_wait3A_315 = arith.constant 0 : i32
        %dma_wait3A_316 = arith.constant 0 : i32
        %dma_wait3A_317 = tpu.memref_slice %arg14[%run_scoped3A_271, %dma_wait3A_315, %dma_wait3A_316] : memref<4x80x64xf32, #tpu.memory_space<vmem>> -> memref<1x80x64xf32, #tpu.memory_space<vmem>>
        %dma_wait3A_318 = tpu.memref_squeeze %dma_wait3A_317 : memref<1x80x64xf32, #tpu.memory_space<vmem>> -> memref<80x64xf32, #tpu.memory_space<vmem>>
        tpu.wait_dma2 semaphore(%run_scoped3A_294 : memref<!tpu.dma_semaphore, #tpu.memory_space<semaphore_mem>>) src(%dma_wait3A_318 : memref<80x64xf32, #tpu.memory_space<vmem>>) dst(%dma_wait3A_314 : memref<80x64xf32, #tpu.memory_space<vmem_shared>>)
        tpu.yield
      }) : () -> ()
      %add3A_272 = arith.constant 480 : i32
      %add3A_273 = arith.addi %mul3A_255, %add3A_272 : i32
      %run_scoped3A_274 = arith.constant 0 : i32
      "tpu.region"() ({
        %run_scoped3A_294 = tpu.sem_alloc : memref<!tpu.dma_semaphore, #tpu.memory_space<semaphore_mem>>
        %dma_start3A_295 = arith.constant 0 : i32
        %dma_start3A_296 = arith.constant 0 : i32
        %dma_start3A_297 = tpu.memref_slice %arg14[%run_scoped3A_274, %dma_start3A_295, %dma_start3A_296] : memref<4x80x64xf32, #tpu.memory_space<vmem>> -> memref<1x80x64xf32, #tpu.memory_space<vmem>>
        %dma_start3A_298 = tpu.memref_squeeze %dma_start3A_297 : memref<1x80x64xf32, #tpu.memory_space<vmem>> -> memref<80x64xf32, #tpu.memory_space<vmem>>
        %dma_start3A_299 = arith.constant 0 : i32
        %dma_start3A_300 = tpu.memref_slice %arg17[%add3A_273, %dma_start3A_299] : memref<10000x64xf32, #tpu.memory_space<vmem_shared>> -> memref<80x64xf32, #tpu.memory_space<vmem_shared>>
        %dma_start3A_301 = arith.constant 0 : i32
        %dma_start3A_302 = tpu.memref_slice %arg17[%add3A_273, %dma_start3A_301] : memref<10000x64xf32, #tpu.memory_space<vmem_shared>> -> memref<80x64xf32, #tpu.memory_space<vmem_shared>>
        %dma_start3A_303 = arith.constant 0 : i32
        %dma_start3A_304 = arith.constant 0 : i32
        %dma_start3A_305 = tpu.memref_slice %arg14[%run_scoped3A_274, %dma_start3A_303, %dma_start3A_304] : memref<4x80x64xf32, #tpu.memory_space<vmem>> -> memref<1x80x64xf32, #tpu.memory_space<vmem>>
        %dma_start3A_306 = tpu.memref_squeeze %dma_start3A_305 : memref<1x80x64xf32, #tpu.memory_space<vmem>> -> memref<80x64xf32, #tpu.memory_space<vmem>>
        tpu.enqueue_dma source(%dma_start3A_306 : memref<80x64xf32, #tpu.memory_space<vmem>>) target(%dma_start3A_302 : memref<80x64xf32, #tpu.memory_space<vmem_shared>>) target_semaphore(%run_scoped3A_294 : memref<!tpu.dma_semaphore, #tpu.memory_space<semaphore_mem>>)
        %dma_wait3A_307 = arith.constant 0 : i32
        %dma_wait3A_308 = arith.constant 0 : i32
        %dma_wait3A_309 = tpu.memref_slice %arg14[%run_scoped3A_274, %dma_wait3A_307, %dma_wait3A_308] : memref<4x80x64xf32, #tpu.memory_space<vmem>> -> memref<1x80x64xf32, #tpu.memory_space<vmem>>
        %dma_wait3A_310 = tpu.memref_squeeze %dma_wait3A_309 : memref<1x80x64xf32, #tpu.memory_space<vmem>> -> memref<80x64xf32, #tpu.memory_space<vmem>>
        %dma_wait3A_311 = arith.constant 0 : i32
        %dma_wait3A_312 = tpu.memref_slice %arg17[%add3A_273, %dma_wait3A_311] : memref<10000x64xf32, #tpu.memory_space<vmem_shared>> -> memref<80x64xf32, #tpu.memory_space<vmem_shared>>
        %dma_wait3A_313 = arith.constant 0 : i32
        %dma_wait3A_314 = tpu.memref_slice %arg17[%add3A_273, %dma_wait3A_313] : memref<10000x64xf32, #tpu.memory_space<vmem_shared>> -> memref<80x64xf32, #tpu.memory_space<vmem_shared>>
        %dma_wait3A_315 = arith.constant 0 : i32
        %dma_wait3A_316 = arith.constant 0 : i32
        %dma_wait3A_317 = tpu.memref_slice %arg14[%run_scoped3A_274, %dma_wait3A_315, %dma_wait3A_316] : memref<4x80x64xf32, #tpu.memory_space<vmem>> -> memref<1x80x64xf32, #tpu.memory_space<vmem>>
        %dma_wait3A_318 = tpu.memref_squeeze %dma_wait3A_317 : memref<1x80x64xf32, #tpu.memory_space<vmem>> -> memref<80x64xf32, #tpu.memory_space<vmem>>
        tpu.wait_dma2 semaphore(%run_scoped3A_294 : memref<!tpu.dma_semaphore, #tpu.memory_space<semaphore_mem>>) src(%dma_wait3A_318 : memref<80x64xf32, #tpu.memory_space<vmem>>) dst(%dma_wait3A_314 : memref<80x64xf32, #tpu.memory_space<vmem_shared>>)
        tpu.yield
      }) : () -> ()
      %add3A_275 = arith.constant 560 : i32
      %add3A_276 = arith.addi %mul3A_255, %add3A_275 : i32
      %run_scoped3A_277 = arith.constant 0 : i32
      "tpu.region"() ({
        %run_scoped3A_294 = tpu.sem_alloc : memref<!tpu.dma_semaphore, #tpu.memory_space<semaphore_mem>>
        %dma_start3A_295 = arith.constant 0 : i32
        %dma_start3A_296 = arith.constant 0 : i32
        %dma_start3A_297 = tpu.memref_slice %arg14[%run_scoped3A_277, %dma_start3A_295, %dma_start3A_296] : memref<4x80x64xf32, #tpu.memory_space<vmem>> -> memref<1x80x64xf32, #tpu.memory_space<vmem>>
        %dma_start3A_298 = tpu.memref_squeeze %dma_start3A_297 : memref<1x80x64xf32, #tpu.memory_space<vmem>> -> memref<80x64xf32, #tpu.memory_space<vmem>>
        %dma_start3A_299 = arith.constant 0 : i32
        %dma_start3A_300 = tpu.memref_slice %arg17[%add3A_276, %dma_start3A_299] : memref<10000x64xf32, #tpu.memory_space<vmem_shared>> -> memref<80x64xf32, #tpu.memory_space<vmem_shared>>
        %dma_start3A_301 = arith.constant 0 : i32
        %dma_start3A_302 = tpu.memref_slice %arg17[%add3A_276, %dma_start3A_301] : memref<10000x64xf32, #tpu.memory_space<vmem_shared>> -> memref<80x64xf32, #tpu.memory_space<vmem_shared>>
        %dma_start3A_303 = arith.constant 0 : i32
        %dma_start3A_304 = arith.constant 0 : i32
        %dma_start3A_305 = tpu.memref_slice %arg14[%run_scoped3A_277, %dma_start3A_303, %dma_start3A_304] : memref<4x80x64xf32, #tpu.memory_space<vmem>> -> memref<1x80x64xf32, #tpu.memory_space<vmem>>
        %dma_start3A_306 = tpu.memref_squeeze %dma_start3A_305 : memref<1x80x64xf32, #tpu.memory_space<vmem>> -> memref<80x64xf32, #tpu.memory_space<vmem>>
        tpu.enqueue_dma source(%dma_start3A_306 : memref<80x64xf32, #tpu.memory_space<vmem>>) target(%dma_start3A_302 : memref<80x64xf32, #tpu.memory_space<vmem_shared>>) target_semaphore(%run_scoped3A_294 : memref<!tpu.dma_semaphore, #tpu.memory_space<semaphore_mem>>)
        %dma_wait3A_307 = arith.constant 0 : i32
        %dma_wait3A_308 = arith.constant 0 : i32
        %dma_wait3A_309 = tpu.memref_slice %arg14[%run_scoped3A_277, %dma_wait3A_307, %dma_wait3A_308] : memref<4x80x64xf32, #tpu.memory_space<vmem>> -> memref<1x80x64xf32, #tpu.memory_space<vmem>>
        %dma_wait3A_310 = tpu.memref_squeeze %dma_wait3A_309 : memref<1x80x64xf32, #tpu.memory_space<vmem>> -> memref<80x64xf32, #tpu.memory_space<vmem>>
        %dma_wait3A_311 = arith.constant 0 : i32
        %dma_wait3A_312 = tpu.memref_slice %arg17[%add3A_276, %dma_wait3A_311] : memref<10000x64xf32, #tpu.memory_space<vmem_shared>> -> memref<80x64xf32, #tpu.memory_space<vmem_shared>>
        %dma_wait3A_313 = arith.constant 0 : i32
        %dma_wait3A_314 = tpu.memref_slice %arg17[%add3A_276, %dma_wait3A_313] : memref<10000x64xf32, #tpu.memory_space<vmem_shared>> -> memref<80x64xf32, #tpu.memory_space<vmem_shared>>
        %dma_wait3A_315 = arith.constant 0 : i32
        %dma_wait3A_316 = arith.constant 0 : i32
        %dma_wait3A_317 = tpu.memref_slice %arg14[%run_scoped3A_277, %dma_wait3A_315, %dma_wait3A_316] : memref<4x80x64xf32, #tpu.memory_space<vmem>> -> memref<1x80x64xf32, #tpu.memory_space<vmem>>
        %dma_wait3A_318 = tpu.memref_squeeze %dma_wait3A_317 : memref<1x80x64xf32, #tpu.memory_space<vmem>> -> memref<80x64xf32, #tpu.memory_space<vmem>>
        tpu.wait_dma2 semaphore(%run_scoped3A_294 : memref<!tpu.dma_semaphore, #tpu.memory_space<semaphore_mem>>) src(%dma_wait3A_318 : memref<80x64xf32, #tpu.memory_space<vmem>>) dst(%dma_wait3A_314 : memref<80x64xf32, #tpu.memory_space<vmem_shared>>)
        tpu.yield
      }) : () -> ()
      %add3A_278 = arith.constant 640 : i32
      %add3A_279 = arith.addi %mul3A_255, %add3A_278 : i32
      %run_scoped3A_280 = arith.constant 0 : i32
      "tpu.region"() ({
        %run_scoped3A_294 = tpu.sem_alloc : memref<!tpu.dma_semaphore, #tpu.memory_space<semaphore_mem>>
        %dma_start3A_295 = arith.constant 0 : i32
        %dma_start3A_296 = arith.constant 0 : i32
        %dma_start3A_297 = tpu.memref_slice %arg14[%run_scoped3A_280, %dma_start3A_295, %dma_start3A_296] : memref<4x80x64xf32, #tpu.memory_space<vmem>> -> memref<1x80x64xf32, #tpu.memory_space<vmem>>
        %dma_start3A_298 = tpu.memref_squeeze %dma_start3A_297 : memref<1x80x64xf32, #tpu.memory_space<vmem>> -> memref<80x64xf32, #tpu.memory_space<vmem>>
        %dma_start3A_299 = arith.constant 0 : i32
        %dma_start3A_300 = tpu.memref_slice %arg17[%add3A_279, %dma_start3A_299] : memref<10000x64xf32, #tpu.memory_space<vmem_shared>> -> memref<80x64xf32, #tpu.memory_space<vmem_shared>>
        %dma_start3A_301 = arith.constant 0 : i32
        %dma_start3A_302 = tpu.memref_slice %arg17[%add3A_279, %dma_start3A_301] : memref<10000x64xf32, #tpu.memory_space<vmem_shared>> -> memref<80x64xf32, #tpu.memory_space<vmem_shared>>
        %dma_start3A_303 = arith.constant 0 : i32
        %dma_start3A_304 = arith.constant 0 : i32
        %dma_start3A_305 = tpu.memref_slice %arg14[%run_scoped3A_280, %dma_start3A_303, %dma_start3A_304] : memref<4x80x64xf32, #tpu.memory_space<vmem>> -> memref<1x80x64xf32, #tpu.memory_space<vmem>>
        %dma_start3A_306 = tpu.memref_squeeze %dma_start3A_305 : memref<1x80x64xf32, #tpu.memory_space<vmem>> -> memref<80x64xf32, #tpu.memory_space<vmem>>
        tpu.enqueue_dma source(%dma_start3A_306 : memref<80x64xf32, #tpu.memory_space<vmem>>) target(%dma_start3A_302 : memref<80x64xf32, #tpu.memory_space<vmem_shared>>) target_semaphore(%run_scoped3A_294 : memref<!tpu.dma_semaphore, #tpu.memory_space<semaphore_mem>>)
        %dma_wait3A_307 = arith.constant 0 : i32
        %dma_wait3A_308 = arith.constant 0 : i32
        %dma_wait3A_309 = tpu.memref_slice %arg14[%run_scoped3A_280, %dma_wait3A_307, %dma_wait3A_308] : memref<4x80x64xf32, #tpu.memory_space<vmem>> -> memref<1x80x64xf32, #tpu.memory_space<vmem>>
        %dma_wait3A_310 = tpu.memref_squeeze %dma_wait3A_309 : memref<1x80x64xf32, #tpu.memory_space<vmem>> -> memref<80x64xf32, #tpu.memory_space<vmem>>
        %dma_wait3A_311 = arith.constant 0 : i32
        %dma_wait3A_312 = tpu.memref_slice %arg17[%add3A_279, %dma_wait3A_311] : memref<10000x64xf32, #tpu.memory_space<vmem_shared>> -> memref<80x64xf32, #tpu.memory_space<vmem_shared>>
        %dma_wait3A_313 = arith.constant 0 : i32
        %dma_wait3A_314 = tpu.memref_slice %arg17[%add3A_279, %dma_wait3A_313] : memref<10000x64xf32, #tpu.memory_space<vmem_shared>> -> memref<80x64xf32, #tpu.memory_space<vmem_shared>>
        %dma_wait3A_315 = arith.constant 0 : i32
        %dma_wait3A_316 = arith.constant 0 : i32
        %dma_wait3A_317 = tpu.memref_slice %arg14[%run_scoped3A_280, %dma_wait3A_315, %dma_wait3A_316] : memref<4x80x64xf32, #tpu.memory_space<vmem>> -> memref<1x80x64xf32, #tpu.memory_space<vmem>>
        %dma_wait3A_318 = tpu.memref_squeeze %dma_wait3A_317 : memref<1x80x64xf32, #tpu.memory_space<vmem>> -> memref<80x64xf32, #tpu.memory_space<vmem>>
        tpu.wait_dma2 semaphore(%run_scoped3A_294 : memref<!tpu.dma_semaphore, #tpu.memory_space<semaphore_mem>>) src(%dma_wait3A_318 : memref<80x64xf32, #tpu.memory_space<vmem>>) dst(%dma_wait3A_314 : memref<80x64xf32, #tpu.memory_space<vmem_shared>>)
        tpu.yield
      }) : () -> ()
      %add3A_281 = arith.constant 720 : i32
      %add3A_282 = arith.addi %mul3A_255, %add3A_281 : i32
      %run_scoped3A_283 = arith.constant 0 : i32
      "tpu.region"() ({
        %run_scoped3A_294 = tpu.sem_alloc : memref<!tpu.dma_semaphore, #tpu.memory_space<semaphore_mem>>
        %dma_start3A_295 = arith.constant 0 : i32
        %dma_start3A_296 = arith.constant 0 : i32
        %dma_start3A_297 = tpu.memref_slice %arg14[%run_scoped3A_283, %dma_start3A_295, %dma_start3A_296] : memref<4x80x64xf32, #tpu.memory_space<vmem>> -> memref<1x80x64xf32, #tpu.memory_space<vmem>>
        %dma_start3A_298 = tpu.memref_squeeze %dma_start3A_297 : memref<1x80x64xf32, #tpu.memory_space<vmem>> -> memref<80x64xf32, #tpu.memory_space<vmem>>
        %dma_start3A_299 = arith.constant 0 : i32
        %dma_start3A_300 = tpu.memref_slice %arg17[%add3A_282, %dma_start3A_299] : memref<10000x64xf32, #tpu.memory_space<vmem_shared>> -> memref<80x64xf32, #tpu.memory_space<vmem_shared>>
        %dma_start3A_301 = arith.constant 0 : i32
        %dma_start3A_302 = tpu.memref_slice %arg17[%add3A_282, %dma_start3A_301] : memref<10000x64xf32, #tpu.memory_space<vmem_shared>> -> memref<80x64xf32, #tpu.memory_space<vmem_shared>>
        %dma_start3A_303 = arith.constant 0 : i32
        %dma_start3A_304 = arith.constant 0 : i32
        %dma_start3A_305 = tpu.memref_slice %arg14[%run_scoped3A_283, %dma_start3A_303, %dma_start3A_304] : memref<4x80x64xf32, #tpu.memory_space<vmem>> -> memref<1x80x64xf32, #tpu.memory_space<vmem>>
        %dma_start3A_306 = tpu.memref_squeeze %dma_start3A_305 : memref<1x80x64xf32, #tpu.memory_space<vmem>> -> memref<80x64xf32, #tpu.memory_space<vmem>>
        tpu.enqueue_dma source(%dma_start3A_306 : memref<80x64xf32, #tpu.memory_space<vmem>>) target(%dma_start3A_302 : memref<80x64xf32, #tpu.memory_space<vmem_shared>>) target_semaphore(%run_scoped3A_294 : memref<!tpu.dma_semaphore, #tpu.memory_space<semaphore_mem>>)
        %dma_wait3A_307 = arith.constant 0 : i32
        %dma_wait3A_308 = arith.constant 0 : i32
        %dma_wait3A_309 = tpu.memref_slice %arg14[%run_scoped3A_283, %dma_wait3A_307, %dma_wait3A_308] : memref<4x80x64xf32, #tpu.memory_space<vmem>> -> memref<1x80x64xf32, #tpu.memory_space<vmem>>
        %dma_wait3A_310 = tpu.memref_squeeze %dma_wait3A_309 : memref<1x80x64xf32, #tpu.memory_space<vmem>> -> memref<80x64xf32, #tpu.memory_space<vmem>>
        %dma_wait3A_311 = arith.constant 0 : i32
        %dma_wait3A_312 = tpu.memref_slice %arg17[%add3A_282, %dma_wait3A_311] : memref<10000x64xf32, #tpu.memory_space<vmem_shared>> -> memref<80x64xf32, #tpu.memory_space<vmem_shared>>
        %dma_wait3A_313 = arith.constant 0 : i32
        %dma_wait3A_314 = tpu.memref_slice %arg17[%add3A_282, %dma_wait3A_313] : memref<10000x64xf32, #tpu.memory_space<vmem_shared>> -> memref<80x64xf32, #tpu.memory_space<vmem_shared>>
        %dma_wait3A_315 = arith.constant 0 : i32
        %dma_wait3A_316 = arith.constant 0 : i32
        %dma_wait3A_317 = tpu.memref_slice %arg14[%run_scoped3A_283, %dma_wait3A_315, %dma_wait3A_316] : memref<4x80x64xf32, #tpu.memory_space<vmem>> -> memref<1x80x64xf32, #tpu.memory_space<vmem>>
        %dma_wait3A_318 = tpu.memref_squeeze %dma_wait3A_317 : memref<1x80x64xf32, #tpu.memory_space<vmem>> -> memref<80x64xf32, #tpu.memory_space<vmem>>
        tpu.wait_dma2 semaphore(%run_scoped3A_294 : memref<!tpu.dma_semaphore, #tpu.memory_space<semaphore_mem>>) src(%dma_wait3A_318 : memref<80x64xf32, #tpu.memory_space<vmem>>) dst(%dma_wait3A_314 : memref<80x64xf32, #tpu.memory_space<vmem_shared>>)
        tpu.yield
      }) : () -> ()
      %add3A_284 = arith.constant 800 : i32
      %add3A_285 = arith.addi %mul3A_255, %add3A_284 : i32
      %run_scoped3A_286 = arith.constant 0 : i32
      "tpu.region"() ({
        %run_scoped3A_294 = tpu.sem_alloc : memref<!tpu.dma_semaphore, #tpu.memory_space<semaphore_mem>>
        %dma_start3A_295 = arith.constant 0 : i32
        %dma_start3A_296 = arith.constant 0 : i32
        %dma_start3A_297 = tpu.memref_slice %arg14[%run_scoped3A_286, %dma_start3A_295, %dma_start3A_296] : memref<4x80x64xf32, #tpu.memory_space<vmem>> -> memref<1x80x64xf32, #tpu.memory_space<vmem>>
        %dma_start3A_298 = tpu.memref_squeeze %dma_start3A_297 : memref<1x80x64xf32, #tpu.memory_space<vmem>> -> memref<80x64xf32, #tpu.memory_space<vmem>>
        %dma_start3A_299 = arith.constant 0 : i32
        %dma_start3A_300 = tpu.memref_slice %arg17[%add3A_285, %dma_start3A_299] : memref<10000x64xf32, #tpu.memory_space<vmem_shared>> -> memref<80x64xf32, #tpu.memory_space<vmem_shared>>
        %dma_start3A_301 = arith.constant 0 : i32
        %dma_start3A_302 = tpu.memref_slice %arg17[%add3A_285, %dma_start3A_301] : memref<10000x64xf32, #tpu.memory_space<vmem_shared>> -> memref<80x64xf32, #tpu.memory_space<vmem_shared>>
        %dma_start3A_303 = arith.constant 0 : i32
        %dma_start3A_304 = arith.constant 0 : i32
        %dma_start3A_305 = tpu.memref_slice %arg14[%run_scoped3A_286, %dma_start3A_303, %dma_start3A_304] : memref<4x80x64xf32, #tpu.memory_space<vmem>> -> memref<1x80x64xf32, #tpu.memory_space<vmem>>
        %dma_start3A_306 = tpu.memref_squeeze %dma_start3A_305 : memref<1x80x64xf32, #tpu.memory_space<vmem>> -> memref<80x64xf32, #tpu.memory_space<vmem>>
        tpu.enqueue_dma source(%dma_start3A_306 : memref<80x64xf32, #tpu.memory_space<vmem>>) target(%dma_start3A_302 : memref<80x64xf32, #tpu.memory_space<vmem_shared>>) target_semaphore(%run_scoped3A_294 : memref<!tpu.dma_semaphore, #tpu.memory_space<semaphore_mem>>)
        %dma_wait3A_307 = arith.constant 0 : i32
        %dma_wait3A_308 = arith.constant 0 : i32
        %dma_wait3A_309 = tpu.memref_slice %arg14[%run_scoped3A_286, %dma_wait3A_307, %dma_wait3A_308] : memref<4x80x64xf32, #tpu.memory_space<vmem>> -> memref<1x80x64xf32, #tpu.memory_space<vmem>>
        %dma_wait3A_310 = tpu.memref_squeeze %dma_wait3A_309 : memref<1x80x64xf32, #tpu.memory_space<vmem>> -> memref<80x64xf32, #tpu.memory_space<vmem>>
        %dma_wait3A_311 = arith.constant 0 : i32
        %dma_wait3A_312 = tpu.memref_slice %arg17[%add3A_285, %dma_wait3A_311] : memref<10000x64xf32, #tpu.memory_space<vmem_shared>> -> memref<80x64xf32, #tpu.memory_space<vmem_shared>>
        %dma_wait3A_313 = arith.constant 0 : i32
        %dma_wait3A_314 = tpu.memref_slice %arg17[%add3A_285, %dma_wait3A_313] : memref<10000x64xf32, #tpu.memory_space<vmem_shared>> -> memref<80x64xf32, #tpu.memory_space<vmem_shared>>
        %dma_wait3A_315 = arith.constant 0 : i32
        %dma_wait3A_316 = arith.constant 0 : i32
        %dma_wait3A_317 = tpu.memref_slice %arg14[%run_scoped3A_286, %dma_wait3A_315, %dma_wait3A_316] : memref<4x80x64xf32, #tpu.memory_space<vmem>> -> memref<1x80x64xf32, #tpu.memory_space<vmem>>
        %dma_wait3A_318 = tpu.memref_squeeze %dma_wait3A_317 : memref<1x80x64xf32, #tpu.memory_space<vmem>> -> memref<80x64xf32, #tpu.memory_space<vmem>>
        tpu.wait_dma2 semaphore(%run_scoped3A_294 : memref<!tpu.dma_semaphore, #tpu.memory_space<semaphore_mem>>) src(%dma_wait3A_318 : memref<80x64xf32, #tpu.memory_space<vmem>>) dst(%dma_wait3A_314 : memref<80x64xf32, #tpu.memory_space<vmem_shared>>)
        tpu.yield
      }) : () -> ()
      %add3A_287 = arith.constant 880 : i32
      %add3A_288 = arith.addi %mul3A_255, %add3A_287 : i32
      %run_scoped3A_289 = arith.constant 0 : i32
      "tpu.region"() ({
        %run_scoped3A_294 = tpu.sem_alloc : memref<!tpu.dma_semaphore, #tpu.memory_space<semaphore_mem>>
        %dma_start3A_295 = arith.constant 0 : i32
        %dma_start3A_296 = arith.constant 0 : i32
        %dma_start3A_297 = tpu.memref_slice %arg14[%run_scoped3A_289, %dma_start3A_295, %dma_start3A_296] : memref<4x80x64xf32, #tpu.memory_space<vmem>> -> memref<1x80x64xf32, #tpu.memory_space<vmem>>
        %dma_start3A_298 = tpu.memref_squeeze %dma_start3A_297 : memref<1x80x64xf32, #tpu.memory_space<vmem>> -> memref<80x64xf32, #tpu.memory_space<vmem>>
        %dma_start3A_299 = arith.constant 0 : i32
        %dma_start3A_300 = tpu.memref_slice %arg17[%add3A_288, %dma_start3A_299] : memref<10000x64xf32, #tpu.memory_space<vmem_shared>> -> memref<80x64xf32, #tpu.memory_space<vmem_shared>>
        %dma_start3A_301 = arith.constant 0 : i32
        %dma_start3A_302 = tpu.memref_slice %arg17[%add3A_288, %dma_start3A_301] : memref<10000x64xf32, #tpu.memory_space<vmem_shared>> -> memref<80x64xf32, #tpu.memory_space<vmem_shared>>
        %dma_start3A_303 = arith.constant 0 : i32
        %dma_start3A_304 = arith.constant 0 : i32
        %dma_start3A_305 = tpu.memref_slice %arg14[%run_scoped3A_289, %dma_start3A_303, %dma_start3A_304] : memref<4x80x64xf32, #tpu.memory_space<vmem>> -> memref<1x80x64xf32, #tpu.memory_space<vmem>>
        %dma_start3A_306 = tpu.memref_squeeze %dma_start3A_305 : memref<1x80x64xf32, #tpu.memory_space<vmem>> -> memref<80x64xf32, #tpu.memory_space<vmem>>
        tpu.enqueue_dma source(%dma_start3A_306 : memref<80x64xf32, #tpu.memory_space<vmem>>) target(%dma_start3A_302 : memref<80x64xf32, #tpu.memory_space<vmem_shared>>) target_semaphore(%run_scoped3A_294 : memref<!tpu.dma_semaphore, #tpu.memory_space<semaphore_mem>>)
        %dma_wait3A_307 = arith.constant 0 : i32
        %dma_wait3A_308 = arith.constant 0 : i32
        %dma_wait3A_309 = tpu.memref_slice %arg14[%run_scoped3A_289, %dma_wait3A_307, %dma_wait3A_308] : memref<4x80x64xf32, #tpu.memory_space<vmem>> -> memref<1x80x64xf32, #tpu.memory_space<vmem>>
        %dma_wait3A_310 = tpu.memref_squeeze %dma_wait3A_309 : memref<1x80x64xf32, #tpu.memory_space<vmem>> -> memref<80x64xf32, #tpu.memory_space<vmem>>
        %dma_wait3A_311 = arith.constant 0 : i32
        %dma_wait3A_312 = tpu.memref_slice %arg17[%add3A_288, %dma_wait3A_311] : memref<10000x64xf32, #tpu.memory_space<vmem_shared>> -> memref<80x64xf32, #tpu.memory_space<vmem_shared>>
        %dma_wait3A_313 = arith.constant 0 : i32
        %dma_wait3A_314 = tpu.memref_slice %arg17[%add3A_288, %dma_wait3A_313] : memref<10000x64xf32, #tpu.memory_space<vmem_shared>> -> memref<80x64xf32, #tpu.memory_space<vmem_shared>>
        %dma_wait3A_315 = arith.constant 0 : i32
        %dma_wait3A_316 = arith.constant 0 : i32
        %dma_wait3A_317 = tpu.memref_slice %arg14[%run_scoped3A_289, %dma_wait3A_315, %dma_wait3A_316] : memref<4x80x64xf32, #tpu.memory_space<vmem>> -> memref<1x80x64xf32, #tpu.memory_space<vmem>>
        %dma_wait3A_318 = tpu.memref_squeeze %dma_wait3A_317 : memref<1x80x64xf32, #tpu.memory_space<vmem>> -> memref<80x64xf32, #tpu.memory_space<vmem>>
        tpu.wait_dma2 semaphore(%run_scoped3A_294 : memref<!tpu.dma_semaphore, #tpu.memory_space<semaphore_mem>>) src(%dma_wait3A_318 : memref<80x64xf32, #tpu.memory_space<vmem>>) dst(%dma_wait3A_314 : memref<80x64xf32, #tpu.memory_space<vmem_shared>>)
        tpu.yield
      }) : () -> ()
      %add3A_290 = arith.constant 1000 : i32
      %add3A_291 = arith.addi %mul3A_255, %add3A_290 : i32
      %sub3A = arith.constant 80 : i32
      %sub3A_292 = arith.subi %add3A_291, %sub3A : i32
      %run_scoped3A_293 = arith.constant 0 : i32
      "tpu.region"() ({
        %run_scoped3A_294 = tpu.sem_alloc : memref<!tpu.dma_semaphore, #tpu.memory_space<semaphore_mem>>
        %dma_start3A_295 = arith.constant 0 : i32
        %dma_start3A_296 = arith.constant 0 : i32
        %dma_start3A_297 = tpu.memref_slice %arg14[%run_scoped3A_293, %dma_start3A_295, %dma_start3A_296] : memref<4x80x64xf32, #tpu.memory_space<vmem>> -> memref<1x80x64xf32, #tpu.memory_space<vmem>>
        %dma_start3A_298 = tpu.memref_squeeze %dma_start3A_297 : memref<1x80x64xf32, #tpu.memory_space<vmem>> -> memref<80x64xf32, #tpu.memory_space<vmem>>
        %dma_start3A_299 = arith.constant 0 : i32
        %dma_start3A_300 = tpu.memref_slice %arg17[%sub3A_292, %dma_start3A_299] : memref<10000x64xf32, #tpu.memory_space<vmem_shared>> -> memref<80x64xf32, #tpu.memory_space<vmem_shared>>
        %dma_start3A_301 = arith.constant 0 : i32
        %dma_start3A_302 = tpu.memref_slice %arg17[%sub3A_292, %dma_start3A_301] : memref<10000x64xf32, #tpu.memory_space<vmem_shared>> -> memref<80x64xf32, #tpu.memory_space<vmem_shared>>
        %dma_start3A_303 = arith.constant 0 : i32
        %dma_start3A_304 = arith.constant 0 : i32
        %dma_start3A_305 = tpu.memref_slice %arg14[%run_scoped3A_293, %dma_start3A_303, %dma_start3A_304] : memref<4x80x64xf32, #tpu.memory_space<vmem>> -> memref<1x80x64xf32, #tpu.memory_space<vmem>>
        %dma_start3A_306 = tpu.memref_squeeze %dma_start3A_305 : memref<1x80x64xf32, #tpu.memory_space<vmem>> -> memref<80x64xf32, #tpu.memory_space<vmem>>
        tpu.enqueue_dma source(%dma_start3A_306 : memref<80x64xf32, #tpu.memory_space<vmem>>) target(%dma_start3A_302 : memref<80x64xf32, #tpu.memory_space<vmem_shared>>) target_semaphore(%run_scoped3A_294 : memref<!tpu.dma_semaphore, #tpu.memory_space<semaphore_mem>>)
        %dma_wait3A_307 = arith.constant 0 : i32
        %dma_wait3A_308 = arith.constant 0 : i32
        %dma_wait3A_309 = tpu.memref_slice %arg14[%run_scoped3A_293, %dma_wait3A_307, %dma_wait3A_308] : memref<4x80x64xf32, #tpu.memory_space<vmem>> -> memref<1x80x64xf32, #tpu.memory_space<vmem>>
        %dma_wait3A_310 = tpu.memref_squeeze %dma_wait3A_309 : memref<1x80x64xf32, #tpu.memory_space<vmem>> -> memref<80x64xf32, #tpu.memory_space<vmem>>
        %dma_wait3A_311 = arith.constant 0 : i32
        %dma_wait3A_312 = tpu.memref_slice %arg17[%sub3A_292, %dma_wait3A_311] : memref<10000x64xf32, #tpu.memory_space<vmem_shared>> -> memref<80x64xf32, #tpu.memory_space<vmem_shared>>
        %dma_wait3A_313 = arith.constant 0 : i32
        %dma_wait3A_314 = tpu.memref_slice %arg17[%sub3A_292, %dma_wait3A_313] : memref<10000x64xf32, #tpu.memory_space<vmem_shared>> -> memref<80x64xf32, #tpu.memory_space<vmem_shared>>
        %dma_wait3A_315 = arith.constant 0 : i32
        %dma_wait3A_316 = arith.constant 0 : i32
        %dma_wait3A_317 = tpu.memref_slice %arg14[%run_scoped3A_293, %dma_wait3A_315, %dma_wait3A_316] : memref<4x80x64xf32, #tpu.memory_space<vmem>> -> memref<1x80x64xf32, #tpu.memory_space<vmem>>
        %dma_wait3A_318 = tpu.memref_squeeze %dma_wait3A_317 : memref<1x80x64xf32, #tpu.memory_space<vmem>> -> memref<80x64xf32, #tpu.memory_space<vmem>>
        tpu.wait_dma2 semaphore(%run_scoped3A_294 : memref<!tpu.dma_semaphore, #tpu.memory_space<semaphore_mem>>) src(%dma_wait3A_318 : memref<80x64xf32, #tpu.memory_space<vmem>>) dst(%dma_wait3A_314 : memref<80x64xf32, #tpu.memory_space<vmem_shared>>)
        tpu.yield
      }) : () -> ()
    } else {
    }
    %lt3A_12 = arith.constant 5 : i32
    %lt3A_13 = arith.cmpi slt, %arg1, %lt3A_12 : i32
    %convert_element_type3A_14 = arith.extui %lt3A_13 : i1 to i32
    %cond3A_15 = arith.constant 0 : i32
    %cond3A_16 = arith.cmpi ne, %convert_element_type3A_14, %cond3A_15 : i32
    scf.if %cond3A_16 {
      %mul3A = arith.constant 2000 : i32
      %mul3A_255 = arith.muli %arg1, %mul3A : i32
      "tpu.region"() ({
        %run_scoped3A = tpu.sem_alloc : memref<!tpu.dma_semaphore, #tpu.memory_space<semaphore_mem>>
        %dma_start3A_256 = tpu.memref_slice %arg18[%mul3A_255] : memref<10000xf32, #tpu.memory_space<vmem_shared>> -> memref<2000xf32, #tpu.memory_space<vmem_shared>>
        %dma_start3A_257 = tpu.memref_slice %arg18[%mul3A_255] : memref<10000xf32, #tpu.memory_space<vmem_shared>> -> memref<2000xf32, #tpu.memory_space<vmem_shared>>
        tpu.enqueue_dma source(%arg15 : memref<2000xf32, #tpu.memory_space<vmem>>) target(%dma_start3A_257 : memref<2000xf32, #tpu.memory_space<vmem_shared>>) target_semaphore(%run_scoped3A : memref<!tpu.dma_semaphore, #tpu.memory_space<semaphore_mem>>)
        %dma_wait3A_258 = tpu.memref_slice %arg18[%mul3A_255] : memref<10000xf32, #tpu.memory_space<vmem_shared>> -> memref<2000xf32, #tpu.memory_space<vmem_shared>>
        %dma_wait3A_259 = tpu.memref_slice %arg18[%mul3A_255] : memref<10000xf32, #tpu.memory_space<vmem_shared>> -> memref<2000xf32, #tpu.memory_space<vmem_shared>>
        tpu.wait_dma2 semaphore(%run_scoped3A : memref<!tpu.dma_semaphore, #tpu.memory_space<semaphore_mem>>) src(%arg15 : memref<2000xf32, #tpu.memory_space<vmem>>) dst(%dma_wait3A_259 : memref<2000xf32, #tpu.memory_space<vmem_shared>>)
        tpu.yield
      }) : () -> ()
    } else {
    }
    %lt3A_17 = arith.constant 10 : i32
    %lt3A_18 = arith.cmpi slt, %arg1, %lt3A_17 : i32
    %convert_element_type3A_19 = arith.extui %lt3A_18 : i1 to i32
    %cond3A_20 = arith.constant 0 : i32
    %cond3A_21 = arith.cmpi ne, %convert_element_type3A_19, %cond3A_20 : i32
    scf.if %cond3A_21 {
      %mul3A = arith.constant 1000 : i32
      %mul3A_255 = arith.muli %arg1, %mul3A : i32
      %eq3A = arith.constant 0 : i32
      %eq3A_256 = arith.cmpi eq, %arg0, %eq3A : i32
      %convert_element_type3A_257 = arith.extui %eq3A_256 : i1 to i32
      %cond3A_258 = arith.constant 0 : i32
      %cond3A_259 = arith.cmpi ne, %convert_element_type3A_257, %cond3A_258 : i32
      scf.if %cond3A_259 {
        "tpu.region"() ({
          %run_scoped3A = tpu.sem_alloc : memref<!tpu.dma_semaphore, #tpu.memory_space<semaphore_mem>>
          %dma_start3A_265 = arith.constant 0 : i32
          %dma_start3A_266 = tpu.memref_slice %arg19[%mul3A_255, %dma_start3A_265] : memref<10000x64xf32, #tpu.memory_space<vmem_shared>> -> memref<1000x64xf32, #tpu.memory_space<vmem_shared>>
          %dma_start3A_267 = arith.constant 0 : i32
          %dma_start3A_268 = tpu.memref_slice %arg2[%mul3A_255, %dma_start3A_267] : memref<10000x64xf32, #tpu.memory_space<hbm>> -> memref<1000x64xf32, #tpu.memory_space<hbm>>
          tpu.enqueue_dma source(%dma_start3A_268 : memref<1000x64xf32, #tpu.memory_space<hbm>>) target(%dma_start3A_266 : memref<1000x64xf32, #tpu.memory_space<vmem_shared>>) target_semaphore(%run_scoped3A : memref<!tpu.dma_semaphore, #tpu.memory_space<semaphore_mem>>)
          %dma_wait3A_269 = arith.constant 0 : i32
          %dma_wait3A_270 = tpu.memref_slice %arg19[%mul3A_255, %dma_wait3A_269] : memref<10000x64xf32, #tpu.memory_space<vmem_shared>> -> memref<1000x64xf32, #tpu.memory_space<vmem_shared>>
          %dma_wait3A_271 = arith.constant 0 : i32
          %dma_wait3A_272 = tpu.memref_slice %arg2[%mul3A_255, %dma_wait3A_271] : memref<10000x64xf32, #tpu.memory_space<hbm>> -> memref<1000x64xf32, #tpu.memory_space<hbm>>
          tpu.wait_dma2 semaphore(%run_scoped3A : memref<!tpu.dma_semaphore, #tpu.memory_space<semaphore_mem>>) src(%dma_wait3A_272 : memref<1000x64xf32, #tpu.memory_space<hbm>>) dst(%dma_wait3A_270 : memref<1000x64xf32, #tpu.memory_space<vmem_shared>>)
          tpu.yield
        }) : () -> ()
      } else {
      }
      %eq3A_260 = arith.constant 1 : i32
      %eq3A_261 = arith.cmpi eq, %arg0, %eq3A_260 : i32
      %convert_element_type3A_262 = arith.extui %eq3A_261 : i1 to i32
      %cond3A_263 = arith.constant 0 : i32
      %cond3A_264 = arith.cmpi ne, %convert_element_type3A_262, %cond3A_263 : i32
      scf.if %cond3A_264 {
        "tpu.region"() ({
          %run_scoped3A = tpu.sem_alloc : memref<!tpu.dma_semaphore, #tpu.memory_space<semaphore_mem>>
          %dma_start3A_265 = arith.constant 0 : i32
          %dma_start3A_266 = tpu.memref_slice %arg19[%mul3A_255, %dma_start3A_265] : memref<10000x64xf32, #tpu.memory_space<vmem_shared>> -> memref<1000x64xf32, #tpu.memory_space<vmem_shared>>
          %dma_start3A_267 = arith.constant 0 : i32
          %dma_start3A_268 = tpu.memref_slice %arg3[%mul3A_255, %dma_start3A_267] : memref<10000x64xf32, #tpu.memory_space<hbm>> -> memref<1000x64xf32, #tpu.memory_space<hbm>>
          tpu.enqueue_dma source(%dma_start3A_268 : memref<1000x64xf32, #tpu.memory_space<hbm>>) target(%dma_start3A_266 : memref<1000x64xf32, #tpu.memory_space<vmem_shared>>) target_semaphore(%run_scoped3A : memref<!tpu.dma_semaphore, #tpu.memory_space<semaphore_mem>>)
          %dma_wait3A_269 = arith.constant 0 : i32
          %dma_wait3A_270 = tpu.memref_slice %arg19[%mul3A_255, %dma_wait3A_269] : memref<10000x64xf32, #tpu.memory_space<vmem_shared>> -> memref<1000x64xf32, #tpu.memory_space<vmem_shared>>
          %dma_wait3A_271 = arith.constant 0 : i32
          %dma_wait3A_272 = tpu.memref_slice %arg3[%mul3A_255, %dma_wait3A_271] : memref<10000x64xf32, #tpu.memory_space<hbm>> -> memref<1000x64xf32, #tpu.memory_space<hbm>>
          tpu.wait_dma2 semaphore(%run_scoped3A : memref<!tpu.dma_semaphore, #tpu.memory_space<semaphore_mem>>) src(%dma_wait3A_272 : memref<1000x64xf32, #tpu.memory_space<hbm>>) dst(%dma_wait3A_270 : memref<1000x64xf32, #tpu.memory_space<vmem_shared>>)
          tpu.yield
        }) : () -> ()
      } else {
      }
    } else {
    }
    %barrier3A = arith.constant 0 : index
    tpu.barrier barrier_id(%barrier3A)
    %get3A = arith.constant 0 : index
    %get3A_22 = tpu.vector_load %arg16[%get3A] {strides = array<i32>} : memref<16xf32, #tpu.memory_space<vmem>>, vector<16xf32>,
    %dma_start3A = arith.constant 0 : i32
    %dma_start3A_23 = arith.constant 0 : i32
    %dma_start3A_24 = arith.constant 0 : i32
    %dma_start3A_25 = arith.constant 0 : i32
    %dma_start3A_26 = arith.constant 0 : i32
    %dma_start3A_27 = tpu.memref_slice %arg12[%dma_start3A_23, %dma_start3A_25, %dma_start3A_26] : memref<8x2x80xi32, #tpu.memory_space<vmem>> -> memref<1x2x80xi32, #tpu.memory_space<vmem>>
    %dma_start3A_28 = tpu.memref_squeeze %dma_start3A_27 : memref<1x2x80xi32, #tpu.memory_space<vmem>> -> memref<2x80xi32, #tpu.memory_space<vmem>>
    %dma_start3A_29 = arith.constant 0 : i32
    %dma_start3A_30 = arith.constant 0 : i32
    %dma_start3A_31 = tpu.memref_slice %arg6[%arg1, %dma_start3A, %dma_start3A_29, %dma_start3A_30] : memref<16x250x2x80xi32, #tpu.memory_space<hbm>> -> memref<1x1x2x80xi32, #tpu.memory_space<hbm>>
    %dma_start3A_32 = tpu.memref_squeeze %dma_start3A_31 : memref<1x1x2x80xi32, #tpu.memory_space<hbm>> -> memref<2x80xi32, #tpu.memory_space<hbm>>
    %dma_start3A_33 = tpu.memref_slice %arg23[%dma_start3A_24] : memref<8x!tpu.dma_semaphore, #tpu.memory_space<semaphore_mem>> -> memref<1x!tpu.dma_semaphore, #tpu.memory_space<semaphore_mem>>
    %dma_start3A_34 = tpu.memref_squeeze %dma_start3A_33 : memref<1x!tpu.dma_semaphore, #tpu.memory_space<semaphore_mem>> -> memref<!tpu.dma_semaphore, #tpu.memory_space<semaphore_mem>>
    %dma_start3A_35 = arith.constant 0 : i32
    %dma_start3A_36 = arith.constant 0 : i32
    %dma_start3A_37 = tpu.memref_slice %arg12[%dma_start3A_23, %dma_start3A_35, %dma_start3A_36] : memref<8x2x80xi32, #tpu.memory_space<vmem>> -> memref<1x2x80xi32, #tpu.memory_space<vmem>>
    %dma_start3A_38 = tpu.memref_squeeze %dma_start3A_37 : memref<1x2x80xi32, #tpu.memory_space<vmem>> -> memref<2x80xi32, #tpu.memory_space<vmem>>
    %dma_start3A_39 = arith.constant 0 : i32
    %dma_start3A_40 = arith.constant 0 : i32
    %dma_start3A_41 = tpu.memref_slice %arg6[%arg1, %dma_start3A, %dma_start3A_39, %dma_start3A_40] : memref<16x250x2x80xi32, #tpu.memory_space<hbm>> -> memref<1x1x2x80xi32, #tpu.memory_space<hbm>>
    %dma_start3A_42 = tpu.memref_squeeze %dma_start3A_41 : memref<1x1x2x80xi32, #tpu.memory_space<hbm>> -> memref<2x80xi32, #tpu.memory_space<hbm>>
    tpu.enqueue_dma source(%dma_start3A_42 : memref<2x80xi32, #tpu.memory_space<hbm>>) target(%dma_start3A_38 : memref<2x80xi32, #tpu.memory_space<vmem>>) target_semaphore(%dma_start3A_34 : memref<!tpu.dma_semaphore, #tpu.memory_space<semaphore_mem>>)
    %dma_start3A_43 = arith.constant 1 : i32
    %dma_start3A_44 = arith.constant 1 : i32
    %dma_start3A_45 = arith.constant 1 : i32
    %dma_start3A_46 = arith.constant 0 : i32
    %dma_start3A_47 = arith.constant 0 : i32
    %dma_start3A_48 = tpu.memref_slice %arg12[%dma_start3A_44, %dma_start3A_46, %dma_start3A_47] : memref<8x2x80xi32, #tpu.memory_space<vmem>> -> memref<1x2x80xi32, #tpu.memory_space<vmem>>
    %dma_start3A_49 = tpu.memref_squeeze %dma_start3A_48 : memref<1x2x80xi32, #tpu.memory_space<vmem>> -> memref<2x80xi32, #tpu.memory_space<vmem>>
    %dma_start3A_50 = arith.constant 0 : i32
    %dma_start3A_51 = arith.constant 0 : i32
    %dma_start3A_52 = tpu.memref_slice %arg6[%arg1, %dma_start3A_43, %dma_start3A_50, %dma_start3A_51] : memref<16x250x2x80xi32, #tpu.memory_space<hbm>> -> memref<1x1x2x80xi32, #tpu.memory_space<hbm>>
    %dma_start3A_53 = tpu.memref_squeeze %dma_start3A_52 : memref<1x1x2x80xi32, #tpu.memory_space<hbm>> -> memref<2x80xi32, #tpu.memory_space<hbm>>
    %dma_start3A_54 = tpu.memref_slice %arg23[%dma_start3A_45] : memref<8x!tpu.dma_semaphore, #tpu.memory_space<semaphore_mem>> -> memref<1x!tpu.dma_semaphore, #tpu.memory_space<semaphore_mem>>
    %dma_start3A_55 = tpu.memref_squeeze %dma_start3A_54 : memref<1x!tpu.dma_semaphore, #tpu.memory_space<semaphore_mem>> -> memref<!tpu.dma_semaphore, #tpu.memory_space<semaphore_mem>>
    %dma_start3A_56 = arith.constant 0 : i32
    %dma_start3A_57 = arith.constant 0 : i32
    %dma_start3A_58 = tpu.memref_slice %arg12[%dma_start3A_44, %dma_start3A_56, %dma_start3A_57] : memref<8x2x80xi32, #tpu.memory_space<vmem>> -> memref<1x2x80xi32, #tpu.memory_space<vmem>>
    %dma_start3A_59 = tpu.memref_squeeze %dma_start3A_58 : memref<1x2x80xi32, #tpu.memory_space<vmem>> -> memref<2x80xi32, #tpu.memory_space<vmem>>
    %dma_start3A_60 = arith.constant 0 : i32
    %dma_start3A_61 = arith.constant 0 : i32
    %dma_start3A_62 = tpu.memref_slice %arg6[%arg1, %dma_start3A_43, %dma_start3A_60, %dma_start3A_61] : memref<16x250x2x80xi32, #tpu.memory_space<hbm>> -> memref<1x1x2x80xi32, #tpu.memory_space<hbm>>
    %dma_start3A_63 = tpu.memref_squeeze %dma_start3A_62 : memref<1x1x2x80xi32, #tpu.memory_space<hbm>> -> memref<2x80xi32, #tpu.memory_space<hbm>>
    tpu.enqueue_dma source(%dma_start3A_63 : memref<2x80xi32, #tpu.memory_space<hbm>>) target(%dma_start3A_59 : memref<2x80xi32, #tpu.memory_space<vmem>>) target_semaphore(%dma_start3A_55 : memref<!tpu.dma_semaphore, #tpu.memory_space<semaphore_mem>>)
    %dma_start3A_64 = arith.constant 2 : i32
    %dma_start3A_65 = arith.constant 2 : i32
    %dma_start3A_66 = arith.constant 2 : i32
    %dma_start3A_67 = arith.constant 0 : i32
    %dma_start3A_68 = arith.constant 0 : i32
    %dma_start3A_69 = tpu.memref_slice %arg12[%dma_start3A_65, %dma_start3A_67, %dma_start3A_68] : memref<8x2x80xi32, #tpu.memory_space<vmem>> -> memref<1x2x80xi32, #tpu.memory_space<vmem>>
    %dma_start3A_70 = tpu.memref_squeeze %dma_start3A_69 : memref<1x2x80xi32, #tpu.memory_space<vmem>> -> memref<2x80xi32, #tpu.memory_space<vmem>>
    %dma_start3A_71 = arith.constant 0 : i32
    %dma_start3A_72 = arith.constant 0 : i32
    %dma_start3A_73 = tpu.memref_slice %arg6[%arg1, %dma_start3A_64, %dma_start3A_71, %dma_start3A_72] : memref<16x250x2x80xi32, #tpu.memory_space<hbm>> -> memref<1x1x2x80xi32, #tpu.memory_space<hbm>>
    %dma_start3A_74 = tpu.memref_squeeze %dma_start3A_73 : memref<1x1x2x80xi32, #tpu.memory_space<hbm>> -> memref<2x80xi32, #tpu.memory_space<hbm>>
    %dma_start3A_75 = tpu.memref_slice %arg23[%dma_start3A_66] : memref<8x!tpu.dma_semaphore, #tpu.memory_space<semaphore_mem>> -> memref<1x!tpu.dma_semaphore, #tpu.memory_space<semaphore_mem>>
    %dma_start3A_76 = tpu.memref_squeeze %dma_start3A_75 : memref<1x!tpu.dma_semaphore, #tpu.memory_space<semaphore_mem>> -> memref<!tpu.dma_semaphore, #tpu.memory_space<semaphore_mem>>
    %dma_start3A_77 = arith.constant 0 : i32
    %dma_start3A_78 = arith.constant 0 : i32
    %dma_start3A_79 = tpu.memref_slice %arg12[%dma_start3A_65, %dma_start3A_77, %dma_start3A_78] : memref<8x2x80xi32, #tpu.memory_space<vmem>> -> memref<1x2x80xi32, #tpu.memory_space<vmem>>
    %dma_start3A_80 = tpu.memref_squeeze %dma_start3A_79 : memref<1x2x80xi32, #tpu.memory_space<vmem>> -> memref<2x80xi32, #tpu.memory_space<vmem>>
    %dma_start3A_81 = arith.constant 0 : i32
    %dma_start3A_82 = arith.constant 0 : i32
    %dma_start3A_83 = tpu.memref_slice %arg6[%arg1, %dma_start3A_64, %dma_start3A_81, %dma_start3A_82] : memref<16x250x2x80xi32, #tpu.memory_space<hbm>> -> memref<1x1x2x80xi32, #tpu.memory_space<hbm>>
    %dma_start3A_84 = tpu.memref_squeeze %dma_start3A_83 : memref<1x1x2x80xi32, #tpu.memory_space<hbm>> -> memref<2x80xi32, #tpu.memory_space<hbm>>
    tpu.enqueue_dma source(%dma_start3A_84 : memref<2x80xi32, #tpu.memory_space<hbm>>) target(%dma_start3A_80 : memref<2x80xi32, #tpu.memory_space<vmem>>) target_semaphore(%dma_start3A_76 : memref<!tpu.dma_semaphore, #tpu.memory_space<semaphore_mem>>)
    %dma_start3A_85 = arith.constant 3 : i32
    %dma_start3A_86 = arith.constant 3 : i32
    %dma_start3A_87 = arith.constant 3 : i32
    %dma_start3A_88 = arith.constant 0 : i32
    %dma_start3A_89 = arith.constant 0 : i32
    %dma_start3A_90 = tpu.memref_slice %arg12[%dma_start3A_86, %dma_start3A_88, %dma_start3A_89] : memref<8x2x80xi32, #tpu.memory_space<vmem>> -> memref<1x2x80xi32, #tpu.memory_space<vmem>>
    %dma_start3A_91 = tpu.memref_squeeze %dma_start3A_90 : memref<1x2x80xi32, #tpu.memory_space<vmem>> -> memref<2x80xi32, #tpu.memory_space<vmem>>
    %dma_start3A_92 = arith.constant 0 : i32
    %dma_start3A_93 = arith.constant 0 : i32
    %dma_start3A_94 = tpu.memref_slice %arg6[%arg1, %dma_start3A_85, %dma_start3A_92, %dma_start3A_93] : memref<16x250x2x80xi32, #tpu.memory_space<hbm>> -> memref<1x1x2x80xi32, #tpu.memory_space<hbm>>
    %dma_start3A_95 = tpu.memref_squeeze %dma_start3A_94 : memref<1x1x2x80xi32, #tpu.memory_space<hbm>> -> memref<2x80xi32, #tpu.memory_space<hbm>>
    %dma_start3A_96 = tpu.memref_slice %arg23[%dma_start3A_87] : memref<8x!tpu.dma_semaphore, #tpu.memory_space<semaphore_mem>> -> memref<1x!tpu.dma_semaphore, #tpu.memory_space<semaphore_mem>>
    %dma_start3A_97 = tpu.memref_squeeze %dma_start3A_96 : memref<1x!tpu.dma_semaphore, #tpu.memory_space<semaphore_mem>> -> memref<!tpu.dma_semaphore, #tpu.memory_space<semaphore_mem>>
    %dma_start3A_98 = arith.constant 0 : i32
    %dma_start3A_99 = arith.constant 0 : i32
    %dma_start3A_100 = tpu.memref_slice %arg12[%dma_start3A_86, %dma_start3A_98, %dma_start3A_99] : memref<8x2x80xi32, #tpu.memory_space<vmem>> -> memref<1x2x80xi32, #tpu.memory_space<vmem>>
    %dma_start3A_101 = tpu.memref_squeeze %dma_start3A_100 : memref<1x2x80xi32, #tpu.memory_space<vmem>> -> memref<2x80xi32, #tpu.memory_space<vmem>>
    %dma_start3A_102 = arith.constant 0 : i32
    %dma_start3A_103 = arith.constant 0 : i32
    %dma_start3A_104 = tpu.memref_slice %arg6[%arg1, %dma_start3A_85, %dma_start3A_102, %dma_start3A_103] : memref<16x250x2x80xi32, #tpu.memory_space<hbm>> -> memref<1x1x2x80xi32, #tpu.memory_space<hbm>>
    %dma_start3A_105 = tpu.memref_squeeze %dma_start3A_104 : memref<1x1x2x80xi32, #tpu.memory_space<hbm>> -> memref<2x80xi32, #tpu.memory_space<hbm>>
    tpu.enqueue_dma source(%dma_start3A_105 : memref<2x80xi32, #tpu.memory_space<hbm>>) target(%dma_start3A_101 : memref<2x80xi32, #tpu.memory_space<vmem>>) target_semaphore(%dma_start3A_97 : memref<!tpu.dma_semaphore, #tpu.memory_space<semaphore_mem>>)
    %dma_wait3A = arith.constant 0 : i32
    %dma_wait3A_106 = arith.constant 0 : i32
    %dma_wait3A_107 = arith.constant 0 : i32
    %dma_wait3A_108 = arith.constant 0 : i32
    %dma_wait3A_109 = arith.constant 0 : i32
    %dma_wait3A_110 = tpu.memref_slice %arg12[%dma_wait3A_106, %dma_wait3A_108, %dma_wait3A_109] : memref<8x2x80xi32, #tpu.memory_space<vmem>> -> memref<1x2x80xi32, #tpu.memory_space<vmem>>
    %dma_wait3A_111 = tpu.memref_squeeze %dma_wait3A_110 : memref<1x2x80xi32, #tpu.memory_space<vmem>> -> memref<2x80xi32, #tpu.memory_space<vmem>>
    %dma_wait3A_112 = arith.constant 0 : i32
    %dma_wait3A_113 = arith.constant 0 : i32
    %dma_wait3A_114 = tpu.memref_slice %arg6[%arg1, %dma_wait3A, %dma_wait3A_112, %dma_wait3A_113] : memref<16x250x2x80xi32, #tpu.memory_space<hbm>> -> memref<1x1x2x80xi32, #tpu.memory_space<hbm>>
    %dma_wait3A_115 = tpu.memref_squeeze %dma_wait3A_114 : memref<1x1x2x80xi32, #tpu.memory_space<hbm>> -> memref<2x80xi32, #tpu.memory_space<hbm>>
    %dma_wait3A_116 = tpu.memref_slice %arg23[%dma_wait3A_107] : memref<8x!tpu.dma_semaphore, #tpu.memory_space<semaphore_mem>> -> memref<1x!tpu.dma_semaphore, #tpu.memory_space<semaphore_mem>>
    %dma_wait3A_117 = tpu.memref_squeeze %dma_wait3A_116 : memref<1x!tpu.dma_semaphore, #tpu.memory_space<semaphore_mem>> -> memref<!tpu.dma_semaphore, #tpu.memory_space<semaphore_mem>>
    %dma_wait3A_118 = arith.constant 0 : i32
    %dma_wait3A_119 = arith.constant 0 : i32
    %dma_wait3A_120 = tpu.memref_slice %arg12[%dma_wait3A_106, %dma_wait3A_118, %dma_wait3A_119] : memref<8x2x80xi32, #tpu.memory_space<vmem>> -> memref<1x2x80xi32, #tpu.memory_space<vmem>>
    %dma_wait3A_121 = tpu.memref_squeeze %dma_wait3A_120 : memref<1x2x80xi32, #tpu.memory_space<vmem>> -> memref<2x80xi32, #tpu.memory_space<vmem>>
    %dma_wait3A_122 = arith.constant 0 : i32
    %dma_wait3A_123 = arith.constant 0 : i32
    %dma_wait3A_124 = tpu.memref_slice %arg6[%arg1, %dma_wait3A, %dma_wait3A_122, %dma_wait3A_123] : memref<16x250x2x80xi32, #tpu.memory_space<hbm>> -> memref<1x1x2x80xi32, #tpu.memory_space<hbm>>
    %dma_wait3A_125 = tpu.memref_squeeze %dma_wait3A_124 : memref<1x1x2x80xi32, #tpu.memory_space<hbm>> -> memref<2x80xi32, #tpu.memory_space<hbm>>
    tpu.wait_dma2 semaphore(%dma_wait3A_117 : memref<!tpu.dma_semaphore, #tpu.memory_space<semaphore_mem>>) src(%dma_wait3A_125 : memref<2x80xi32, #tpu.memory_space<hbm>>) dst(%dma_wait3A_121 : memref<2x80xi32, #tpu.memory_space<vmem>>)
    %dma_start3A_126 = arith.constant 0 : i32
    %dma_start3A_127 = arith.constant 1 : i32
    %dma_start3A_128 = arith.constant 0 : i32
    %dma_start3A_129 = arith.constant 0 : i32
    %dma_start3A_130 = arith.constant 0 : i32
    %dma_start3A_131 = arith.constant 0 : i32
    %dma_start3A_132 = tpu.memref_slice %arg14[%dma_start3A_128, %dma_start3A_130, %dma_start3A_131] : memref<4x80x64xf32, #tpu.memory_space<vmem>> -> memref<1x80x64xf32, #tpu.memory_space<vmem>>
    %dma_start3A_133 = tpu.memref_squeeze %dma_start3A_132 : memref<1x80x64xf32, #tpu.memory_space<vmem>> -> memref<80x64xf32, #tpu.memory_space<vmem>>
    %dma_start3A_134 = arith.constant 0 : i32
    %dma_start3A_135 = tpu.memref_slice %arg12[%dma_start3A_126, %dma_start3A_127, %dma_start3A_134] : memref<8x2x80xi32, #tpu.memory_space<vmem>> -> memref<1x1x80xi32, #tpu.memory_space<vmem>>
    %dma_start3A_136 = tpu.memref_squeeze %dma_start3A_135 : memref<1x1x80xi32, #tpu.memory_space<vmem>> -> memref<80xi32, #tpu.memory_space<vmem>>
    %dma_start3A_137 = arith.constant 0 : i32
    %dma_start3A_138 = arith.constant 0 : i32
    %dma_start3A_139 = tpu.memref_slice %arg19[%dma_start3A_137, %dma_start3A_138] : memref<10000x64xf32, #tpu.memory_space<vmem_shared>> -> memref<10000x64xf32, #tpu.memory_space<vmem_shared>>
    %dma_start3A_140 = tpu.memref_slice %arg20[%dma_start3A_129] : memref<4x!tpu.dma_semaphore, #tpu.memory_space<semaphore_mem>> -> memref<1x!tpu.dma_semaphore, #tpu.memory_space<semaphore_mem>>
    %dma_start3A_141 = tpu.memref_squeeze %dma_start3A_140 : memref<1x!tpu.dma_semaphore, #tpu.memory_space<semaphore_mem>> -> memref<!tpu.dma_semaphore, #tpu.memory_space<semaphore_mem>>
    tpu.enqueue_indirect_dma source(%dma_start3A_139 : memref<10000x64xf32, #tpu.memory_space<vmem_shared>>) target(%dma_start3A_133 : memref<80x64xf32, #tpu.memory_space<vmem>>) offsets(%dma_start3A_136 : memref<80xi32, #tpu.memory_space<vmem>>) semaphore(%dma_start3A_141 : memref<!tpu.dma_semaphore, #tpu.memory_space<semaphore_mem>>)
    %dma_wait3A_142 = arith.constant 1 : i32
    %dma_wait3A_143 = arith.constant 1 : i32
    %dma_wait3A_144 = arith.constant 1 : i32
    %dma_wait3A_145 = arith.constant 0 : i32
    %dma_wait3A_146 = arith.constant 0 : i32
    %dma_wait3A_147 = tpu.memref_slice %arg12[%dma_wait3A_143, %dma_wait3A_145, %dma_wait3A_146] : memref<8x2x80xi32, #tpu.memory_space<vmem>> -> memref<1x2x80xi32, #tpu.memory_space<vmem>>
    %dma_wait3A_148 = tpu.memref_squeeze %dma_wait3A_147 : memref<1x2x80xi32, #tpu.memory_space<vmem>> -> memref<2x80xi32, #tpu.memory_space<vmem>>
    %dma_wait3A_149 = arith.constant 0 : i32
    %dma_wait3A_150 = arith.constant 0 : i32
    %dma_wait3A_151 = tpu.memref_slice %arg6[%arg1, %dma_wait3A_142, %dma_wait3A_149, %dma_wait3A_150] : memref<16x250x2x80xi32, #tpu.memory_space<hbm>> -> memref<1x1x2x80xi32, #tpu.memory_space<hbm>>
    %dma_wait3A_152 = tpu.memref_squeeze %dma_wait3A_151 : memref<1x1x2x80xi32, #tpu.memory_space<hbm>> -> memref<2x80xi32, #tpu.memory_space<hbm>>
    %dma_wait3A_153 = tpu.memref_slice %arg23[%dma_wait3A_144] : memref<8x!tpu.dma_semaphore, #tpu.memory_space<semaphore_mem>> -> memref<1x!tpu.dma_semaphore, #tpu.memory_space<semaphore_mem>>
    %dma_wait3A_154 = tpu.memref_squeeze %dma_wait3A_153 : memref<1x!tpu.dma_semaphore, #tpu.memory_space<semaphore_mem>> -> memref<!tpu.dma_semaphore, #tpu.memory_space<semaphore_mem>>
    %dma_wait3A_155 = arith.constant 0 : i32
    %dma_wait3A_156 = arith.constant 0 : i32
    %dma_wait3A_157 = tpu.memref_slice %arg12[%dma_wait3A_143, %dma_wait3A_155, %dma_wait3A_156] : memref<8x2x80xi32, #tpu.memory_space<vmem>> -> memref<1x2x80xi32, #tpu.memory_space<vmem>>
    %dma_wait3A_158 = tpu.memref_squeeze %dma_wait3A_157 : memref<1x2x80xi32, #tpu.memory_space<vmem>> -> memref<2x80xi32, #tpu.memory_space<vmem>>
    %dma_wait3A_159 = arith.constant 0 : i32
    %dma_wait3A_160 = arith.constant 0 : i32
    %dma_wait3A_161 = tpu.memref_slice %arg6[%arg1, %dma_wait3A_142, %dma_wait3A_159, %dma_wait3A_160] : memref<16x250x2x80xi32, #tpu.memory_space<hbm>> -> memref<1x1x2x80xi32, #tpu.memory_space<hbm>>
    %dma_wait3A_162 = tpu.memref_squeeze %dma_wait3A_161 : memref<1x1x2x80xi32, #tpu.memory_space<hbm>> -> memref<2x80xi32, #tpu.memory_space<hbm>>
    tpu.wait_dma2 semaphore(%dma_wait3A_154 : memref<!tpu.dma_semaphore, #tpu.memory_space<semaphore_mem>>) src(%dma_wait3A_162 : memref<2x80xi32, #tpu.memory_space<hbm>>) dst(%dma_wait3A_158 : memref<2x80xi32, #tpu.memory_space<vmem>>)
    %dma_start3A_163 = arith.constant 1 : i32
    %dma_start3A_164 = arith.constant 1 : i32
    %dma_start3A_165 = arith.constant 1 : i32
    %dma_start3A_166 = arith.constant 1 : i32
    %dma_start3A_167 = arith.constant 0 : i32
    %dma_start3A_168 = arith.constant 0 : i32
    %dma_start3A_169 = tpu.memref_slice %arg14[%dma_start3A_165, %dma_start3A_167, %dma_start3A_168] : memref<4x80x64xf32, #tpu.memory_space<vmem>> -> memref<1x80x64xf32, #tpu.memory_space<vmem>>
    %dma_start3A_170 = tpu.memref_squeeze %dma_start3A_169 : memref<1x80x64xf32, #tpu.memory_space<vmem>> -> memref<80x64xf32, #tpu.memory_space<vmem>>
    %dma_start3A_171 = arith.constant 0 : i32
    %dma_start3A_172 = tpu.memref_slice %arg12[%dma_start3A_163, %dma_start3A_164, %dma_start3A_171] : memref<8x2x80xi32, #tpu.memory_space<vmem>> -> memref<1x1x80xi32, #tpu.memory_space<vmem>>
    %dma_start3A_173 = tpu.memref_squeeze %dma_start3A_172 : memref<1x1x80xi32, #tpu.memory_space<vmem>> -> memref<80xi32, #tpu.memory_space<vmem>>
    %dma_start3A_174 = arith.constant 0 : i32
    %dma_start3A_175 = arith.constant 0 : i32
    %dma_start3A_176 = tpu.memref_slice %arg19[%dma_start3A_174, %dma_start3A_175] : memref<10000x64xf32, #tpu.memory_space<vmem_shared>> -> memref<10000x64xf32, #tpu.memory_space<vmem_shared>>
    %dma_start3A_177 = tpu.memref_slice %arg20[%dma_start3A_166] : memref<4x!tpu.dma_semaphore, #tpu.memory_space<semaphore_mem>> -> memref<1x!tpu.dma_semaphore, #tpu.memory_space<semaphore_mem>>
    %dma_start3A_178 = tpu.memref_squeeze %dma_start3A_177 : memref<1x!tpu.dma_semaphore, #tpu.memory_space<semaphore_mem>> -> memref<!tpu.dma_semaphore, #tpu.memory_space<semaphore_mem>>
    tpu.enqueue_indirect_dma source(%dma_start3A_176 : memref<10000x64xf32, #tpu.memory_space<vmem_shared>>) target(%dma_start3A_170 : memref<80x64xf32, #tpu.memory_space<vmem>>) offsets(%dma_start3A_173 : memref<80xi32, #tpu.memory_space<vmem>>) semaphore(%dma_start3A_178 : memref<!tpu.dma_semaphore, #tpu.memory_space<semaphore_mem>>)
    %scan3A_179 = arith.constant 0 : i32
    %scan3A_180 = arith.constant 250 : i32
    %scan3A_181 = arith.addi %scan3A_179, %scan3A_180 : i32
    %scan3A_182 = arith.constant 1 : i32
    scf.for %scan3A_255 = %scan3A_179 to %scan3A_181 step %scan3A_182  : i32 {
      %mul3A = arith.constant 1 : i32
      %mul3A_256 = arith.muli %scan3A_255, %mul3A : i32
      %add3A = arith.constant 0 : i32
      %add3A_257 = arith.addi %add3A, %mul3A_256 : i32
      %and3A = arith.constant 7 : i32
      %and3A_258 = arith.andi %add3A_257, %and3A : i32
      %and3A_259 = arith.constant 3 : i32
      %and3A_260 = arith.andi %add3A_257, %and3A_259 : i32
      %ge3A = arith.constant 2 : i32
      %ge3A_261 = arith.cmpi sge, %add3A_257, %ge3A : i32
      %convert_element_type3A_262 = arith.extui %ge3A_261 : i1 to i32
      %cond3A_263 = arith.constant 0 : i32
      %cond3A_264 = arith.cmpi ne, %convert_element_type3A_262, %cond3A_263 : i32
      scf.if %cond3A_264 {
        %sub3A_789 = arith.constant 2 : i32
        %sub3A_790 = arith.subi %add3A_257, %sub3A_789 : i32
        %and3A_791 = arith.constant 3 : i32
        %and3A_792 = arith.andi %sub3A_790, %and3A_791 : i32
        %and3A_793 = arith.constant 7 : i32
        %and3A_794 = arith.andi %sub3A_790, %and3A_793 : i32
        %and3A_795 = arith.constant 3 : i32
        %and3A_796 = arith.andi %sub3A_790, %and3A_795 : i32
        %dma_wait3A_797 = arith.constant 0 : i32
        %dma_wait3A_798 = arith.constant 0 : i32
        %dma_wait3A_799 = arith.constant 0 : i32
        %dma_wait3A_800 = tpu.memref_slice %arg14[%and3A_792, %dma_wait3A_798, %dma_wait3A_799] : memref<4x80x64xf32, #tpu.memory_space<vmem>> -> memref<1x80x64xf32, #tpu.memory_space<vmem>>
        %dma_wait3A_801 = tpu.memref_squeeze %dma_wait3A_800 : memref<1x80x64xf32, #tpu.memory_space<vmem>> -> memref<80x64xf32, #tpu.memory_space<vmem>>
        %dma_wait3A_802 = arith.constant 0 : i32
        %dma_wait3A_803 = tpu.memref_slice %arg12[%and3A_794, %dma_wait3A_797, %dma_wait3A_802] : memref<8x2x80xi32, #tpu.memory_space<vmem>> -> memref<1x1x80xi32, #tpu.memory_space<vmem>>
        %dma_wait3A_804 = tpu.memref_squeeze %dma_wait3A_803 : memref<1x1x80xi32, #tpu.memory_space<vmem>> -> memref<80xi32, #tpu.memory_space<vmem>>
        %dma_wait3A_805 = arith.constant 0 : i32
        %dma_wait3A_806 = arith.constant 0 : i32
        %dma_wait3A_807 = tpu.memref_slice %arg17[%dma_wait3A_805, %dma_wait3A_806] : memref<10000x64xf32, #tpu.memory_space<vmem_shared>> -> memref<10000x64xf32, #tpu.memory_space<vmem_shared>>
        %dma_wait3A_808 = tpu.memref_slice %arg21[%and3A_796] : memref<4x!tpu.dma_semaphore, #tpu.memory_space<semaphore_mem>> -> memref<1x!tpu.dma_semaphore, #tpu.memory_space<semaphore_mem>>
        %dma_wait3A_809 = tpu.memref_squeeze %dma_wait3A_808 : memref<1x!tpu.dma_semaphore, #tpu.memory_space<semaphore_mem>> -> memref<!tpu.dma_semaphore, #tpu.memory_space<semaphore_mem>>
        tpu.wait_indirect_dma semaphore(%dma_wait3A_809 : memref<!tpu.dma_semaphore, #tpu.memory_space<semaphore_mem>>) src(%dma_wait3A_801 : memref<80x64xf32, #tpu.memory_space<vmem>>) dst(%dma_wait3A_807 : memref<10000x64xf32, #tpu.memory_space<vmem_shared>>)
        %and3A_810 = arith.constant 3 : i32
        %and3A_811 = arith.andi %sub3A_790, %and3A_810 : i32
        %and3A_812 = arith.constant 7 : i32
        %and3A_813 = arith.andi %sub3A_790, %and3A_812 : i32
        %and3A_814 = arith.constant 3 : i32
        %and3A_815 = arith.andi %sub3A_790, %and3A_814 : i32
        %dma_wait3A_816 = arith.constant 0 : i32
        %dma_wait3A_817 = arith.constant 0 : i32
        %dma_wait3A_818 = tpu.memref_slice %arg13[%and3A_811, %dma_wait3A_817] : memref<4x80xf32, #tpu.memory_space<vmem>> -> memref<1x80xf32, #tpu.memory_space<vmem>>
        %dma_wait3A_819 = tpu.memref_squeeze %dma_wait3A_818 : memref<1x80xf32, #tpu.memory_space<vmem>> -> memref<80xf32, #tpu.memory_space<vmem>>
        %dma_wait3A_820 = arith.constant 0 : i32
        %dma_wait3A_821 = tpu.memref_slice %arg12[%and3A_813, %dma_wait3A_816, %dma_wait3A_820] : memref<8x2x80xi32, #tpu.memory_space<vmem>> -> memref<1x1x80xi32, #tpu.memory_space<vmem>>
        %dma_wait3A_822 = tpu.memref_squeeze %dma_wait3A_821 : memref<1x1x80xi32, #tpu.memory_space<vmem>> -> memref<80xi32, #tpu.memory_space<vmem>>
        %dma_wait3A_823 = arith.constant 0 : i32
        %dma_wait3A_824 = tpu.memref_slice %arg18[%dma_wait3A_823] : memref<10000xf32, #tpu.memory_space<vmem_shared>> -> memref<10000xf32, #tpu.memory_space<vmem_shared>>
        %dma_wait3A_825 = tpu.memref_slice %arg22[%and3A_815] : memref<4x!tpu.dma_semaphore, #tpu.memory_space<semaphore_mem>> -> memref<1x!tpu.dma_semaphore, #tpu.memory_space<semaphore_mem>>
        %dma_wait3A_826 = tpu.memref_squeeze %dma_wait3A_825 : memref<1x!tpu.dma_semaphore, #tpu.memory_space<semaphore_mem>> -> memref<!tpu.dma_semaphore, #tpu.memory_space<semaphore_mem>>
        tpu.wait_indirect_dma semaphore(%dma_wait3A_826 : memref<!tpu.dma_semaphore, #tpu.memory_space<semaphore_mem>>) src(%dma_wait3A_819 : memref<80xf32, #tpu.memory_space<vmem>>) dst(%dma_wait3A_824 : memref<10000xf32, #tpu.memory_space<vmem_shared>>)
      } else {
      }
      %add3A_265 = arith.constant 4 : i32
      %add3A_266 = arith.addi %add3A_257, %add3A_265 : i32
      %lt3A_267 = arith.constant 250 : i32
      %lt3A_268 = arith.cmpi slt, %add3A_266, %lt3A_267 : i32
      %convert_element_type3A_269 = arith.extui %lt3A_268 : i1 to i32
      %cond3A_270 = arith.constant 0 : i32
      %cond3A_271 = arith.cmpi ne, %convert_element_type3A_269, %cond3A_270 : i32
      scf.if %cond3A_271 {
        %add3A_789 = arith.constant 4 : i32
        %add3A_790 = arith.addi %add3A_257, %add3A_789 : i32
        %and3A_791 = arith.constant 7 : i32
        %and3A_792 = arith.andi %add3A_790, %and3A_791 : i32
        %and3A_793 = arith.constant 7 : i32
        %and3A_794 = arith.andi %add3A_790, %and3A_793 : i32
        %dma_start3A_795 = arith.constant 0 : i32
        %dma_start3A_796 = arith.constant 0 : i32
        %dma_start3A_797 = tpu.memref_slice %arg12[%and3A_792, %dma_start3A_795, %dma_start3A_796] : memref<8x2x80xi32, #tpu.memory_space<vmem>> -> memref<1x2x80xi32, #tpu.memory_space<vmem>>
        %dma_start3A_798 = tpu.memref_squeeze %dma_start3A_797 : memref<1x2x80xi32, #tpu.memory_space<vmem>> -> memref<2x80xi32, #tpu.memory_space<vmem>>
        %dma_start3A_799 = arith.constant 0 : i32
        %dma_start3A_800 = arith.constant 0 : i32
        %dma_start3A_801 = tpu.memref_slice %arg6[%arg1, %add3A_790, %dma_start3A_799, %dma_start3A_800] : memref<16x250x2x80xi32, #tpu.memory_space<hbm>> -> memref<1x1x2x80xi32, #tpu.memory_space<hbm>>
        %dma_start3A_802 = tpu.memref_squeeze %dma_start3A_801 : memref<1x1x2x80xi32, #tpu.memory_space<hbm>> -> memref<2x80xi32, #tpu.memory_space<hbm>>
        %dma_start3A_803 = tpu.memref_slice %arg23[%and3A_794] : memref<8x!tpu.dma_semaphore, #tpu.memory_space<semaphore_mem>> -> memref<1x!tpu.dma_semaphore, #tpu.memory_space<semaphore_mem>>
        %dma_start3A_804 = tpu.memref_squeeze %dma_start3A_803 : memref<1x!tpu.dma_semaphore, #tpu.memory_space<semaphore_mem>> -> memref<!tpu.dma_semaphore, #tpu.memory_space<semaphore_mem>>
        %dma_start3A_805 = arith.constant 0 : i32
        %dma_start3A_806 = arith.constant 0 : i32
        %dma_start3A_807 = tpu.memref_slice %arg12[%and3A_792, %dma_start3A_805, %dma_start3A_806] : memref<8x2x80xi32, #tpu.memory_space<vmem>> -> memref<1x2x80xi32, #tpu.memory_space<vmem>>
        %dma_start3A_808 = tpu.memref_squeeze %dma_start3A_807 : memref<1x2x80xi32, #tpu.memory_space<vmem>> -> memref<2x80xi32, #tpu.memory_space<vmem>>
        %dma_start3A_809 = arith.constant 0 : i32
        %dma_start3A_810 = arith.constant 0 : i32
        %dma_start3A_811 = tpu.memref_slice %arg6[%arg1, %add3A_790, %dma_start3A_809, %dma_start3A_810] : memref<16x250x2x80xi32, #tpu.memory_space<hbm>> -> memref<1x1x2x80xi32, #tpu.memory_space<hbm>>
        %dma_start3A_812 = tpu.memref_squeeze %dma_start3A_811 : memref<1x1x2x80xi32, #tpu.memory_space<hbm>> -> memref<2x80xi32, #tpu.memory_space<hbm>>
        tpu.enqueue_dma source(%dma_start3A_812 : memref<2x80xi32, #tpu.memory_space<hbm>>) target(%dma_start3A_808 : memref<2x80xi32, #tpu.memory_space<vmem>>) target_semaphore(%dma_start3A_804 : memref<!tpu.dma_semaphore, #tpu.memory_space<semaphore_mem>>)
      } else {
      }
      %add3A_272 = arith.constant 2 : i32
      %add3A_273 = arith.addi %add3A_257, %add3A_272 : i32
      %lt3A_274 = arith.constant 250 : i32
      %lt3A_275 = arith.cmpi slt, %add3A_273, %lt3A_274 : i32
      %convert_element_type3A_276 = arith.extui %lt3A_275 : i1 to i32
      %cond3A_277 = arith.constant 0 : i32
      %cond3A_278 = arith.cmpi ne, %convert_element_type3A_276, %cond3A_277 : i32
      scf.if %cond3A_278 {
        %add3A_789 = arith.constant 2 : i32
        %add3A_790 = arith.addi %add3A_257, %add3A_789 : i32
        %and3A_791 = arith.constant 7 : i32
        %and3A_792 = arith.andi %add3A_790, %and3A_791 : i32
        %and3A_793 = arith.constant 7 : i32
        %and3A_794 = arith.andi %add3A_790, %and3A_793 : i32
        %dma_wait3A_795 = arith.constant 0 : i32
        %dma_wait3A_796 = arith.constant 0 : i32
        %dma_wait3A_797 = tpu.memref_slice %arg12[%and3A_792, %dma_wait3A_795, %dma_wait3A_796] : memref<8x2x80xi32, #tpu.memory_space<vmem>> -> memref<1x2x80xi32, #tpu.memory_space<vmem>>
        %dma_wait3A_798 = tpu.memref_squeeze %dma_wait3A_797 : memref<1x2x80xi32, #tpu.memory_space<vmem>> -> memref<2x80xi32, #tpu.memory_space<vmem>>
        %dma_wait3A_799 = arith.constant 0 : i32
        %dma_wait3A_800 = arith.constant 0 : i32
        %dma_wait3A_801 = tpu.memref_slice %arg6[%arg1, %add3A_790, %dma_wait3A_799, %dma_wait3A_800] : memref<16x250x2x80xi32, #tpu.memory_space<hbm>> -> memref<1x1x2x80xi32, #tpu.memory_space<hbm>>
        %dma_wait3A_802 = tpu.memref_squeeze %dma_wait3A_801 : memref<1x1x2x80xi32, #tpu.memory_space<hbm>> -> memref<2x80xi32, #tpu.memory_space<hbm>>
        %dma_wait3A_803 = tpu.memref_slice %arg23[%and3A_794] : memref<8x!tpu.dma_semaphore, #tpu.memory_space<semaphore_mem>> -> memref<1x!tpu.dma_semaphore, #tpu.memory_space<semaphore_mem>>
        %dma_wait3A_804 = tpu.memref_squeeze %dma_wait3A_803 : memref<1x!tpu.dma_semaphore, #tpu.memory_space<semaphore_mem>> -> memref<!tpu.dma_semaphore, #tpu.memory_space<semaphore_mem>>
        %dma_wait3A_805 = arith.constant 0 : i32
        %dma_wait3A_806 = arith.constant 0 : i32
        %dma_wait3A_807 = tpu.memref_slice %arg12[%and3A_792, %dma_wait3A_805, %dma_wait3A_806] : memref<8x2x80xi32, #tpu.memory_space<vmem>> -> memref<1x2x80xi32, #tpu.memory_space<vmem>>
        %dma_wait3A_808 = tpu.memref_squeeze %dma_wait3A_807 : memref<1x2x80xi32, #tpu.memory_space<vmem>> -> memref<2x80xi32, #tpu.memory_space<vmem>>
        %dma_wait3A_809 = arith.constant 0 : i32
        %dma_wait3A_810 = arith.constant 0 : i32
        %dma_wait3A_811 = tpu.memref_slice %arg6[%arg1, %add3A_790, %dma_wait3A_809, %dma_wait3A_810] : memref<16x250x2x80xi32, #tpu.memory_space<hbm>> -> memref<1x1x2x80xi32, #tpu.memory_space<hbm>>
        %dma_wait3A_812 = tpu.memref_squeeze %dma_wait3A_811 : memref<1x1x2x80xi32, #tpu.memory_space<hbm>> -> memref<2x80xi32, #tpu.memory_space<hbm>>
        tpu.wait_dma2 semaphore(%dma_wait3A_804 : memref<!tpu.dma_semaphore, #tpu.memory_space<semaphore_mem>>) src(%dma_wait3A_812 : memref<2x80xi32, #tpu.memory_space<hbm>>) dst(%dma_wait3A_808 : memref<2x80xi32, #tpu.memory_space<vmem>>)
        %add3A_813 = arith.constant 2 : i32
        %add3A_814 = arith.addi %add3A_257, %add3A_813 : i32
        %and3A_815 = arith.constant 7 : i32
        %and3A_816 = arith.andi %add3A_814, %and3A_815 : i32
        %and3A_817 = arith.constant 3 : i32
        %and3A_818 = arith.andi %add3A_814, %and3A_817 : i32
        %and3A_819 = arith.constant 3 : i32
        %and3A_820 = arith.andi %add3A_814, %and3A_819 : i32
        %dma_start3A_821 = arith.constant 1 : i32
        %dma_start3A_822 = arith.constant 0 : i32
        %dma_start3A_823 = arith.constant 0 : i32
        %dma_start3A_824 = tpu.memref_slice %arg14[%and3A_818, %dma_start3A_822, %dma_start3A_823] : memref<4x80x64xf32, #tpu.memory_space<vmem>> -> memref<1x80x64xf32, #tpu.memory_space<vmem>>
        %dma_start3A_825 = tpu.memref_squeeze %dma_start3A_824 : memref<1x80x64xf32, #tpu.memory_space<vmem>> -> memref<80x64xf32, #tpu.memory_space<vmem>>
        %dma_start3A_826 = arith.constant 0 : i32
        %dma_start3A_827 = tpu.memref_slice %arg12[%and3A_816, %dma_start3A_821, %dma_start3A_826] : memref<8x2x80xi32, #tpu.memory_space<vmem>> -> memref<1x1x80xi32, #tpu.memory_space<vmem>>
        %dma_start3A_828 = tpu.memref_squeeze %dma_start3A_827 : memref<1x1x80xi32, #tpu.memory_space<vmem>> -> memref<80xi32, #tpu.memory_space<vmem>>
        %dma_start3A_829 = arith.constant 0 : i32
        %dma_start3A_830 = arith.constant 0 : i32
        %dma_start3A_831 = tpu.memref_slice %arg19[%dma_start3A_829, %dma_start3A_830] : memref<10000x64xf32, #tpu.memory_space<vmem_shared>> -> memref<10000x64xf32, #tpu.memory_space<vmem_shared>>
        %dma_start3A_832 = tpu.memref_slice %arg20[%and3A_820] : memref<4x!tpu.dma_semaphore, #tpu.memory_space<semaphore_mem>> -> memref<1x!tpu.dma_semaphore, #tpu.memory_space<semaphore_mem>>
        %dma_start3A_833 = tpu.memref_squeeze %dma_start3A_832 : memref<1x!tpu.dma_semaphore, #tpu.memory_space<semaphore_mem>> -> memref<!tpu.dma_semaphore, #tpu.memory_space<semaphore_mem>>
        tpu.enqueue_indirect_dma source(%dma_start3A_831 : memref<10000x64xf32, #tpu.memory_space<vmem_shared>>) target(%dma_start3A_825 : memref<80x64xf32, #tpu.memory_space<vmem>>) offsets(%dma_start3A_828 : memref<80xi32, #tpu.memory_space<vmem>>) semaphore(%dma_start3A_833 : memref<!tpu.dma_semaphore, #tpu.memory_space<semaphore_mem>>)
      } else {
      }
      %get3A_279 = arith.constant 0 : i32
      %get3A_280 = arith.index_cast %and3A_258 : i32 to index
      %get3A_281 = arith.index_cast %get3A_279 : i32 to index
      %get3A_282 = arith.constant 0 : index
      %get3A_283 = tpu.vector_load %arg12[%get3A_280, %get3A_281, %get3A_282] {strides = array<i32>} : memref<8x2x80xi32, #tpu.memory_space<vmem>>, vector<16xi32>,
      %get3A_284 = arith.constant 1 : i32
      %get3A_285 = arith.index_cast %and3A_258 : i32 to index
      %get3A_286 = arith.index_cast %get3A_284 : i32 to index
      %get3A_287 = arith.constant 0 : index
      %get3A_288 = tpu.vector_load %arg12[%get3A_285, %get3A_286, %get3A_287] {strides = array<i32>} : memref<8x2x80xi32, #tpu.memory_space<vmem>>, vector<16xi32>,
      %gather3A = tpu.vector_load_idx %arg10[%get3A_283] : memref<10000xf32, #tpu.memory_space<vmem>>[vector<16xi32>], vector<16xf32>,
      %gather3A_289 = tpu.vector_load_idx %arg11[%get3A_288] : memref<10000xf32, #tpu.memory_space<vmem>>[vector<16xi32>], vector<16xf32>,
      %add3A_290 = arith.addf %gather3A, %gather3A_289 : vector<16xf32>
      %ge3A_291 = arith.constant 0.000000e+00 : f32
      %ge3A_292 = vector.broadcast %ge3A_291 : f32 to vector<16xf32>
      %ge3A_293 = arith.cmpf oge, %add3A_290, %ge3A_292 : vector<16xf32>
      %mul3A_294 = arith.constant 2.000000e-01 : f32
      %mul3A_295 = vector.broadcast %mul3A_294 : f32 to vector<16xf32>
      %mul3A_296 = arith.mulf %mul3A_295, %add3A_290 : vector<16xf32>
      %select_n3A = arith.select %ge3A_293, %add3A_290, %mul3A_296 : vector<16xi1>, vector<16xf32>
      %sub3A = arith.subf %select_n3A, %get3A_22 : vector<16xf32>
      %mul3A_297 = arith.constant 1.44269502 : f32
      %mul3A_298 = vector.broadcast %mul3A_297 : f32 to vector<16xf32>
      %mul3A_299 = arith.mulf %sub3A, %mul3A_298 : vector<16xf32>
      %convert_element_type3A_300 = arith.fptosi %mul3A_299 : vector<16xf32> to vector<16xi32>
      %max3A = arith.constant -126 : i32
      %max3A_301 = vector.broadcast %max3A : i32 to vector<16xi32>
      %max3A_302 = arith.maxsi %convert_element_type3A_300, %max3A_301 : vector<16xi32>
      %convert_element_type3A_303 = arith.sitofp %max3A_302 : vector<16xi32> to vector<16xf32>
      %sub3A_304 = arith.subf %mul3A_299, %convert_element_type3A_303 : vector<16xf32>
      %mul3A_305 = arith.constant 0.693147182 : f32
      %mul3A_306 = vector.broadcast %mul3A_305 : f32 to vector<16xf32>
      %mul3A_307 = arith.mulf %sub3A_304, %mul3A_306 : vector<16xf32>
      %broadcast_in_dim3A_308 = arith.constant 1.000000e+00 : f32
      %broadcast_in_dim3A_309 = vector.broadcast %broadcast_in_dim3A_308 : f32 to vector<16xf32>
      %mul3A_310 = arith.mulf %broadcast_in_dim3A_309, %mul3A_307 : vector<16xf32>
      %mul3A_311 = arith.constant 0.142857149 : f32
      %mul3A_312 = vector.broadcast %mul3A_311 : f32 to vector<16xf32>
      %mul3A_313 = arith.mulf %mul3A_310, %mul3A_312 : vector<16xf32>
      %add3A_314 = arith.constant 1.000000e+00 : f32
      %add3A_315 = vector.broadcast %add3A_314 : f32 to vector<16xf32>
      %add3A_316 = arith.addf %add3A_315, %mul3A_313 : vector<16xf32>
      %mul3A_317 = arith.mulf %add3A_316, %mul3A_307 : vector<16xf32>
      %mul3A_318 = arith.constant 0.166666672 : f32
      %mul3A_319 = vector.broadcast %mul3A_318 : f32 to vector<16xf32>
      %mul3A_320 = arith.mulf %mul3A_317, %mul3A_319 : vector<16xf32>
      %add3A_321 = arith.constant 1.000000e+00 : f32
      %add3A_322 = vector.broadcast %add3A_321 : f32 to vector<16xf32>
      %add3A_323 = arith.addf %add3A_322, %mul3A_320 : vector<16xf32>
      %mul3A_324 = arith.mulf %add3A_323, %mul3A_307 : vector<16xf32>
      %mul3A_325 = arith.constant 2.000000e-01 : f32
      %mul3A_326 = vector.broadcast %mul3A_325 : f32 to vector<16xf32>
      %mul3A_327 = arith.mulf %mul3A_324, %mul3A_326 : vector<16xf32>
      %add3A_328 = arith.constant 1.000000e+00 : f32
      %add3A_329 = vector.broadcast %add3A_328 : f32 to vector<16xf32>
      %add3A_330 = arith.addf %add3A_329, %mul3A_327 : vector<16xf32>
      %mul3A_331 = arith.mulf %add3A_330, %mul3A_307 : vector<16xf32>
      %mul3A_332 = arith.constant 2.500000e-01 : f32
      %mul3A_333 = vector.broadcast %mul3A_332 : f32 to vector<16xf32>
      %mul3A_334 = arith.mulf %mul3A_331, %mul3A_333 : vector<16xf32>
      %add3A_335 = arith.constant 1.000000e+00 : f32
      %add3A_336 = vector.broadcast %add3A_335 : f32 to vector<16xf32>
      %add3A_337 = arith.addf %add3A_336, %mul3A_334 : vector<16xf32>
      %mul3A_338 = arith.mulf %add3A_337, %mul3A_307 : vector<16xf32>
      %mul3A_339 = arith.constant 0.333333343 : f32
      %mul3A_340 = vector.broadcast %mul3A_339 : f32 to vector<16xf32>
      %mul3A_341 = arith.mulf %mul3A_338, %mul3A_340 : vector<16xf32>
      %add3A_342 = arith.constant 1.000000e+00 : f32
      %add3A_343 = vector.broadcast %add3A_342 : f32 to vector<16xf32>
      %add3A_344 = arith.addf %add3A_343, %mul3A_341 : vector<16xf32>
      %mul3A_345 = arith.mulf %add3A_344, %mul3A_307 : vector<16xf32>
      %mul3A_346 = arith.constant 5.000000e-01 : f32
      %mul3A_347 = vector.broadcast %mul3A_346 : f32 to vector<16xf32>
      %mul3A_348 = arith.mulf %mul3A_345, %mul3A_347 : vector<16xf32>
      %add3A_349 = arith.constant 1.000000e+00 : f32
      %add3A_350 = vector.broadcast %add3A_349 : f32 to vector<16xf32>
      %add3A_351 = arith.addf %add3A_350, %mul3A_348 : vector<16xf32>
      %mul3A_352 = arith.mulf %add3A_351, %mul3A_307 : vector<16xf32>
      %mul3A_353 = arith.constant 1.000000e+00 : f32
      %mul3A_354 = vector.broadcast %mul3A_353 : f32 to vector<16xf32>
      %mul3A_355 = arith.mulf %mul3A_352, %mul3A_354 : vector<16xf32>
      %add3A_356 = arith.constant 1.000000e+00 : f32
      %add3A_357 = vector.broadcast %add3A_356 : f32 to vector<16xf32>
      %add3A_358 = arith.addf %add3A_357, %mul3A_355 : vector<16xf32>
      %add3A_359 = arith.constant 127 : i32
      %add3A_360 = vector.broadcast %add3A_359 : i32 to vector<16xi32>
      %add3A_361 = arith.addi %max3A_302, %add3A_360 : vector<16xi32>
      %shift_left3A = arith.constant 23 : i32
      %shift_left3A_362 = vector.broadcast %shift_left3A : i32 to vector<16xi32>
      %shift_left3A_363 = arith.shli %add3A_361, %shift_left3A_362 : vector<16xi32>
      %bitcast3A = vector.bitcast %shift_left3A_363 : vector<16xi32> to vector<16xf32>
      %mul3A_364 = arith.mulf %add3A_358, %bitcast3A : vector<16xf32>
      %swap3A = arith.index_cast %and3A_260 : i32 to index
      %swap3A_365 = arith.constant 0 : index
      %swap3A_366 = tpu.vector_load %arg13[%swap3A, %swap3A_365] {strides = array<i32>} : memref<4x80xf32, #tpu.memory_space<vmem>>, vector<16xf32>,
      tpu.vector_store %arg13[%swap3A, %swap3A_365], %mul3A_364 {strides = array<i32>} : memref<4x80xf32, #tpu.memory_space<vmem>>, vector<16xf32>,
      %get3A_367 = arith.constant 0 : i32
      %get3A_368 = arith.index_cast %and3A_258 : i32 to index
      %get3A_369 = arith.index_cast %get3A_367 : i32 to index
      %get3A_370 = arith.constant 16 : index
      %get3A_371 = tpu.vector_load %arg12[%get3A_368, %get3A_369, %get3A_370] {strides = array<i32>} : memref<8x2x80xi32, #tpu.memory_space<vmem>>, vector<16xi32>,
      %get3A_372 = arith.constant 1 : i32
      %get3A_373 = arith.index_cast %and3A_258 : i32 to index
      %get3A_374 = arith.index_cast %get3A_372 : i32 to index
      %get3A_375 = arith.constant 16 : index
      %get3A_376 = tpu.vector_load %arg12[%get3A_373, %get3A_374, %get3A_375] {strides = array<i32>} : memref<8x2x80xi32, #tpu.memory_space<vmem>>, vector<16xi32>,
      %gather3A_377 = tpu.vector_load_idx %arg10[%get3A_371] : memref<10000xf32, #tpu.memory_space<vmem>>[vector<16xi32>], vector<16xf32>,
      %gather3A_378 = tpu.vector_load_idx %arg11[%get3A_376] : memref<10000xf32, #tpu.memory_space<vmem>>[vector<16xi32>], vector<16xf32>,
      %add3A_379 = arith.addf %gather3A_377, %gather3A_378 : vector<16xf32>
      %ge3A_380 = arith.constant 0.000000e+00 : f32
      %ge3A_381 = vector.broadcast %ge3A_380 : f32 to vector<16xf32>
      %ge3A_382 = arith.cmpf oge, %add3A_379, %ge3A_381 : vector<16xf32>
      %mul3A_383 = arith.constant 2.000000e-01 : f32
      %mul3A_384 = vector.broadcast %mul3A_383 : f32 to vector<16xf32>
      %mul3A_385 = arith.mulf %mul3A_384, %add3A_379 : vector<16xf32>
      %select_n3A_386 = arith.select %ge3A_382, %add3A_379, %mul3A_385 : vector<16xi1>, vector<16xf32>
      %sub3A_387 = arith.subf %select_n3A_386, %get3A_22 : vector<16xf32>
      %mul3A_388 = arith.constant 1.44269502 : f32
      %mul3A_389 = vector.broadcast %mul3A_388 : f32 to vector<16xf32>
      %mul3A_390 = arith.mulf %sub3A_387, %mul3A_389 : vector<16xf32>
      %convert_element_type3A_391 = arith.fptosi %mul3A_390 : vector<16xf32> to vector<16xi32>
      %max3A_392 = arith.constant -126 : i32
      %max3A_393 = vector.broadcast %max3A_392 : i32 to vector<16xi32>
      %max3A_394 = arith.maxsi %convert_element_type3A_391, %max3A_393 : vector<16xi32>
      %convert_element_type3A_395 = arith.sitofp %max3A_394 : vector<16xi32> to vector<16xf32>
      %sub3A_396 = arith.subf %mul3A_390, %convert_element_type3A_395 : vector<16xf32>
      %mul3A_397 = arith.constant 0.693147182 : f32
      %mul3A_398 = vector.broadcast %mul3A_397 : f32 to vector<16xf32>
      %mul3A_399 = arith.mulf %sub3A_396, %mul3A_398 : vector<16xf32>
      %broadcast_in_dim3A_400 = arith.constant 1.000000e+00 : f32
      %broadcast_in_dim3A_401 = vector.broadcast %broadcast_in_dim3A_400 : f32 to vector<16xf32>
      %mul3A_402 = arith.mulf %broadcast_in_dim3A_401, %mul3A_399 : vector<16xf32>
      %mul3A_403 = arith.constant 0.142857149 : f32
      %mul3A_404 = vector.broadcast %mul3A_403 : f32 to vector<16xf32>
      %mul3A_405 = arith.mulf %mul3A_402, %mul3A_404 : vector<16xf32>
      %add3A_406 = arith.constant 1.000000e+00 : f32
      %add3A_407 = vector.broadcast %add3A_406 : f32 to vector<16xf32>
      %add3A_408 = arith.addf %add3A_407, %mul3A_405 : vector<16xf32>
      %mul3A_409 = arith.mulf %add3A_408, %mul3A_399 : vector<16xf32>
      %mul3A_410 = arith.constant 0.166666672 : f32
      %mul3A_411 = vector.broadcast %mul3A_410 : f32 to vector<16xf32>
      %mul3A_412 = arith.mulf %mul3A_409, %mul3A_411 : vector<16xf32>
      %add3A_413 = arith.constant 1.000000e+00 : f32
      %add3A_414 = vector.broadcast %add3A_413 : f32 to vector<16xf32>
      %add3A_415 = arith.addf %add3A_414, %mul3A_412 : vector<16xf32>
      %mul3A_416 = arith.mulf %add3A_415, %mul3A_399 : vector<16xf32>
      %mul3A_417 = arith.constant 2.000000e-01 : f32
      %mul3A_418 = vector.broadcast %mul3A_417 : f32 to vector<16xf32>
      %mul3A_419 = arith.mulf %mul3A_416, %mul3A_418 : vector<16xf32>
      %add3A_420 = arith.constant 1.000000e+00 : f32
      %add3A_421 = vector.broadcast %add3A_420 : f32 to vector<16xf32>
      %add3A_422 = arith.addf %add3A_421, %mul3A_419 : vector<16xf32>
      %mul3A_423 = arith.mulf %add3A_422, %mul3A_399 : vector<16xf32>
      %mul3A_424 = arith.constant 2.500000e-01 : f32
      %mul3A_425 = vector.broadcast %mul3A_424 : f32 to vector<16xf32>
      %mul3A_426 = arith.mulf %mul3A_423, %mul3A_425 : vector<16xf32>
      %add3A_427 = arith.constant 1.000000e+00 : f32
      %add3A_428 = vector.broadcast %add3A_427 : f32 to vector<16xf32>
      %add3A_429 = arith.addf %add3A_428, %mul3A_426 : vector<16xf32>
      %mul3A_430 = arith.mulf %add3A_429, %mul3A_399 : vector<16xf32>
      %mul3A_431 = arith.constant 0.333333343 : f32
      %mul3A_432 = vector.broadcast %mul3A_431 : f32 to vector<16xf32>
      %mul3A_433 = arith.mulf %mul3A_430, %mul3A_432 : vector<16xf32>
      %add3A_434 = arith.constant 1.000000e+00 : f32
      %add3A_435 = vector.broadcast %add3A_434 : f32 to vector<16xf32>
      %add3A_436 = arith.addf %add3A_435, %mul3A_433 : vector<16xf32>
      %mul3A_437 = arith.mulf %add3A_436, %mul3A_399 : vector<16xf32>
      %mul3A_438 = arith.constant 5.000000e-01 : f32
      %mul3A_439 = vector.broadcast %mul3A_438 : f32 to vector<16xf32>
      %mul3A_440 = arith.mulf %mul3A_437, %mul3A_439 : vector<16xf32>
      %add3A_441 = arith.constant 1.000000e+00 : f32
      %add3A_442 = vector.broadcast %add3A_441 : f32 to vector<16xf32>
      %add3A_443 = arith.addf %add3A_442, %mul3A_440 : vector<16xf32>
      %mul3A_444 = arith.mulf %add3A_443, %mul3A_399 : vector<16xf32>
      %mul3A_445 = arith.constant 1.000000e+00 : f32
      %mul3A_446 = vector.broadcast %mul3A_445 : f32 to vector<16xf32>
      %mul3A_447 = arith.mulf %mul3A_444, %mul3A_446 : vector<16xf32>
      %add3A_448 = arith.constant 1.000000e+00 : f32
      %add3A_449 = vector.broadcast %add3A_448 : f32 to vector<16xf32>
      %add3A_450 = arith.addf %add3A_449, %mul3A_447 : vector<16xf32>
      %add3A_451 = arith.constant 127 : i32
      %add3A_452 = vector.broadcast %add3A_451 : i32 to vector<16xi32>
      %add3A_453 = arith.addi %max3A_394, %add3A_452 : vector<16xi32>
      %shift_left3A_454 = arith.constant 23 : i32
      %shift_left3A_455 = vector.broadcast %shift_left3A_454 : i32 to vector<16xi32>
      %shift_left3A_456 = arith.shli %add3A_453, %shift_left3A_455 : vector<16xi32>
      %bitcast3A_457 = vector.bitcast %shift_left3A_456 : vector<16xi32> to vector<16xf32>
      %mul3A_458 = arith.mulf %add3A_450, %bitcast3A_457 : vector<16xf32>
      %swap3A_459 = arith.index_cast %and3A_260 : i32 to index
      %swap3A_460 = arith.constant 16 : index
      %swap3A_461 = tpu.vector_load %arg13[%swap3A_459, %swap3A_460] {strides = array<i32>} : memref<4x80xf32, #tpu.memory_space<vmem>>, vector<16xf32>,
      tpu.vector_store %arg13[%swap3A_459, %swap3A_460], %mul3A_458 {strides = array<i32>} : memref<4x80xf32, #tpu.memory_space<vmem>>, vector<16xf32>,
      %get3A_462 = arith.constant 0 : i32
      %get3A_463 = arith.index_cast %and3A_258 : i32 to index
      %get3A_464 = arith.index_cast %get3A_462 : i32 to index
      %get3A_465 = arith.constant 32 : index
      %get3A_466 = tpu.vector_load %arg12[%get3A_463, %get3A_464, %get3A_465] {strides = array<i32>} : memref<8x2x80xi32, #tpu.memory_space<vmem>>, vector<16xi32>,
      %get3A_467 = arith.constant 1 : i32
      %get3A_468 = arith.index_cast %and3A_258 : i32 to index
      %get3A_469 = arith.index_cast %get3A_467 : i32 to index
      %get3A_470 = arith.constant 32 : index
      %get3A_471 = tpu.vector_load %arg12[%get3A_468, %get3A_469, %get3A_470] {strides = array<i32>} : memref<8x2x80xi32, #tpu.memory_space<vmem>>, vector<16xi32>,
      %gather3A_472 = tpu.vector_load_idx %arg10[%get3A_466] : memref<10000xf32, #tpu.memory_space<vmem>>[vector<16xi32>], vector<16xf32>,
      %gather3A_473 = tpu.vector_load_idx %arg11[%get3A_471] : memref<10000xf32, #tpu.memory_space<vmem>>[vector<16xi32>], vector<16xf32>,
      %add3A_474 = arith.addf %gather3A_472, %gather3A_473 : vector<16xf32>
      %ge3A_475 = arith.constant 0.000000e+00 : f32
      %ge3A_476 = vector.broadcast %ge3A_475 : f32 to vector<16xf32>
      %ge3A_477 = arith.cmpf oge, %add3A_474, %ge3A_476 : vector<16xf32>
      %mul3A_478 = arith.constant 2.000000e-01 : f32
      %mul3A_479 = vector.broadcast %mul3A_478 : f32 to vector<16xf32>
      %mul3A_480 = arith.mulf %mul3A_479, %add3A_474 : vector<16xf32>
      %select_n3A_481 = arith.select %ge3A_477, %add3A_474, %mul3A_480 : vector<16xi1>, vector<16xf32>
      %sub3A_482 = arith.subf %select_n3A_481, %get3A_22 : vector<16xf32>
      %mul3A_483 = arith.constant 1.44269502 : f32
      %mul3A_484 = vector.broadcast %mul3A_483 : f32 to vector<16xf32>
      %mul3A_485 = arith.mulf %sub3A_482, %mul3A_484 : vector<16xf32>
      %convert_element_type3A_486 = arith.fptosi %mul3A_485 : vector<16xf32> to vector<16xi32>
      %max3A_487 = arith.constant -126 : i32
      %max3A_488 = vector.broadcast %max3A_487 : i32 to vector<16xi32>
      %max3A_489 = arith.maxsi %convert_element_type3A_486, %max3A_488 : vector<16xi32>
      %convert_element_type3A_490 = arith.sitofp %max3A_489 : vector<16xi32> to vector<16xf32>
      %sub3A_491 = arith.subf %mul3A_485, %convert_element_type3A_490 : vector<16xf32>
      %mul3A_492 = arith.constant 0.693147182 : f32
      %mul3A_493 = vector.broadcast %mul3A_492 : f32 to vector<16xf32>
      %mul3A_494 = arith.mulf %sub3A_491, %mul3A_493 : vector<16xf32>
      %broadcast_in_dim3A_495 = arith.constant 1.000000e+00 : f32
      %broadcast_in_dim3A_496 = vector.broadcast %broadcast_in_dim3A_495 : f32 to vector<16xf32>
      %mul3A_497 = arith.mulf %broadcast_in_dim3A_496, %mul3A_494 : vector<16xf32>
      %mul3A_498 = arith.constant 0.142857149 : f32
      %mul3A_499 = vector.broadcast %mul3A_498 : f32 to vector<16xf32>
      %mul3A_500 = arith.mulf %mul3A_497, %mul3A_499 : vector<16xf32>
      %add3A_501 = arith.constant 1.000000e+00 : f32
      %add3A_502 = vector.broadcast %add3A_501 : f32 to vector<16xf32>
      %add3A_503 = arith.addf %add3A_502, %mul3A_500 : vector<16xf32>
      %mul3A_504 = arith.mulf %add3A_503, %mul3A_494 : vector<16xf32>
      %mul3A_505 = arith.constant 0.166666672 : f32
      %mul3A_506 = vector.broadcast %mul3A_505 : f32 to vector<16xf32>
      %mul3A_507 = arith.mulf %mul3A_504, %mul3A_506 : vector<16xf32>
      %add3A_508 = arith.constant 1.000000e+00 : f32
      %add3A_509 = vector.broadcast %add3A_508 : f32 to vector<16xf32>
      %add3A_510 = arith.addf %add3A_509, %mul3A_507 : vector<16xf32>
      %mul3A_511 = arith.mulf %add3A_510, %mul3A_494 : vector<16xf32>
      %mul3A_512 = arith.constant 2.000000e-01 : f32
      %mul3A_513 = vector.broadcast %mul3A_512 : f32 to vector<16xf32>
      %mul3A_514 = arith.mulf %mul3A_511, %mul3A_513 : vector<16xf32>
      %add3A_515 = arith.constant 1.000000e+00 : f32
      %add3A_516 = vector.broadcast %add3A_515 : f32 to vector<16xf32>
      %add3A_517 = arith.addf %add3A_516, %mul3A_514 : vector<16xf32>
      %mul3A_518 = arith.mulf %add3A_517, %mul3A_494 : vector<16xf32>
      %mul3A_519 = arith.constant 2.500000e-01 : f32
      %mul3A_520 = vector.broadcast %mul3A_519 : f32 to vector<16xf32>
      %mul3A_521 = arith.mulf %mul3A_518, %mul3A_520 : vector<16xf32>
      %add3A_522 = arith.constant 1.000000e+00 : f32
      %add3A_523 = vector.broadcast %add3A_522 : f32 to vector<16xf32>
      %add3A_524 = arith.addf %add3A_523, %mul3A_521 : vector<16xf32>
      %mul3A_525 = arith.mulf %add3A_524, %mul3A_494 : vector<16xf32>
      %mul3A_526 = arith.constant 0.333333343 : f32
      %mul3A_527 = vector.broadcast %mul3A_526 : f32 to vector<16xf32>
      %mul3A_528 = arith.mulf %mul3A_525, %mul3A_527 : vector<16xf32>
      %add3A_529 = arith.constant 1.000000e+00 : f32
      %add3A_530 = vector.broadcast %add3A_529 : f32 to vector<16xf32>
      %add3A_531 = arith.addf %add3A_530, %mul3A_528 : vector<16xf32>
      %mul3A_532 = arith.mulf %add3A_531, %mul3A_494 : vector<16xf32>
      %mul3A_533 = arith.constant 5.000000e-01 : f32
      %mul3A_534 = vector.broadcast %mul3A_533 : f32 to vector<16xf32>
      %mul3A_535 = arith.mulf %mul3A_532, %mul3A_534 : vector<16xf32>
      %add3A_536 = arith.constant 1.000000e+00 : f32
      %add3A_537 = vector.broadcast %add3A_536 : f32 to vector<16xf32>
      %add3A_538 = arith.addf %add3A_537, %mul3A_535 : vector<16xf32>
      %mul3A_539 = arith.mulf %add3A_538, %mul3A_494 : vector<16xf32>
      %mul3A_540 = arith.constant 1.000000e+00 : f32
      %mul3A_541 = vector.broadcast %mul3A_540 : f32 to vector<16xf32>
      %mul3A_542 = arith.mulf %mul3A_539, %mul3A_541 : vector<16xf32>
      %add3A_543 = arith.constant 1.000000e+00 : f32
      %add3A_544 = vector.broadcast %add3A_543 : f32 to vector<16xf32>
      %add3A_545 = arith.addf %add3A_544, %mul3A_542 : vector<16xf32>
      %add3A_546 = arith.constant 127 : i32
      %add3A_547 = vector.broadcast %add3A_546 : i32 to vector<16xi32>
      %add3A_548 = arith.addi %max3A_489, %add3A_547 : vector<16xi32>
      %shift_left3A_549 = arith.constant 23 : i32
      %shift_left3A_550 = vector.broadcast %shift_left3A_549 : i32 to vector<16xi32>
      %shift_left3A_551 = arith.shli %add3A_548, %shift_left3A_550 : vector<16xi32>
      %bitcast3A_552 = vector.bitcast %shift_left3A_551 : vector<16xi32> to vector<16xf32>
      %mul3A_553 = arith.mulf %add3A_545, %bitcast3A_552 : vector<16xf32>
      %swap3A_554 = arith.index_cast %and3A_260 : i32 to index
      %swap3A_555 = arith.constant 32 : index
      %swap3A_556 = tpu.vector_load %arg13[%swap3A_554, %swap3A_555] {strides = array<i32>} : memref<4x80xf32, #tpu.memory_space<vmem>>, vector<16xf32>,
      tpu.vector_store %arg13[%swap3A_554, %swap3A_555], %mul3A_553 {strides = array<i32>} : memref<4x80xf32, #tpu.memory_space<vmem>>, vector<16xf32>,
      %get3A_557 = arith.constant 0 : i32
      %get3A_558 = arith.index_cast %and3A_258 : i32 to index
      %get3A_559 = arith.index_cast %get3A_557 : i32 to index
      %get3A_560 = arith.constant 48 : index
      %get3A_561 = tpu.vector_load %arg12[%get3A_558, %get3A_559, %get3A_560] {strides = array<i32>} : memref<8x2x80xi32, #tpu.memory_space<vmem>>, vector<16xi32>,
      %get3A_562 = arith.constant 1 : i32
      %get3A_563 = arith.index_cast %and3A_258 : i32 to index
      %get3A_564 = arith.index_cast %get3A_562 : i32 to index
      %get3A_565 = arith.constant 48 : index
      %get3A_566 = tpu.vector_load %arg12[%get3A_563, %get3A_564, %get3A_565] {strides = array<i32>} : memref<8x2x80xi32, #tpu.memory_space<vmem>>, vector<16xi32>,
      %gather3A_567 = tpu.vector_load_idx %arg10[%get3A_561] : memref<10000xf32, #tpu.memory_space<vmem>>[vector<16xi32>], vector<16xf32>,
      %gather3A_568 = tpu.vector_load_idx %arg11[%get3A_566] : memref<10000xf32, #tpu.memory_space<vmem>>[vector<16xi32>], vector<16xf32>,
      %add3A_569 = arith.addf %gather3A_567, %gather3A_568 : vector<16xf32>
      %ge3A_570 = arith.constant 0.000000e+00 : f32
      %ge3A_571 = vector.broadcast %ge3A_570 : f32 to vector<16xf32>
      %ge3A_572 = arith.cmpf oge, %add3A_569, %ge3A_571 : vector<16xf32>
      %mul3A_573 = arith.constant 2.000000e-01 : f32
      %mul3A_574 = vector.broadcast %mul3A_573 : f32 to vector<16xf32>
      %mul3A_575 = arith.mulf %mul3A_574, %add3A_569 : vector<16xf32>
      %select_n3A_576 = arith.select %ge3A_572, %add3A_569, %mul3A_575 : vector<16xi1>, vector<16xf32>
      %sub3A_577 = arith.subf %select_n3A_576, %get3A_22 : vector<16xf32>
      %mul3A_578 = arith.constant 1.44269502 : f32
      %mul3A_579 = vector.broadcast %mul3A_578 : f32 to vector<16xf32>
      %mul3A_580 = arith.mulf %sub3A_577, %mul3A_579 : vector<16xf32>
      %convert_element_type3A_581 = arith.fptosi %mul3A_580 : vector<16xf32> to vector<16xi32>
      %max3A_582 = arith.constant -126 : i32
      %max3A_583 = vector.broadcast %max3A_582 : i32 to vector<16xi32>
      %max3A_584 = arith.maxsi %convert_element_type3A_581, %max3A_583 : vector<16xi32>
      %convert_element_type3A_585 = arith.sitofp %max3A_584 : vector<16xi32> to vector<16xf32>
      %sub3A_586 = arith.subf %mul3A_580, %convert_element_type3A_585 : vector<16xf32>
      %mul3A_587 = arith.constant 0.693147182 : f32
      %mul3A_588 = vector.broadcast %mul3A_587 : f32 to vector<16xf32>
      %mul3A_589 = arith.mulf %sub3A_586, %mul3A_588 : vector<16xf32>
      %broadcast_in_dim3A_590 = arith.constant 1.000000e+00 : f32
      %broadcast_in_dim3A_591 = vector.broadcast %broadcast_in_dim3A_590 : f32 to vector<16xf32>
      %mul3A_592 = arith.mulf %broadcast_in_dim3A_591, %mul3A_589 : vector<16xf32>
      %mul3A_593 = arith.constant 0.142857149 : f32
      %mul3A_594 = vector.broadcast %mul3A_593 : f32 to vector<16xf32>
      %mul3A_595 = arith.mulf %mul3A_592, %mul3A_594 : vector<16xf32>
      %add3A_596 = arith.constant 1.000000e+00 : f32
      %add3A_597 = vector.broadcast %add3A_596 : f32 to vector<16xf32>
      %add3A_598 = arith.addf %add3A_597, %mul3A_595 : vector<16xf32>
      %mul3A_599 = arith.mulf %add3A_598, %mul3A_589 : vector<16xf32>
      %mul3A_600 = arith.constant 0.166666672 : f32
      %mul3A_601 = vector.broadcast %mul3A_600 : f32 to vector<16xf32>
      %mul3A_602 = arith.mulf %mul3A_599, %mul3A_601 : vector<16xf32>
      %add3A_603 = arith.constant 1.000000e+00 : f32
      %add3A_604 = vector.broadcast %add3A_603 : f32 to vector<16xf32>
      %add3A_605 = arith.addf %add3A_604, %mul3A_602 : vector<16xf32>
      %mul3A_606 = arith.mulf %add3A_605, %mul3A_589 : vector<16xf32>
      %mul3A_607 = arith.constant 2.000000e-01 : f32
      %mul3A_608 = vector.broadcast %mul3A_607 : f32 to vector<16xf32>
      %mul3A_609 = arith.mulf %mul3A_606, %mul3A_608 : vector<16xf32>
      %add3A_610 = arith.constant 1.000000e+00 : f32
      %add3A_611 = vector.broadcast %add3A_610 : f32 to vector<16xf32>
      %add3A_612 = arith.addf %add3A_611, %mul3A_609 : vector<16xf32>
      %mul3A_613 = arith.mulf %add3A_612, %mul3A_589 : vector<16xf32>
      %mul3A_614 = arith.constant 2.500000e-01 : f32
      %mul3A_615 = vector.broadcast %mul3A_614 : f32 to vector<16xf32>
      %mul3A_616 = arith.mulf %mul3A_613, %mul3A_615 : vector<16xf32>
      %add3A_617 = arith.constant 1.000000e+00 : f32
      %add3A_618 = vector.broadcast %add3A_617 : f32 to vector<16xf32>
      %add3A_619 = arith.addf %add3A_618, %mul3A_616 : vector<16xf32>
      %mul3A_620 = arith.mulf %add3A_619, %mul3A_589 : vector<16xf32>
      %mul3A_621 = arith.constant 0.333333343 : f32
      %mul3A_622 = vector.broadcast %mul3A_621 : f32 to vector<16xf32>
      %mul3A_623 = arith.mulf %mul3A_620, %mul3A_622 : vector<16xf32>
      %add3A_624 = arith.constant 1.000000e+00 : f32
      %add3A_625 = vector.broadcast %add3A_624 : f32 to vector<16xf32>
      %add3A_626 = arith.addf %add3A_625, %mul3A_623 : vector<16xf32>
      %mul3A_627 = arith.mulf %add3A_626, %mul3A_589 : vector<16xf32>
      %mul3A_628 = arith.constant 5.000000e-01 : f32
      %mul3A_629 = vector.broadcast %mul3A_628 : f32 to vector<16xf32>
      %mul3A_630 = arith.mulf %mul3A_627, %mul3A_629 : vector<16xf32>
      %add3A_631 = arith.constant 1.000000e+00 : f32
      %add3A_632 = vector.broadcast %add3A_631 : f32 to vector<16xf32>
      %add3A_633 = arith.addf %add3A_632, %mul3A_630 : vector<16xf32>
      %mul3A_634 = arith.mulf %add3A_633, %mul3A_589 : vector<16xf32>
      %mul3A_635 = arith.constant 1.000000e+00 : f32
      %mul3A_636 = vector.broadcast %mul3A_635 : f32 to vector<16xf32>
      %mul3A_637 = arith.mulf %mul3A_634, %mul3A_636 : vector<16xf32>
      %add3A_638 = arith.constant 1.000000e+00 : f32
      %add3A_639 = vector.broadcast %add3A_638 : f32 to vector<16xf32>
      %add3A_640 = arith.addf %add3A_639, %mul3A_637 : vector<16xf32>
      %add3A_641 = arith.constant 127 : i32
      %add3A_642 = vector.broadcast %add3A_641 : i32 to vector<16xi32>
      %add3A_643 = arith.addi %max3A_584, %add3A_642 : vector<16xi32>
      %shift_left3A_644 = arith.constant 23 : i32
      %shift_left3A_645 = vector.broadcast %shift_left3A_644 : i32 to vector<16xi32>
      %shift_left3A_646 = arith.shli %add3A_643, %shift_left3A_645 : vector<16xi32>
      %bitcast3A_647 = vector.bitcast %shift_left3A_646 : vector<16xi32> to vector<16xf32>
      %mul3A_648 = arith.mulf %add3A_640, %bitcast3A_647 : vector<16xf32>
      %swap3A_649 = arith.index_cast %and3A_260 : i32 to index
      %swap3A_650 = arith.constant 48 : index
      %swap3A_651 = tpu.vector_load %arg13[%swap3A_649, %swap3A_650] {strides = array<i32>} : memref<4x80xf32, #tpu.memory_space<vmem>>, vector<16xf32>,
      tpu.vector_store %arg13[%swap3A_649, %swap3A_650], %mul3A_648 {strides = array<i32>} : memref<4x80xf32, #tpu.memory_space<vmem>>, vector<16xf32>,
      %get3A_652 = arith.constant 0 : i32
      %get3A_653 = arith.index_cast %and3A_258 : i32 to index
      %get3A_654 = arith.index_cast %get3A_652 : i32 to index
      %get3A_655 = arith.constant 64 : index
      %get3A_656 = tpu.vector_load %arg12[%get3A_653, %get3A_654, %get3A_655] {strides = array<i32>} : memref<8x2x80xi32, #tpu.memory_space<vmem>>, vector<16xi32>,
      %get3A_657 = arith.constant 1 : i32
      %get3A_658 = arith.index_cast %and3A_258 : i32 to index
      %get3A_659 = arith.index_cast %get3A_657 : i32 to index
      %get3A_660 = arith.constant 64 : index
      %get3A_661 = tpu.vector_load %arg12[%get3A_658, %get3A_659, %get3A_660] {strides = array<i32>} : memref<8x2x80xi32, #tpu.memory_space<vmem>>, vector<16xi32>,
      %gather3A_662 = tpu.vector_load_idx %arg10[%get3A_656] : memref<10000xf32, #tpu.memory_space<vmem>>[vector<16xi32>], vector<16xf32>,
      %gather3A_663 = tpu.vector_load_idx %arg11[%get3A_661] : memref<10000xf32, #tpu.memory_space<vmem>>[vector<16xi32>], vector<16xf32>,
      %add3A_664 = arith.addf %gather3A_662, %gather3A_663 : vector<16xf32>
      %ge3A_665 = arith.constant 0.000000e+00 : f32
      %ge3A_666 = vector.broadcast %ge3A_665 : f32 to vector<16xf32>
      %ge3A_667 = arith.cmpf oge, %add3A_664, %ge3A_666 : vector<16xf32>
      %mul3A_668 = arith.constant 2.000000e-01 : f32
      %mul3A_669 = vector.broadcast %mul3A_668 : f32 to vector<16xf32>
      %mul3A_670 = arith.mulf %mul3A_669, %add3A_664 : vector<16xf32>
      %select_n3A_671 = arith.select %ge3A_667, %add3A_664, %mul3A_670 : vector<16xi1>, vector<16xf32>
      %sub3A_672 = arith.subf %select_n3A_671, %get3A_22 : vector<16xf32>
      %mul3A_673 = arith.constant 1.44269502 : f32
      %mul3A_674 = vector.broadcast %mul3A_673 : f32 to vector<16xf32>
      %mul3A_675 = arith.mulf %sub3A_672, %mul3A_674 : vector<16xf32>
      %convert_element_type3A_676 = arith.fptosi %mul3A_675 : vector<16xf32> to vector<16xi32>
      %max3A_677 = arith.constant -126 : i32
      %max3A_678 = vector.broadcast %max3A_677 : i32 to vector<16xi32>
      %max3A_679 = arith.maxsi %convert_element_type3A_676, %max3A_678 : vector<16xi32>
      %convert_element_type3A_680 = arith.sitofp %max3A_679 : vector<16xi32> to vector<16xf32>
      %sub3A_681 = arith.subf %mul3A_675, %convert_element_type3A_680 : vector<16xf32>
      %mul3A_682 = arith.constant 0.693147182 : f32
      %mul3A_683 = vector.broadcast %mul3A_682 : f32 to vector<16xf32>
      %mul3A_684 = arith.mulf %sub3A_681, %mul3A_683 : vector<16xf32>
      %broadcast_in_dim3A_685 = arith.constant 1.000000e+00 : f32
      %broadcast_in_dim3A_686 = vector.broadcast %broadcast_in_dim3A_685 : f32 to vector<16xf32>
      %mul3A_687 = arith.mulf %broadcast_in_dim3A_686, %mul3A_684 : vector<16xf32>
      %mul3A_688 = arith.constant 0.142857149 : f32
      %mul3A_689 = vector.broadcast %mul3A_688 : f32 to vector<16xf32>
      %mul3A_690 = arith.mulf %mul3A_687, %mul3A_689 : vector<16xf32>
      %add3A_691 = arith.constant 1.000000e+00 : f32
      %add3A_692 = vector.broadcast %add3A_691 : f32 to vector<16xf32>
      %add3A_693 = arith.addf %add3A_692, %mul3A_690 : vector<16xf32>
      %mul3A_694 = arith.mulf %add3A_693, %mul3A_684 : vector<16xf32>
      %mul3A_695 = arith.constant 0.166666672 : f32
      %mul3A_696 = vector.broadcast %mul3A_695 : f32 to vector<16xf32>
      %mul3A_697 = arith.mulf %mul3A_694, %mul3A_696 : vector<16xf32>
      %add3A_698 = arith.constant 1.000000e+00 : f32
      %add3A_699 = vector.broadcast %add3A_698 : f32 to vector<16xf32>
      %add3A_700 = arith.addf %add3A_699, %mul3A_697 : vector<16xf32>
      %mul3A_701 = arith.mulf %add3A_700, %mul3A_684 : vector<16xf32>
      %mul3A_702 = arith.constant 2.000000e-01 : f32
      %mul3A_703 = vector.broadcast %mul3A_702 : f32 to vector<16xf32>
      %mul3A_704 = arith.mulf %mul3A_701, %mul3A_703 : vector<16xf32>
      %add3A_705 = arith.constant 1.000000e+00 : f32
      %add3A_706 = vector.broadcast %add3A_705 : f32 to vector<16xf32>
      %add3A_707 = arith.addf %add3A_706, %mul3A_704 : vector<16xf32>
      %mul3A_708 = arith.mulf %add3A_707, %mul3A_684 : vector<16xf32>
      %mul3A_709 = arith.constant 2.500000e-01 : f32
      %mul3A_710 = vector.broadcast %mul3A_709 : f32 to vector<16xf32>
      %mul3A_711 = arith.mulf %mul3A_708, %mul3A_710 : vector<16xf32>
      %add3A_712 = arith.constant 1.000000e+00 : f32
      %add3A_713 = vector.broadcast %add3A_712 : f32 to vector<16xf32>
      %add3A_714 = arith.addf %add3A_713, %mul3A_711 : vector<16xf32>
      %mul3A_715 = arith.mulf %add3A_714, %mul3A_684 : vector<16xf32>
      %mul3A_716 = arith.constant 0.333333343 : f32
      %mul3A_717 = vector.broadcast %mul3A_716 : f32 to vector<16xf32>
      %mul3A_718 = arith.mulf %mul3A_715, %mul3A_717 : vector<16xf32>
      %add3A_719 = arith.constant 1.000000e+00 : f32
      %add3A_720 = vector.broadcast %add3A_719 : f32 to vector<16xf32>
      %add3A_721 = arith.addf %add3A_720, %mul3A_718 : vector<16xf32>
      %mul3A_722 = arith.mulf %add3A_721, %mul3A_684 : vector<16xf32>
      %mul3A_723 = arith.constant 5.000000e-01 : f32
      %mul3A_724 = vector.broadcast %mul3A_723 : f32 to vector<16xf32>
      %mul3A_725 = arith.mulf %mul3A_722, %mul3A_724 : vector<16xf32>
      %add3A_726 = arith.constant 1.000000e+00 : f32
      %add3A_727 = vector.broadcast %add3A_726 : f32 to vector<16xf32>
      %add3A_728 = arith.addf %add3A_727, %mul3A_725 : vector<16xf32>
      %mul3A_729 = arith.mulf %add3A_728, %mul3A_684 : vector<16xf32>
      %mul3A_730 = arith.constant 1.000000e+00 : f32
      %mul3A_731 = vector.broadcast %mul3A_730 : f32 to vector<16xf32>
      %mul3A_732 = arith.mulf %mul3A_729, %mul3A_731 : vector<16xf32>
      %add3A_733 = arith.constant 1.000000e+00 : f32
      %add3A_734 = vector.broadcast %add3A_733 : f32 to vector<16xf32>
      %add3A_735 = arith.addf %add3A_734, %mul3A_732 : vector<16xf32>
      %add3A_736 = arith.constant 127 : i32
      %add3A_737 = vector.broadcast %add3A_736 : i32 to vector<16xi32>
      %add3A_738 = arith.addi %max3A_679, %add3A_737 : vector<16xi32>
      %shift_left3A_739 = arith.constant 23 : i32
      %shift_left3A_740 = vector.broadcast %shift_left3A_739 : i32 to vector<16xi32>
      %shift_left3A_741 = arith.shli %add3A_738, %shift_left3A_740 : vector<16xi32>
      %bitcast3A_742 = vector.bitcast %shift_left3A_741 : vector<16xi32> to vector<16xf32>
      %mul3A_743 = arith.mulf %add3A_735, %bitcast3A_742 : vector<16xf32>
      %swap3A_744 = arith.index_cast %and3A_260 : i32 to index
      %swap3A_745 = arith.constant 64 : index
      %swap3A_746 = tpu.vector_load %arg13[%swap3A_744, %swap3A_745] {strides = array<i32>} : memref<4x80xf32, #tpu.memory_space<vmem>>, vector<16xf32>,
      tpu.vector_store %arg13[%swap3A_744, %swap3A_745], %mul3A_743 {strides = array<i32>} : memref<4x80xf32, #tpu.memory_space<vmem>>, vector<16xf32>,
      %dma_wait3A_747 = arith.constant 1 : i32
      %dma_wait3A_748 = arith.constant 0 : i32
      %dma_wait3A_749 = arith.constant 0 : i32
      %dma_wait3A_750 = tpu.memref_slice %arg14[%and3A_260, %dma_wait3A_748, %dma_wait3A_749] : memref<4x80x64xf32, #tpu.memory_space<vmem>> -> memref<1x80x64xf32, #tpu.memory_space<vmem>>
      %dma_wait3A_751 = tpu.memref_squeeze %dma_wait3A_750 : memref<1x80x64xf32, #tpu.memory_space<vmem>> -> memref<80x64xf32, #tpu.memory_space<vmem>>
      %dma_wait3A_752 = arith.constant 0 : i32
      %dma_wait3A_753 = tpu.memref_slice %arg12[%and3A_258, %dma_wait3A_747, %dma_wait3A_752] : memref<8x2x80xi32, #tpu.memory_space<vmem>> -> memref<1x1x80xi32, #tpu.memory_space<vmem>>
      %dma_wait3A_754 = tpu.memref_squeeze %dma_wait3A_753 : memref<1x1x80xi32, #tpu.memory_space<vmem>> -> memref<80xi32, #tpu.memory_space<vmem>>
      %dma_wait3A_755 = arith.constant 0 : i32
      %dma_wait3A_756 = arith.constant 0 : i32
      %dma_wait3A_757 = tpu.memref_slice %arg19[%dma_wait3A_755, %dma_wait3A_756] : memref<10000x64xf32, #tpu.memory_space<vmem_shared>> -> memref<10000x64xf32, #tpu.memory_space<vmem_shared>>
      %dma_wait3A_758 = tpu.memref_slice %arg20[%and3A_260] : memref<4x!tpu.dma_semaphore, #tpu.memory_space<semaphore_mem>> -> memref<1x!tpu.dma_semaphore, #tpu.memory_space<semaphore_mem>>
      %dma_wait3A_759 = tpu.memref_squeeze %dma_wait3A_758 : memref<1x!tpu.dma_semaphore, #tpu.memory_space<semaphore_mem>> -> memref<!tpu.dma_semaphore, #tpu.memory_space<semaphore_mem>>
      tpu.wait_indirect_dma semaphore(%dma_wait3A_759 : memref<!tpu.dma_semaphore, #tpu.memory_space<semaphore_mem>>) src(%dma_wait3A_757 : memref<10000x64xf32, #tpu.memory_space<vmem_shared>>) dst(%dma_wait3A_751 : memref<80x64xf32, #tpu.memory_space<vmem>>)
      %scan3A_760 = arith.constant 0 : i32
      %scan3A_761 = arith.constant 80 : i32
      %scan3A_762 = arith.addi %scan3A_760, %scan3A_761 : i32
      %scan3A_763 = arith.constant 8 : i32
      scf.for %scan3A_789 = %scan3A_760 to %scan3A_762 step %scan3A_763  : i32 {
        %mul3A_790 = arith.constant 1 : i32
        %mul3A_791 = arith.muli %scan3A_789, %mul3A_790 : i32
        %add3A_792 = arith.constant 0 : i32
        %add3A_793 = arith.addi %add3A_792, %mul3A_791 : i32
        %broadcast_in_dim3A_794 = vector.broadcast %add3A_793 : i32 to vector<16xi32>
        %gather3A_795 = arith.constant 0 : i32
        %gather3A_796 = tpu.memref_slice %arg13[%and3A_260, %gather3A_795] : memref<4x80xf32, #tpu.memory_space<vmem>> -> memref<1x80xf32, #tpu.memory_space<vmem>>
        %gather3A_797 = tpu.memref_squeeze %gather3A_796 : memref<1x80xf32, #tpu.memory_space<vmem>> -> memref<80xf32, #tpu.memory_space<vmem>>
        %gather3A_798 = tpu.vector_load_idx %gather3A_797[%broadcast_in_dim3A_794] : memref<80xf32, #tpu.memory_space<vmem>>[vector<16xi32>], vector<16xf32>,
        %get3A_799 = arith.index_cast %and3A_260 : i32 to index
        %get3A_800 = arith.index_cast %add3A_793 : i32 to index
        %get3A_801 = arith.constant 0 : index
        %get3A_802 = tpu.vector_load %arg14[%get3A_799, %get3A_800, %get3A_801] {strides = array<i32>} : memref<4x80x64xf32, #tpu.memory_space<vmem>>, vector<16xf32>,
        %mul3A_803 = arith.mulf %get3A_802, %gather3A_798 : vector<16xf32>
        %swap3A_804 = arith.index_cast %and3A_260 : i32 to index
        %swap3A_805 = arith.index_cast %add3A_793 : i32 to index
        %swap3A_806 = arith.constant 0 : index
        %swap3A_807 = tpu.vector_load %arg14[%swap3A_804, %swap3A_805, %swap3A_806] {strides = array<i32>} : memref<4x80x64xf32, #tpu.memory_space<vmem>>, vector<16xf32>,
        tpu.vector_store %arg14[%swap3A_804, %swap3A_805, %swap3A_806], %mul3A_803 {strides = array<i32>} : memref<4x80x64xf32, #tpu.memory_space<vmem>>, vector<16xf32>,
        %get3A_808 = arith.index_cast %and3A_260 : i32 to index
        %get3A_809 = arith.index_cast %add3A_793 : i32 to index
        %get3A_810 = arith.constant 16 : index
        %get3A_811 = tpu.vector_load %arg14[%get3A_808, %get3A_809, %get3A_810] {strides = array<i32>} : memref<4x80x64xf32, #tpu.memory_space<vmem>>, vector<16xf32>,
        %mul3A_812 = arith.mulf %get3A_811, %gather3A_798 : vector<16xf32>
        %swap3A_813 = arith.index_cast %and3A_260 : i32 to index
        %swap3A_814 = arith.index_cast %add3A_793 : i32 to index
        %swap3A_815 = arith.constant 16 : index
        %swap3A_816 = tpu.vector_load %arg14[%swap3A_813, %swap3A_814, %swap3A_815] {strides = array<i32>} : memref<4x80x64xf32, #tpu.memory_space<vmem>>, vector<16xf32>,
        tpu.vector_store %arg14[%swap3A_813, %swap3A_814, %swap3A_815], %mul3A_812 {strides = array<i32>} : memref<4x80x64xf32, #tpu.memory_space<vmem>>, vector<16xf32>,
        %get3A_817 = arith.index_cast %and3A_260 : i32 to index
        %get3A_818 = arith.index_cast %add3A_793 : i32 to index
        %get3A_819 = arith.constant 32 : index
        %get3A_820 = tpu.vector_load %arg14[%get3A_817, %get3A_818, %get3A_819] {strides = array<i32>} : memref<4x80x64xf32, #tpu.memory_space<vmem>>, vector<16xf32>,
        %mul3A_821 = arith.mulf %get3A_820, %gather3A_798 : vector<16xf32>
        %swap3A_822 = arith.index_cast %and3A_260 : i32 to index
        %swap3A_823 = arith.index_cast %add3A_793 : i32 to index
        %swap3A_824 = arith.constant 32 : index
        %swap3A_825 = tpu.vector_load %arg14[%swap3A_822, %swap3A_823, %swap3A_824] {strides = array<i32>} : memref<4x80x64xf32, #tpu.memory_space<vmem>>, vector<16xf32>,
        tpu.vector_store %arg14[%swap3A_822, %swap3A_823, %swap3A_824], %mul3A_821 {strides = array<i32>} : memref<4x80x64xf32, #tpu.memory_space<vmem>>, vector<16xf32>,
        %get3A_826 = arith.index_cast %and3A_260 : i32 to index
        %get3A_827 = arith.index_cast %add3A_793 : i32 to index
        %get3A_828 = arith.constant 48 : index
        %get3A_829 = tpu.vector_load %arg14[%get3A_826, %get3A_827, %get3A_828] {strides = array<i32>} : memref<4x80x64xf32, #tpu.memory_space<vmem>>, vector<16xf32>,
        %mul3A_830 = arith.mulf %get3A_829, %gather3A_798 : vector<16xf32>
        %swap3A_831 = arith.index_cast %and3A_260 : i32 to index
        %swap3A_832 = arith.index_cast %add3A_793 : i32 to index
        %swap3A_833 = arith.constant 48 : index
        %swap3A_834 = tpu.vector_load %arg14[%swap3A_831, %swap3A_832, %swap3A_833] {strides = array<i32>} : memref<4x80x64xf32, #tpu.memory_space<vmem>>, vector<16xf32>,
        tpu.vector_store %arg14[%swap3A_831, %swap3A_832, %swap3A_833], %mul3A_830 {strides = array<i32>} : memref<4x80x64xf32, #tpu.memory_space<vmem>>, vector<16xf32>,
        %scan3A_835 = arith.constant 1 : i32
        %scan3A_836 = arith.addi %scan3A_789, %scan3A_835 : i32
        %mul3A_837 = arith.constant 1 : i32
        %mul3A_838 = arith.muli %scan3A_836, %mul3A_837 : i32
        %add3A_839 = arith.constant 0 : i32
        %add3A_840 = arith.addi %add3A_839, %mul3A_838 : i32
        %broadcast_in_dim3A_841 = vector.broadcast %add3A_840 : i32 to vector<16xi32>
        %gather3A_842 = arith.constant 0 : i32
        %gather3A_843 = tpu.memref_slice %arg13[%and3A_260, %gather3A_842] : memref<4x80xf32, #tpu.memory_space<vmem>> -> memref<1x80xf32, #tpu.memory_space<vmem>>
        %gather3A_844 = tpu.memref_squeeze %gather3A_843 : memref<1x80xf32, #tpu.memory_space<vmem>> -> memref<80xf32, #tpu.memory_space<vmem>>
        %gather3A_845 = tpu.vector_load_idx %gather3A_844[%broadcast_in_dim3A_841] : memref<80xf32, #tpu.memory_space<vmem>>[vector<16xi32>], vector<16xf32>,
        %get3A_846 = arith.index_cast %and3A_260 : i32 to index
        %get3A_847 = arith.index_cast %add3A_840 : i32 to index
        %get3A_848 = arith.constant 0 : index
        %get3A_849 = tpu.vector_load %arg14[%get3A_846, %get3A_847, %get3A_848] {strides = array<i32>} : memref<4x80x64xf32, #tpu.memory_space<vmem>>, vector<16xf32>,
        %mul3A_850 = arith.mulf %get3A_849, %gather3A_845 : vector<16xf32>
        %swap3A_851 = arith.index_cast %and3A_260 : i32 to index
        %swap3A_852 = arith.index_cast %add3A_840 : i32 to index
        %swap3A_853 = arith.constant 0 : index
        %swap3A_854 = tpu.vector_load %arg14[%swap3A_851, %swap3A_852, %swap3A_853] {strides = array<i32>} : memref<4x80x64xf32, #tpu.memory_space<vmem>>, vector<16xf32>,
        tpu.vector_store %arg14[%swap3A_851, %swap3A_852, %swap3A_853], %mul3A_850 {strides = array<i32>} : memref<4x80x64xf32, #tpu.memory_space<vmem>>, vector<16xf32>,
        %get3A_855 = arith.index_cast %and3A_260 : i32 to index
        %get3A_856 = arith.index_cast %add3A_840 : i32 to index
        %get3A_857 = arith.constant 16 : index
        %get3A_858 = tpu.vector_load %arg14[%get3A_855, %get3A_856, %get3A_857] {strides = array<i32>} : memref<4x80x64xf32, #tpu.memory_space<vmem>>, vector<16xf32>,
        %mul3A_859 = arith.mulf %get3A_858, %gather3A_845 : vector<16xf32>
        %swap3A_860 = arith.index_cast %and3A_260 : i32 to index
        %swap3A_861 = arith.index_cast %add3A_840 : i32 to index
        %swap3A_862 = arith.constant 16 : index
        %swap3A_863 = tpu.vector_load %arg14[%swap3A_860, %swap3A_861, %swap3A_862] {strides = array<i32>} : memref<4x80x64xf32, #tpu.memory_space<vmem>>, vector<16xf32>,
        tpu.vector_store %arg14[%swap3A_860, %swap3A_861, %swap3A_862], %mul3A_859 {strides = array<i32>} : memref<4x80x64xf32, #tpu.memory_space<vmem>>, vector<16xf32>,
        %get3A_864 = arith.index_cast %and3A_260 : i32 to index
        %get3A_865 = arith.index_cast %add3A_840 : i32 to index
        %get3A_866 = arith.constant 32 : index
        %get3A_867 = tpu.vector_load %arg14[%get3A_864, %get3A_865, %get3A_866] {strides = array<i32>} : memref<4x80x64xf32, #tpu.memory_space<vmem>>, vector<16xf32>,
        %mul3A_868 = arith.mulf %get3A_867, %gather3A_845 : vector<16xf32>
        %swap3A_869 = arith.index_cast %and3A_260 : i32 to index
        %swap3A_870 = arith.index_cast %add3A_840 : i32 to index
        %swap3A_871 = arith.constant 32 : index
        %swap3A_872 = tpu.vector_load %arg14[%swap3A_869, %swap3A_870, %swap3A_871] {strides = array<i32>} : memref<4x80x64xf32, #tpu.memory_space<vmem>>, vector<16xf32>,
        tpu.vector_store %arg14[%swap3A_869, %swap3A_870, %swap3A_871], %mul3A_868 {strides = array<i32>} : memref<4x80x64xf32, #tpu.memory_space<vmem>>, vector<16xf32>,
        %get3A_873 = arith.index_cast %and3A_260 : i32 to index
        %get3A_874 = arith.index_cast %add3A_840 : i32 to index
        %get3A_875 = arith.constant 48 : index
        %get3A_876 = tpu.vector_load %arg14[%get3A_873, %get3A_874, %get3A_875] {strides = array<i32>} : memref<4x80x64xf32, #tpu.memory_space<vmem>>, vector<16xf32>,
        %mul3A_877 = arith.mulf %get3A_876, %gather3A_845 : vector<16xf32>
        %swap3A_878 = arith.index_cast %and3A_260 : i32 to index
        %swap3A_879 = arith.index_cast %add3A_840 : i32 to index
        %swap3A_880 = arith.constant 48 : index
        %swap3A_881 = tpu.vector_load %arg14[%swap3A_878, %swap3A_879, %swap3A_880] {strides = array<i32>} : memref<4x80x64xf32, #tpu.memory_space<vmem>>, vector<16xf32>,
        tpu.vector_store %arg14[%swap3A_878, %swap3A_879, %swap3A_880], %mul3A_877 {strides = array<i32>} : memref<4x80x64xf32, #tpu.memory_space<vmem>>, vector<16xf32>,
        %scan3A_882 = arith.constant 2 : i32
        %scan3A_883 = arith.addi %scan3A_789, %scan3A_882 : i32
        %mul3A_884 = arith.constant 1 : i32
        %mul3A_885 = arith.muli %scan3A_883, %mul3A_884 : i32
        %add3A_886 = arith.constant 0 : i32
        %add3A_887 = arith.addi %add3A_886, %mul3A_885 : i32
        %broadcast_in_dim3A_888 = vector.broadcast %add3A_887 : i32 to vector<16xi32>
        %gather3A_889 = arith.constant 0 : i32
        %gather3A_890 = tpu.memref_slice %arg13[%and3A_260, %gather3A_889] : memref<4x80xf32, #tpu.memory_space<vmem>> -> memref<1x80xf32, #tpu.memory_space<vmem>>
        %gather3A_891 = tpu.memref_squeeze %gather3A_890 : memref<1x80xf32, #tpu.memory_space<vmem>> -> memref<80xf32, #tpu.memory_space<vmem>>
        %gather3A_892 = tpu.vector_load_idx %gather3A_891[%broadcast_in_dim3A_888] : memref<80xf32, #tpu.memory_space<vmem>>[vector<16xi32>], vector<16xf32>,
        %get3A_893 = arith.index_cast %and3A_260 : i32 to index
        %get3A_894 = arith.index_cast %add3A_887 : i32 to index
        %get3A_895 = arith.constant 0 : index
        %get3A_896 = tpu.vector_load %arg14[%get3A_893, %get3A_894, %get3A_895] {strides = array<i32>} : memref<4x80x64xf32, #tpu.memory_space<vmem>>, vector<16xf32>,
        %mul3A_897 = arith.mulf %get3A_896, %gather3A_892 : vector<16xf32>
        %swap3A_898 = arith.index_cast %and3A_260 : i32 to index
        %swap3A_899 = arith.index_cast %add3A_887 : i32 to index
        %swap3A_900 = arith.constant 0 : index
        %swap3A_901 = tpu.vector_load %arg14[%swap3A_898, %swap3A_899, %swap3A_900] {strides = array<i32>} : memref<4x80x64xf32, #tpu.memory_space<vmem>>, vector<16xf32>,
        tpu.vector_store %arg14[%swap3A_898, %swap3A_899, %swap3A_900], %mul3A_897 {strides = array<i32>} : memref<4x80x64xf32, #tpu.memory_space<vmem>>, vector<16xf32>,
        %get3A_902 = arith.index_cast %and3A_260 : i32 to index
        %get3A_903 = arith.index_cast %add3A_887 : i32 to index
        %get3A_904 = arith.constant 16 : index
        %get3A_905 = tpu.vector_load %arg14[%get3A_902, %get3A_903, %get3A_904] {strides = array<i32>} : memref<4x80x64xf32, #tpu.memory_space<vmem>>, vector<16xf32>,
        %mul3A_906 = arith.mulf %get3A_905, %gather3A_892 : vector<16xf32>
        %swap3A_907 = arith.index_cast %and3A_260 : i32 to index
        %swap3A_908 = arith.index_cast %add3A_887 : i32 to index
        %swap3A_909 = arith.constant 16 : index
        %swap3A_910 = tpu.vector_load %arg14[%swap3A_907, %swap3A_908, %swap3A_909] {strides = array<i32>} : memref<4x80x64xf32, #tpu.memory_space<vmem>>, vector<16xf32>,
        tpu.vector_store %arg14[%swap3A_907, %swap3A_908, %swap3A_909], %mul3A_906 {strides = array<i32>} : memref<4x80x64xf32, #tpu.memory_space<vmem>>, vector<16xf32>,
        %get3A_911 = arith.index_cast %and3A_260 : i32 to index
        %get3A_912 = arith.index_cast %add3A_887 : i32 to index
        %get3A_913 = arith.constant 32 : index
        %get3A_914 = tpu.vector_load %arg14[%get3A_911, %get3A_912, %get3A_913] {strides = array<i32>} : memref<4x80x64xf32, #tpu.memory_space<vmem>>, vector<16xf32>,
        %mul3A_915 = arith.mulf %get3A_914, %gather3A_892 : vector<16xf32>
        %swap3A_916 = arith.index_cast %and3A_260 : i32 to index
        %swap3A_917 = arith.index_cast %add3A_887 : i32 to index
        %swap3A_918 = arith.constant 32 : index
        %swap3A_919 = tpu.vector_load %arg14[%swap3A_916, %swap3A_917, %swap3A_918] {strides = array<i32>} : memref<4x80x64xf32, #tpu.memory_space<vmem>>, vector<16xf32>,
        tpu.vector_store %arg14[%swap3A_916, %swap3A_917, %swap3A_918], %mul3A_915 {strides = array<i32>} : memref<4x80x64xf32, #tpu.memory_space<vmem>>, vector<16xf32>,
        %get3A_920 = arith.index_cast %and3A_260 : i32 to index
        %get3A_921 = arith.index_cast %add3A_887 : i32 to index
        %get3A_922 = arith.constant 48 : index
        %get3A_923 = tpu.vector_load %arg14[%get3A_920, %get3A_921, %get3A_922] {strides = array<i32>} : memref<4x80x64xf32, #tpu.memory_space<vmem>>, vector<16xf32>,
        %mul3A_924 = arith.mulf %get3A_923, %gather3A_892 : vector<16xf32>
        %swap3A_925 = arith.index_cast %and3A_260 : i32 to index
        %swap3A_926 = arith.index_cast %add3A_887 : i32 to index
        %swap3A_927 = arith.constant 48 : index
        %swap3A_928 = tpu.vector_load %arg14[%swap3A_925, %swap3A_926, %swap3A_927] {strides = array<i32>} : memref<4x80x64xf32, #tpu.memory_space<vmem>>, vector<16xf32>,
        tpu.vector_store %arg14[%swap3A_925, %swap3A_926, %swap3A_927], %mul3A_924 {strides = array<i32>} : memref<4x80x64xf32, #tpu.memory_space<vmem>>, vector<16xf32>,
        %scan3A_929 = arith.constant 3 : i32
        %scan3A_930 = arith.addi %scan3A_789, %scan3A_929 : i32
        %mul3A_931 = arith.constant 1 : i32
        %mul3A_932 = arith.muli %scan3A_930, %mul3A_931 : i32
        %add3A_933 = arith.constant 0 : i32
        %add3A_934 = arith.addi %add3A_933, %mul3A_932 : i32
        %broadcast_in_dim3A_935 = vector.broadcast %add3A_934 : i32 to vector<16xi32>
        %gather3A_936 = arith.constant 0 : i32
        %gather3A_937 = tpu.memref_slice %arg13[%and3A_260, %gather3A_936] : memref<4x80xf32, #tpu.memory_space<vmem>> -> memref<1x80xf32, #tpu.memory_space<vmem>>
        %gather3A_938 = tpu.memref_squeeze %gather3A_937 : memref<1x80xf32, #tpu.memory_space<vmem>> -> memref<80xf32, #tpu.memory_space<vmem>>
        %gather3A_939 = tpu.vector_load_idx %gather3A_938[%broadcast_in_dim3A_935] : memref<80xf32, #tpu.memory_space<vmem>>[vector<16xi32>], vector<16xf32>,
        %get3A_940 = arith.index_cast %and3A_260 : i32 to index
        %get3A_941 = arith.index_cast %add3A_934 : i32 to index
        %get3A_942 = arith.constant 0 : index
        %get3A_943 = tpu.vector_load %arg14[%get3A_940, %get3A_941, %get3A_942] {strides = array<i32>} : memref<4x80x64xf32, #tpu.memory_space<vmem>>, vector<16xf32>,
        %mul3A_944 = arith.mulf %get3A_943, %gather3A_939 : vector<16xf32>
        %swap3A_945 = arith.index_cast %and3A_260 : i32 to index
        %swap3A_946 = arith.index_cast %add3A_934 : i32 to index
        %swap3A_947 = arith.constant 0 : index
        %swap3A_948 = tpu.vector_load %arg14[%swap3A_945, %swap3A_946, %swap3A_947] {strides = array<i32>} : memref<4x80x64xf32, #tpu.memory_space<vmem>>, vector<16xf32>,
        tpu.vector_store %arg14[%swap3A_945, %swap3A_946, %swap3A_947], %mul3A_944 {strides = array<i32>} : memref<4x80x64xf32, #tpu.memory_space<vmem>>, vector<16xf32>,
        %get3A_949 = arith.index_cast %and3A_260 : i32 to index
        %get3A_950 = arith.index_cast %add3A_934 : i32 to index
        %get3A_951 = arith.constant 16 : index
        %get3A_952 = tpu.vector_load %arg14[%get3A_949, %get3A_950, %get3A_951] {strides = array<i32>} : memref<4x80x64xf32, #tpu.memory_space<vmem>>, vector<16xf32>,
        %mul3A_953 = arith.mulf %get3A_952, %gather3A_939 : vector<16xf32>
        %swap3A_954 = arith.index_cast %and3A_260 : i32 to index
        %swap3A_955 = arith.index_cast %add3A_934 : i32 to index
        %swap3A_956 = arith.constant 16 : index
        %swap3A_957 = tpu.vector_load %arg14[%swap3A_954, %swap3A_955, %swap3A_956] {strides = array<i32>} : memref<4x80x64xf32, #tpu.memory_space<vmem>>, vector<16xf32>,
        tpu.vector_store %arg14[%swap3A_954, %swap3A_955, %swap3A_956], %mul3A_953 {strides = array<i32>} : memref<4x80x64xf32, #tpu.memory_space<vmem>>, vector<16xf32>,
        %get3A_958 = arith.index_cast %and3A_260 : i32 to index
        %get3A_959 = arith.index_cast %add3A_934 : i32 to index
        %get3A_960 = arith.constant 32 : index
        %get3A_961 = tpu.vector_load %arg14[%get3A_958, %get3A_959, %get3A_960] {strides = array<i32>} : memref<4x80x64xf32, #tpu.memory_space<vmem>>, vector<16xf32>,
        %mul3A_962 = arith.mulf %get3A_961, %gather3A_939 : vector<16xf32>
        %swap3A_963 = arith.index_cast %and3A_260 : i32 to index
        %swap3A_964 = arith.index_cast %add3A_934 : i32 to index
        %swap3A_965 = arith.constant 32 : index
        %swap3A_966 = tpu.vector_load %arg14[%swap3A_963, %swap3A_964, %swap3A_965] {strides = array<i32>} : memref<4x80x64xf32, #tpu.memory_space<vmem>>, vector<16xf32>,
        tpu.vector_store %arg14[%swap3A_963, %swap3A_964, %swap3A_965], %mul3A_962 {strides = array<i32>} : memref<4x80x64xf32, #tpu.memory_space<vmem>>, vector<16xf32>,
        %get3A_967 = arith.index_cast %and3A_260 : i32 to index
        %get3A_968 = arith.index_cast %add3A_934 : i32 to index
        %get3A_969 = arith.constant 48 : index
        %get3A_970 = tpu.vector_load %arg14[%get3A_967, %get3A_968, %get3A_969] {strides = array<i32>} : memref<4x80x64xf32, #tpu.memory_space<vmem>>, vector<16xf32>,
        %mul3A_971 = arith.mulf %get3A_970, %gather3A_939 : vector<16xf32>
        %swap3A_972 = arith.index_cast %and3A_260 : i32 to index
        %swap3A_973 = arith.index_cast %add3A_934 : i32 to index
        %swap3A_974 = arith.constant 48 : index
        %swap3A_975 = tpu.vector_load %arg14[%swap3A_972, %swap3A_973, %swap3A_974] {strides = array<i32>} : memref<4x80x64xf32, #tpu.memory_space<vmem>>, vector<16xf32>,
        tpu.vector_store %arg14[%swap3A_972, %swap3A_973, %swap3A_974], %mul3A_971 {strides = array<i32>} : memref<4x80x64xf32, #tpu.memory_space<vmem>>, vector<16xf32>,
        %scan3A_976 = arith.constant 4 : i32
        %scan3A_977 = arith.addi %scan3A_789, %scan3A_976 : i32
        %mul3A_978 = arith.constant 1 : i32
        %mul3A_979 = arith.muli %scan3A_977, %mul3A_978 : i32
        %add3A_980 = arith.constant 0 : i32
        %add3A_981 = arith.addi %add3A_980, %mul3A_979 : i32
        %broadcast_in_dim3A_982 = vector.broadcast %add3A_981 : i32 to vector<16xi32>
        %gather3A_983 = arith.constant 0 : i32
        %gather3A_984 = tpu.memref_slice %arg13[%and3A_260, %gather3A_983] : memref<4x80xf32, #tpu.memory_space<vmem>> -> memref<1x80xf32, #tpu.memory_space<vmem>>
        %gather3A_985 = tpu.memref_squeeze %gather3A_984 : memref<1x80xf32, #tpu.memory_space<vmem>> -> memref<80xf32, #tpu.memory_space<vmem>>
        %gather3A_986 = tpu.vector_load_idx %gather3A_985[%broadcast_in_dim3A_982] : memref<80xf32, #tpu.memory_space<vmem>>[vector<16xi32>], vector<16xf32>,
        %get3A_987 = arith.index_cast %and3A_260 : i32 to index
        %get3A_988 = arith.index_cast %add3A_981 : i32 to index
        %get3A_989 = arith.constant 0 : index
        %get3A_990 = tpu.vector_load %arg14[%get3A_987, %get3A_988, %get3A_989] {strides = array<i32>} : memref<4x80x64xf32, #tpu.memory_space<vmem>>, vector<16xf32>,
        %mul3A_991 = arith.mulf %get3A_990, %gather3A_986 : vector<16xf32>
        %swap3A_992 = arith.index_cast %and3A_260 : i32 to index
        %swap3A_993 = arith.index_cast %add3A_981 : i32 to index
        %swap3A_994 = arith.constant 0 : index
        %swap3A_995 = tpu.vector_load %arg14[%swap3A_992, %swap3A_993, %swap3A_994] {strides = array<i32>} : memref<4x80x64xf32, #tpu.memory_space<vmem>>, vector<16xf32>,
        tpu.vector_store %arg14[%swap3A_992, %swap3A_993, %swap3A_994], %mul3A_991 {strides = array<i32>} : memref<4x80x64xf32, #tpu.memory_space<vmem>>, vector<16xf32>,
        %get3A_996 = arith.index_cast %and3A_260 : i32 to index
        %get3A_997 = arith.index_cast %add3A_981 : i32 to index
        %get3A_998 = arith.constant 16 : index
        %get3A_999 = tpu.vector_load %arg14[%get3A_996, %get3A_997, %get3A_998] {strides = array<i32>} : memref<4x80x64xf32, #tpu.memory_space<vmem>>, vector<16xf32>,
        %mul3A_1000 = arith.mulf %get3A_999, %gather3A_986 : vector<16xf32>
        %swap3A_1001 = arith.index_cast %and3A_260 : i32 to index
        %swap3A_1002 = arith.index_cast %add3A_981 : i32 to index
        %swap3A_1003 = arith.constant 16 : index
        %swap3A_1004 = tpu.vector_load %arg14[%swap3A_1001, %swap3A_1002, %swap3A_1003] {strides = array<i32>} : memref<4x80x64xf32, #tpu.memory_space<vmem>>, vector<16xf32>,
        tpu.vector_store %arg14[%swap3A_1001, %swap3A_1002, %swap3A_1003], %mul3A_1000 {strides = array<i32>} : memref<4x80x64xf32, #tpu.memory_space<vmem>>, vector<16xf32>,
        %get3A_1005 = arith.index_cast %and3A_260 : i32 to index
        %get3A_1006 = arith.index_cast %add3A_981 : i32 to index
        %get3A_1007 = arith.constant 32 : index
        %get3A_1008 = tpu.vector_load %arg14[%get3A_1005, %get3A_1006, %get3A_1007] {strides = array<i32>} : memref<4x80x64xf32, #tpu.memory_space<vmem>>, vector<16xf32>,
        %mul3A_1009 = arith.mulf %get3A_1008, %gather3A_986 : vector<16xf32>
        %swap3A_1010 = arith.index_cast %and3A_260 : i32 to index
        %swap3A_1011 = arith.index_cast %add3A_981 : i32 to index
        %swap3A_1012 = arith.constant 32 : index
        %swap3A_1013 = tpu.vector_load %arg14[%swap3A_1010, %swap3A_1011, %swap3A_1012] {strides = array<i32>} : memref<4x80x64xf32, #tpu.memory_space<vmem>>, vector<16xf32>,
        tpu.vector_store %arg14[%swap3A_1010, %swap3A_1011, %swap3A_1012], %mul3A_1009 {strides = array<i32>} : memref<4x80x64xf32, #tpu.memory_space<vmem>>, vector<16xf32>,
        %get3A_1014 = arith.index_cast %and3A_260 : i32 to index
        %get3A_1015 = arith.index_cast %add3A_981 : i32 to index
        %get3A_1016 = arith.constant 48 : index
        %get3A_1017 = tpu.vector_load %arg14[%get3A_1014, %get3A_1015, %get3A_1016] {strides = array<i32>} : memref<4x80x64xf32, #tpu.memory_space<vmem>>, vector<16xf32>,
        %mul3A_1018 = arith.mulf %get3A_1017, %gather3A_986 : vector<16xf32>
        %swap3A_1019 = arith.index_cast %and3A_260 : i32 to index
        %swap3A_1020 = arith.index_cast %add3A_981 : i32 to index
        %swap3A_1021 = arith.constant 48 : index
        %swap3A_1022 = tpu.vector_load %arg14[%swap3A_1019, %swap3A_1020, %swap3A_1021] {strides = array<i32>} : memref<4x80x64xf32, #tpu.memory_space<vmem>>, vector<16xf32>,
        tpu.vector_store %arg14[%swap3A_1019, %swap3A_1020, %swap3A_1021], %mul3A_1018 {strides = array<i32>} : memref<4x80x64xf32, #tpu.memory_space<vmem>>, vector<16xf32>,
        %scan3A_1023 = arith.constant 5 : i32
        %scan3A_1024 = arith.addi %scan3A_789, %scan3A_1023 : i32
        %mul3A_1025 = arith.constant 1 : i32
        %mul3A_1026 = arith.muli %scan3A_1024, %mul3A_1025 : i32
        %add3A_1027 = arith.constant 0 : i32
        %add3A_1028 = arith.addi %add3A_1027, %mul3A_1026 : i32
        %broadcast_in_dim3A_1029 = vector.broadcast %add3A_1028 : i32 to vector<16xi32>
        %gather3A_1030 = arith.constant 0 : i32
        %gather3A_1031 = tpu.memref_slice %arg13[%and3A_260, %gather3A_1030] : memref<4x80xf32, #tpu.memory_space<vmem>> -> memref<1x80xf32, #tpu.memory_space<vmem>>
        %gather3A_1032 = tpu.memref_squeeze %gather3A_1031 : memref<1x80xf32, #tpu.memory_space<vmem>> -> memref<80xf32, #tpu.memory_space<vmem>>
        %gather3A_1033 = tpu.vector_load_idx %gather3A_1032[%broadcast_in_dim3A_1029] : memref<80xf32, #tpu.memory_space<vmem>>[vector<16xi32>], vector<16xf32>,
        %get3A_1034 = arith.index_cast %and3A_260 : i32 to index
        %get3A_1035 = arith.index_cast %add3A_1028 : i32 to index
        %get3A_1036 = arith.constant 0 : index
        %get3A_1037 = tpu.vector_load %arg14[%get3A_1034, %get3A_1035, %get3A_1036] {strides = array<i32>} : memref<4x80x64xf32, #tpu.memory_space<vmem>>, vector<16xf32>,
        %mul3A_1038 = arith.mulf %get3A_1037, %gather3A_1033 : vector<16xf32>
        %swap3A_1039 = arith.index_cast %and3A_260 : i32 to index
        %swap3A_1040 = arith.index_cast %add3A_1028 : i32 to index
        %swap3A_1041 = arith.constant 0 : index
        %swap3A_1042 = tpu.vector_load %arg14[%swap3A_1039, %swap3A_1040, %swap3A_1041] {strides = array<i32>} : memref<4x80x64xf32, #tpu.memory_space<vmem>>, vector<16xf32>,
        tpu.vector_store %arg14[%swap3A_1039, %swap3A_1040, %swap3A_1041], %mul3A_1038 {strides = array<i32>} : memref<4x80x64xf32, #tpu.memory_space<vmem>>, vector<16xf32>,
        %get3A_1043 = arith.index_cast %and3A_260 : i32 to index
        %get3A_1044 = arith.index_cast %add3A_1028 : i32 to index
        %get3A_1045 = arith.constant 16 : index
        %get3A_1046 = tpu.vector_load %arg14[%get3A_1043, %get3A_1044, %get3A_1045] {strides = array<i32>} : memref<4x80x64xf32, #tpu.memory_space<vmem>>, vector<16xf32>,
        %mul3A_1047 = arith.mulf %get3A_1046, %gather3A_1033 : vector<16xf32>
        %swap3A_1048 = arith.index_cast %and3A_260 : i32 to index
        %swap3A_1049 = arith.index_cast %add3A_1028 : i32 to index
        %swap3A_1050 = arith.constant 16 : index
        %swap3A_1051 = tpu.vector_load %arg14[%swap3A_1048, %swap3A_1049, %swap3A_1050] {strides = array<i32>} : memref<4x80x64xf32, #tpu.memory_space<vmem>>, vector<16xf32>,
        tpu.vector_store %arg14[%swap3A_1048, %swap3A_1049, %swap3A_1050], %mul3A_1047 {strides = array<i32>} : memref<4x80x64xf32, #tpu.memory_space<vmem>>, vector<16xf32>,
        %get3A_1052 = arith.index_cast %and3A_260 : i32 to index
        %get3A_1053 = arith.index_cast %add3A_1028 : i32 to index
        %get3A_1054 = arith.constant 32 : index
        %get3A_1055 = tpu.vector_load %arg14[%get3A_1052, %get3A_1053, %get3A_1054] {strides = array<i32>} : memref<4x80x64xf32, #tpu.memory_space<vmem>>, vector<16xf32>,
        %mul3A_1056 = arith.mulf %get3A_1055, %gather3A_1033 : vector<16xf32>
        %swap3A_1057 = arith.index_cast %and3A_260 : i32 to index
        %swap3A_1058 = arith.index_cast %add3A_1028 : i32 to index
        %swap3A_1059 = arith.constant 32 : index
        %swap3A_1060 = tpu.vector_load %arg14[%swap3A_1057, %swap3A_1058, %swap3A_1059] {strides = array<i32>} : memref<4x80x64xf32, #tpu.memory_space<vmem>>, vector<16xf32>,
        tpu.vector_store %arg14[%swap3A_1057, %swap3A_1058, %swap3A_1059], %mul3A_1056 {strides = array<i32>} : memref<4x80x64xf32, #tpu.memory_space<vmem>>, vector<16xf32>,
        %get3A_1061 = arith.index_cast %and3A_260 : i32 to index
        %get3A_1062 = arith.index_cast %add3A_1028 : i32 to index
        %get3A_1063 = arith.constant 48 : index
        %get3A_1064 = tpu.vector_load %arg14[%get3A_1061, %get3A_1062, %get3A_1063] {strides = array<i32>} : memref<4x80x64xf32, #tpu.memory_space<vmem>>, vector<16xf32>,
        %mul3A_1065 = arith.mulf %get3A_1064, %gather3A_1033 : vector<16xf32>
        %swap3A_1066 = arith.index_cast %and3A_260 : i32 to index
        %swap3A_1067 = arith.index_cast %add3A_1028 : i32 to index
        %swap3A_1068 = arith.constant 48 : index
        %swap3A_1069 = tpu.vector_load %arg14[%swap3A_1066, %swap3A_1067, %swap3A_1068] {strides = array<i32>} : memref<4x80x64xf32, #tpu.memory_space<vmem>>, vector<16xf32>,
        tpu.vector_store %arg14[%swap3A_1066, %swap3A_1067, %swap3A_1068], %mul3A_1065 {strides = array<i32>} : memref<4x80x64xf32, #tpu.memory_space<vmem>>, vector<16xf32>,
        %scan3A_1070 = arith.constant 6 : i32
        %scan3A_1071 = arith.addi %scan3A_789, %scan3A_1070 : i32
        %mul3A_1072 = arith.constant 1 : i32
        %mul3A_1073 = arith.muli %scan3A_1071, %mul3A_1072 : i32
        %add3A_1074 = arith.constant 0 : i32
        %add3A_1075 = arith.addi %add3A_1074, %mul3A_1073 : i32
        %broadcast_in_dim3A_1076 = vector.broadcast %add3A_1075 : i32 to vector<16xi32>
        %gather3A_1077 = arith.constant 0 : i32
        %gather3A_1078 = tpu.memref_slice %arg13[%and3A_260, %gather3A_1077] : memref<4x80xf32, #tpu.memory_space<vmem>> -> memref<1x80xf32, #tpu.memory_space<vmem>>
        %gather3A_1079 = tpu.memref_squeeze %gather3A_1078 : memref<1x80xf32, #tpu.memory_space<vmem>> -> memref<80xf32, #tpu.memory_space<vmem>>
        %gather3A_1080 = tpu.vector_load_idx %gather3A_1079[%broadcast_in_dim3A_1076] : memref<80xf32, #tpu.memory_space<vmem>>[vector<16xi32>], vector<16xf32>,
        %get3A_1081 = arith.index_cast %and3A_260 : i32 to index
        %get3A_1082 = arith.index_cast %add3A_1075 : i32 to index
        %get3A_1083 = arith.constant 0 : index
        %get3A_1084 = tpu.vector_load %arg14[%get3A_1081, %get3A_1082, %get3A_1083] {strides = array<i32>} : memref<4x80x64xf32, #tpu.memory_space<vmem>>, vector<16xf32>,
        %mul3A_1085 = arith.mulf %get3A_1084, %gather3A_1080 : vector<16xf32>
        %swap3A_1086 = arith.index_cast %and3A_260 : i32 to index
        %swap3A_1087 = arith.index_cast %add3A_1075 : i32 to index
        %swap3A_1088 = arith.constant 0 : index
        %swap3A_1089 = tpu.vector_load %arg14[%swap3A_1086, %swap3A_1087, %swap3A_1088] {strides = array<i32>} : memref<4x80x64xf32, #tpu.memory_space<vmem>>, vector<16xf32>,
        tpu.vector_store %arg14[%swap3A_1086, %swap3A_1087, %swap3A_1088], %mul3A_1085 {strides = array<i32>} : memref<4x80x64xf32, #tpu.memory_space<vmem>>, vector<16xf32>,
        %get3A_1090 = arith.index_cast %and3A_260 : i32 to index
        %get3A_1091 = arith.index_cast %add3A_1075 : i32 to index
        %get3A_1092 = arith.constant 16 : index
        %get3A_1093 = tpu.vector_load %arg14[%get3A_1090, %get3A_1091, %get3A_1092] {strides = array<i32>} : memref<4x80x64xf32, #tpu.memory_space<vmem>>, vector<16xf32>,
        %mul3A_1094 = arith.mulf %get3A_1093, %gather3A_1080 : vector<16xf32>
        %swap3A_1095 = arith.index_cast %and3A_260 : i32 to index
        %swap3A_1096 = arith.index_cast %add3A_1075 : i32 to index
        %swap3A_1097 = arith.constant 16 : index
        %swap3A_1098 = tpu.vector_load %arg14[%swap3A_1095, %swap3A_1096, %swap3A_1097] {strides = array<i32>} : memref<4x80x64xf32, #tpu.memory_space<vmem>>, vector<16xf32>,
        tpu.vector_store %arg14[%swap3A_1095, %swap3A_1096, %swap3A_1097], %mul3A_1094 {strides = array<i32>} : memref<4x80x64xf32, #tpu.memory_space<vmem>>, vector<16xf32>,
        %get3A_1099 = arith.index_cast %and3A_260 : i32 to index
        %get3A_1100 = arith.index_cast %add3A_1075 : i32 to index
        %get3A_1101 = arith.constant 32 : index
        %get3A_1102 = tpu.vector_load %arg14[%get3A_1099, %get3A_1100, %get3A_1101] {strides = array<i32>} : memref<4x80x64xf32, #tpu.memory_space<vmem>>, vector<16xf32>,
        %mul3A_1103 = arith.mulf %get3A_1102, %gather3A_1080 : vector<16xf32>
        %swap3A_1104 = arith.index_cast %and3A_260 : i32 to index
        %swap3A_1105 = arith.index_cast %add3A_1075 : i32 to index
        %swap3A_1106 = arith.constant 32 : index
        %swap3A_1107 = tpu.vector_load %arg14[%swap3A_1104, %swap3A_1105, %swap3A_1106] {strides = array<i32>} : memref<4x80x64xf32, #tpu.memory_space<vmem>>, vector<16xf32>,
        tpu.vector_store %arg14[%swap3A_1104, %swap3A_1105, %swap3A_1106], %mul3A_1103 {strides = array<i32>} : memref<4x80x64xf32, #tpu.memory_space<vmem>>, vector<16xf32>,
        %get3A_1108 = arith.index_cast %and3A_260 : i32 to index
        %get3A_1109 = arith.index_cast %add3A_1075 : i32 to index
        %get3A_1110 = arith.constant 48 : index
        %get3A_1111 = tpu.vector_load %arg14[%get3A_1108, %get3A_1109, %get3A_1110] {strides = array<i32>} : memref<4x80x64xf32, #tpu.memory_space<vmem>>, vector<16xf32>,
        %mul3A_1112 = arith.mulf %get3A_1111, %gather3A_1080 : vector<16xf32>
        %swap3A_1113 = arith.index_cast %and3A_260 : i32 to index
        %swap3A_1114 = arith.index_cast %add3A_1075 : i32 to index
        %swap3A_1115 = arith.constant 48 : index
        %swap3A_1116 = tpu.vector_load %arg14[%swap3A_1113, %swap3A_1114, %swap3A_1115] {strides = array<i32>} : memref<4x80x64xf32, #tpu.memory_space<vmem>>, vector<16xf32>,
        tpu.vector_store %arg14[%swap3A_1113, %swap3A_1114, %swap3A_1115], %mul3A_1112 {strides = array<i32>} : memref<4x80x64xf32, #tpu.memory_space<vmem>>, vector<16xf32>,
        %scan3A_1117 = arith.constant 7 : i32
        %scan3A_1118 = arith.addi %scan3A_789, %scan3A_1117 : i32
        %mul3A_1119 = arith.constant 1 : i32
        %mul3A_1120 = arith.muli %scan3A_1118, %mul3A_1119 : i32
        %add3A_1121 = arith.constant 0 : i32
        %add3A_1122 = arith.addi %add3A_1121, %mul3A_1120 : i32
        %broadcast_in_dim3A_1123 = vector.broadcast %add3A_1122 : i32 to vector<16xi32>
        %gather3A_1124 = arith.constant 0 : i32
        %gather3A_1125 = tpu.memref_slice %arg13[%and3A_260, %gather3A_1124] : memref<4x80xf32, #tpu.memory_space<vmem>> -> memref<1x80xf32, #tpu.memory_space<vmem>>
        %gather3A_1126 = tpu.memref_squeeze %gather3A_1125 : memref<1x80xf32, #tpu.memory_space<vmem>> -> memref<80xf32, #tpu.memory_space<vmem>>
        %gather3A_1127 = tpu.vector_load_idx %gather3A_1126[%broadcast_in_dim3A_1123] : memref<80xf32, #tpu.memory_space<vmem>>[vector<16xi32>], vector<16xf32>,
        %get3A_1128 = arith.index_cast %and3A_260 : i32 to index
        %get3A_1129 = arith.index_cast %add3A_1122 : i32 to index
        %get3A_1130 = arith.constant 0 : index
        %get3A_1131 = tpu.vector_load %arg14[%get3A_1128, %get3A_1129, %get3A_1130] {strides = array<i32>} : memref<4x80x64xf32, #tpu.memory_space<vmem>>, vector<16xf32>,
        %mul3A_1132 = arith.mulf %get3A_1131, %gather3A_1127 : vector<16xf32>
        %swap3A_1133 = arith.index_cast %and3A_260 : i32 to index
        %swap3A_1134 = arith.index_cast %add3A_1122 : i32 to index
        %swap3A_1135 = arith.constant 0 : index
        %swap3A_1136 = tpu.vector_load %arg14[%swap3A_1133, %swap3A_1134, %swap3A_1135] {strides = array<i32>} : memref<4x80x64xf32, #tpu.memory_space<vmem>>, vector<16xf32>,
        tpu.vector_store %arg14[%swap3A_1133, %swap3A_1134, %swap3A_1135], %mul3A_1132 {strides = array<i32>} : memref<4x80x64xf32, #tpu.memory_space<vmem>>, vector<16xf32>,
        %get3A_1137 = arith.index_cast %and3A_260 : i32 to index
        %get3A_1138 = arith.index_cast %add3A_1122 : i32 to index
        %get3A_1139 = arith.constant 16 : index
        %get3A_1140 = tpu.vector_load %arg14[%get3A_1137, %get3A_1138, %get3A_1139] {strides = array<i32>} : memref<4x80x64xf32, #tpu.memory_space<vmem>>, vector<16xf32>,
        %mul3A_1141 = arith.mulf %get3A_1140, %gather3A_1127 : vector<16xf32>
        %swap3A_1142 = arith.index_cast %and3A_260 : i32 to index
        %swap3A_1143 = arith.index_cast %add3A_1122 : i32 to index
        %swap3A_1144 = arith.constant 16 : index
        %swap3A_1145 = tpu.vector_load %arg14[%swap3A_1142, %swap3A_1143, %swap3A_1144] {strides = array<i32>} : memref<4x80x64xf32, #tpu.memory_space<vmem>>, vector<16xf32>,
        tpu.vector_store %arg14[%swap3A_1142, %swap3A_1143, %swap3A_1144], %mul3A_1141 {strides = array<i32>} : memref<4x80x64xf32, #tpu.memory_space<vmem>>, vector<16xf32>,
        %get3A_1146 = arith.index_cast %and3A_260 : i32 to index
        %get3A_1147 = arith.index_cast %add3A_1122 : i32 to index
        %get3A_1148 = arith.constant 32 : index
        %get3A_1149 = tpu.vector_load %arg14[%get3A_1146, %get3A_1147, %get3A_1148] {strides = array<i32>} : memref<4x80x64xf32, #tpu.memory_space<vmem>>, vector<16xf32>,
        %mul3A_1150 = arith.mulf %get3A_1149, %gather3A_1127 : vector<16xf32>
        %swap3A_1151 = arith.index_cast %and3A_260 : i32 to index
        %swap3A_1152 = arith.index_cast %add3A_1122 : i32 to index
        %swap3A_1153 = arith.constant 32 : index
        %swap3A_1154 = tpu.vector_load %arg14[%swap3A_1151, %swap3A_1152, %swap3A_1153] {strides = array<i32>} : memref<4x80x64xf32, #tpu.memory_space<vmem>>, vector<16xf32>,
        tpu.vector_store %arg14[%swap3A_1151, %swap3A_1152, %swap3A_1153], %mul3A_1150 {strides = array<i32>} : memref<4x80x64xf32, #tpu.memory_space<vmem>>, vector<16xf32>,
        %get3A_1155 = arith.index_cast %and3A_260 : i32 to index
        %get3A_1156 = arith.index_cast %add3A_1122 : i32 to index
        %get3A_1157 = arith.constant 48 : index
        %get3A_1158 = tpu.vector_load %arg14[%get3A_1155, %get3A_1156, %get3A_1157] {strides = array<i32>} : memref<4x80x64xf32, #tpu.memory_space<vmem>>, vector<16xf32>,
        %mul3A_1159 = arith.mulf %get3A_1158, %gather3A_1127 : vector<16xf32>
        %swap3A_1160 = arith.index_cast %and3A_260 : i32 to index
        %swap3A_1161 = arith.index_cast %add3A_1122 : i32 to index
        %swap3A_1162 = arith.constant 48 : index
        %swap3A_1163 = tpu.vector_load %arg14[%swap3A_1160, %swap3A_1161, %swap3A_1162] {strides = array<i32>} : memref<4x80x64xf32, #tpu.memory_space<vmem>>, vector<16xf32>,
        tpu.vector_store %arg14[%swap3A_1160, %swap3A_1161, %swap3A_1162], %mul3A_1159 {strides = array<i32>} : memref<4x80x64xf32, #tpu.memory_space<vmem>>, vector<16xf32>,
      }
      %scan3A_764 = arith.constant 80 : i32
      %dma_start3A_765 = arith.constant 0 : i32
      %dma_start3A_766 = arith.constant 0 : i32
      %dma_start3A_767 = arith.constant 0 : i32
      %dma_start3A_768 = tpu.memref_slice %arg14[%and3A_260, %dma_start3A_766, %dma_start3A_767] : memref<4x80x64xf32, #tpu.memory_space<vmem>> -> memref<1x80x64xf32, #tpu.memory_space<vmem>>
      %dma_start3A_769 = tpu.memref_squeeze %dma_start3A_768 : memref<1x80x64xf32, #tpu.memory_space<vmem>> -> memref<80x64xf32, #tpu.memory_space<vmem>>
      %dma_start3A_770 = arith.constant 0 : i32
      %dma_start3A_771 = tpu.memref_slice %arg12[%and3A_258, %dma_start3A_765, %dma_start3A_770] : memref<8x2x80xi32, #tpu.memory_space<vmem>> -> memref<1x1x80xi32, #tpu.memory_space<vmem>>
      %dma_start3A_772 = tpu.memref_squeeze %dma_start3A_771 : memref<1x1x80xi32, #tpu.memory_space<vmem>> -> memref<80xi32, #tpu.memory_space<vmem>>
      %dma_start3A_773 = arith.constant 0 : i32
      %dma_start3A_774 = arith.constant 0 : i32
      %dma_start3A_775 = tpu.memref_slice %arg17[%dma_start3A_773, %dma_start3A_774] : memref<10000x64xf32, #tpu.memory_space<vmem_shared>> -> memref<10000x64xf32, #tpu.memory_space<vmem_shared>>
      %dma_start3A_776 = tpu.memref_slice %arg21[%and3A_260] : memref<4x!tpu.dma_semaphore, #tpu.memory_space<semaphore_mem>> -> memref<1x!tpu.dma_semaphore, #tpu.memory_space<semaphore_mem>>
      %dma_start3A_777 = tpu.memref_squeeze %dma_start3A_776 : memref<1x!tpu.dma_semaphore, #tpu.memory_space<semaphore_mem>> -> memref<!tpu.dma_semaphore, #tpu.memory_space<semaphore_mem>>
      tpu.enqueue_indirect_dma source(%dma_start3A_769 : memref<80x64xf32, #tpu.memory_space<vmem>>) target(%dma_start3A_775 : memref<10000x64xf32, #tpu.memory_space<vmem_shared>>) offsets(%dma_start3A_772 : memref<80xi32, #tpu.memory_space<vmem>>) semaphore(%dma_start3A_777 : memref<!tpu.dma_semaphore, #tpu.memory_space<semaphore_mem>>) {add = true}
      %dma_start3A_778 = arith.constant 0 : i32
      %dma_start3A_779 = arith.constant 0 : i32
      %dma_start3A_780 = tpu.memref_slice %arg13[%and3A_260, %dma_start3A_779] : memref<4x80xf32, #tpu.memory_space<vmem>> -> memref<1x80xf32, #tpu.memory_space<vmem>>
      %dma_start3A_781 = tpu.memref_squeeze %dma_start3A_780 : memref<1x80xf32, #tpu.memory_space<vmem>> -> memref<80xf32, #tpu.memory_space<vmem>>
      %dma_start3A_782 = arith.constant 0 : i32
      %dma_start3A_783 = tpu.memref_slice %arg12[%and3A_258, %dma_start3A_778, %dma_start3A_782] : memref<8x2x80xi32, #tpu.memory_space<vmem>> -> memref<1x1x80xi32, #tpu.memory_space<vmem>>
      %dma_start3A_784 = tpu.memref_squeeze %dma_start3A_783 : memref<1x1x80xi32, #tpu.memory_space<vmem>> -> memref<80xi32, #tpu.memory_space<vmem>>
      %dma_start3A_785 = arith.constant 0 : i32
      %dma_start3A_786 = tpu.memref_slice %arg18[%dma_start3A_785] : memref<10000xf32, #tpu.memory_space<vmem_shared>> -> memref<10000xf32, #tpu.memory_space<vmem_shared>>
      %dma_start3A_787 = tpu.memref_slice %arg22[%and3A_260] : memref<4x!tpu.dma_semaphore, #tpu.memory_space<semaphore_mem>> -> memref<1x!tpu.dma_semaphore, #tpu.memory_space<semaphore_mem>>
      %dma_start3A_788 = tpu.memref_squeeze %dma_start3A_787 : memref<1x!tpu.dma_semaphore, #tpu.memory_space<semaphore_mem>> -> memref<!tpu.dma_semaphore, #tpu.memory_space<semaphore_mem>>
      tpu.enqueue_indirect_dma source(%dma_start3A_781 : memref<80xf32, #tpu.memory_space<vmem>>) target(%dma_start3A_786 : memref<10000xf32, #tpu.memory_space<vmem_shared>>) offsets(%dma_start3A_784 : memref<80xi32, #tpu.memory_space<vmem>>) semaphore(%dma_start3A_788 : memref<!tpu.dma_semaphore, #tpu.memory_space<semaphore_mem>>) {add = true}
    }
    %scan3A_183 = arith.constant 250 : i32
    %dma_wait3A_184 = arith.constant 0 : i32
    %dma_wait3A_185 = arith.constant 0 : i32
    %dma_wait3A_186 = arith.constant 0 : i32
    %dma_wait3A_187 = arith.constant 0 : i32
    %dma_wait3A_188 = arith.constant 0 : i32
    %dma_wait3A_189 = arith.constant 0 : i32
    %dma_wait3A_190 = tpu.memref_slice %arg14[%dma_wait3A_184, %dma_wait3A_188, %dma_wait3A_189] : memref<4x80x64xf32, #tpu.memory_space<vmem>> -> memref<1x80x64xf32, #tpu.memory_space<vmem>>
    %dma_wait3A_191 = tpu.memref_squeeze %dma_wait3A_190 : memref<1x80x64xf32, #tpu.memory_space<vmem>> -> memref<80x64xf32, #tpu.memory_space<vmem>>
    %dma_wait3A_192 = arith.constant 0 : i32
    %dma_wait3A_193 = tpu.memref_slice %arg12[%dma_wait3A_185, %dma_wait3A_186, %dma_wait3A_192] : memref<8x2x80xi32, #tpu.memory_space<vmem>> -> memref<1x1x80xi32, #tpu.memory_space<vmem>>
    %dma_wait3A_194 = tpu.memref_squeeze %dma_wait3A_193 : memref<1x1x80xi32, #tpu.memory_space<vmem>> -> memref<80xi32, #tpu.memory_space<vmem>>
    %dma_wait3A_195 = arith.constant 0 : i32
    %dma_wait3A_196 = arith.constant 0 : i32
    %dma_wait3A_197 = tpu.memref_slice %arg17[%dma_wait3A_195, %dma_wait3A_196] : memref<10000x64xf32, #tpu.memory_space<vmem_shared>> -> memref<10000x64xf32, #tpu.memory_space<vmem_shared>>
    %dma_wait3A_198 = tpu.memref_slice %arg21[%dma_wait3A_187] : memref<4x!tpu.dma_semaphore, #tpu.memory_space<semaphore_mem>> -> memref<1x!tpu.dma_semaphore, #tpu.memory_space<semaphore_mem>>
    %dma_wait3A_199 = tpu.memref_squeeze %dma_wait3A_198 : memref<1x!tpu.dma_semaphore, #tpu.memory_space<semaphore_mem>> -> memref<!tpu.dma_semaphore, #tpu.memory_space<semaphore_mem>>
    tpu.wait_indirect_dma semaphore(%dma_wait3A_199 : memref<!tpu.dma_semaphore, #tpu.memory_space<semaphore_mem>>) src(%dma_wait3A_191 : memref<80x64xf32, #tpu.memory_space<vmem>>) dst(%dma_wait3A_197 : memref<10000x64xf32, #tpu.memory_space<vmem_shared>>)
    %dma_wait3A_200 = arith.constant 0 : i32
    %dma_wait3A_201 = arith.constant 0 : i32
    %dma_wait3A_202 = arith.constant 0 : i32
    %dma_wait3A_203 = arith.constant 0 : i32
    %dma_wait3A_204 = arith.constant 0 : i32
    %dma_wait3A_205 = tpu.memref_slice %arg13[%dma_wait3A_200, %dma_wait3A_204] : memref<4x80xf32, #tpu.memory_space<vmem>> -> memref<1x80xf32, #tpu.memory_space<vmem>>
    %dma_wait3A_206 = tpu.memref_squeeze %dma_wait3A_205 : memref<1x80xf32, #tpu.memory_space<vmem>> -> memref<80xf32, #tpu.memory_space<vmem>>
    %dma_wait3A_207 = arith.constant 0 : i32
    %dma_wait3A_208 = tpu.memref_slice %arg12[%dma_wait3A_201, %dma_wait3A_202, %dma_wait3A_207] : memref<8x2x80xi32, #tpu.memory_space<vmem>> -> memref<1x1x80xi32, #tpu.memory_space<vmem>>
    %dma_wait3A_209 = tpu.memref_squeeze %dma_wait3A_208 : memref<1x1x80xi32, #tpu.memory_space<vmem>> -> memref<80xi32, #tpu.memory_space<vmem>>
    %dma_wait3A_210 = arith.constant 0 : i32
    %dma_wait3A_211 = tpu.memref_slice %arg18[%dma_wait3A_210] : memref<10000xf32, #tpu.memory_space<vmem_shared>> -> memref<10000xf32, #tpu.memory_space<vmem_shared>>
    %dma_wait3A_212 = tpu.memref_slice %arg22[%dma_wait3A_203] : memref<4x!tpu.dma_semaphore, #tpu.memory_space<semaphore_mem>> -> memref<1x!tpu.dma_semaphore, #tpu.memory_space<semaphore_mem>>
    %dma_wait3A_213 = tpu.memref_squeeze %dma_wait3A_212 : memref<1x!tpu.dma_semaphore, #tpu.memory_space<semaphore_mem>> -> memref<!tpu.dma_semaphore, #tpu.memory_space<semaphore_mem>>
    tpu.wait_indirect_dma semaphore(%dma_wait3A_213 : memref<!tpu.dma_semaphore, #tpu.memory_space<semaphore_mem>>) src(%dma_wait3A_206 : memref<80xf32, #tpu.memory_space<vmem>>) dst(%dma_wait3A_211 : memref<10000xf32, #tpu.memory_space<vmem_shared>>)
    %dma_wait3A_214 = arith.constant 1 : i32
    %dma_wait3A_215 = arith.constant 1 : i32
    %dma_wait3A_216 = arith.constant 0 : i32
    %dma_wait3A_217 = arith.constant 1 : i32
    %dma_wait3A_218 = arith.constant 0 : i32
    %dma_wait3A_219 = arith.constant 0 : i32
    %dma_wait3A_220 = tpu.memref_slice %arg14[%dma_wait3A_214, %dma_wait3A_218, %dma_wait3A_219] : memref<4x80x64xf32, #tpu.memory_space<vmem>> -> memref<1x80x64xf32, #tpu.memory_space<vmem>>
    %dma_wait3A_221 = tpu.memref_squeeze %dma_wait3A_220 : memref<1x80x64xf32, #tpu.memory_space<vmem>> -> memref<80x64xf32, #tpu.memory_space<vmem>>
    %dma_wait3A_222 = arith.constant 0 : i32
    %dma_wait3A_223 = tpu.memref_slice %arg12[%dma_wait3A_215, %dma_wait3A_216, %dma_wait3A_222] : memref<8x2x80xi32, #tpu.memory_space<vmem>> -> memref<1x1x80xi32, #tpu.memory_space<vmem>>
    %dma_wait3A_224 = tpu.memref_squeeze %dma_wait3A_223 : memref<1x1x80xi32, #tpu.memory_space<vmem>> -> memref<80xi32, #tpu.memory_space<vmem>>
    %dma_wait3A_225 = arith.constant 0 : i32
    %dma_wait3A_226 = arith.constant 0 : i32
    %dma_wait3A_227 = tpu.memref_slice %arg17[%dma_wait3A_225, %dma_wait3A_226] : memref<10000x64xf32, #tpu.memory_space<vmem_shared>> -> memref<10000x64xf32, #tpu.memory_space<vmem_shared>>
    %dma_wait3A_228 = tpu.memref_slice %arg21[%dma_wait3A_217] : memref<4x!tpu.dma_semaphore, #tpu.memory_space<semaphore_mem>> -> memref<1x!tpu.dma_semaphore, #tpu.memory_space<semaphore_mem>>
    %dma_wait3A_229 = tpu.memref_squeeze %dma_wait3A_228 : memref<1x!tpu.dma_semaphore, #tpu.memory_space<semaphore_mem>> -> memref<!tpu.dma_semaphore, #tpu.memory_space<semaphore_mem>>
    tpu.wait_indirect_dma semaphore(%dma_wait3A_229 : memref<!tpu.dma_semaphore, #tpu.memory_space<semaphore_mem>>) src(%dma_wait3A_221 : memref<80x64xf32, #tpu.memory_space<vmem>>) dst(%dma_wait3A_227 : memref<10000x64xf32, #tpu.memory_space<vmem_shared>>)
    %dma_wait3A_230 = arith.constant 1 : i32
    %dma_wait3A_231 = arith.constant 1 : i32
    %dma_wait3A_232 = arith.constant 0 : i32
    %dma_wait3A_233 = arith.constant 1 : i32
    %dma_wait3A_234 = arith.constant 0 : i32
    %dma_wait3A_235 = tpu.memref_slice %arg13[%dma_wait3A_230, %dma_wait3A_234] : memref<4x80xf32, #tpu.memory_space<vmem>> -> memref<1x80xf32, #tpu.memory_space<vmem>>
    %dma_wait3A_236 = tpu.memref_squeeze %dma_wait3A_235 : memref<1x80xf32, #tpu.memory_space<vmem>> -> memref<80xf32, #tpu.memory_space<vmem>>
    %dma_wait3A_237 = arith.constant 0 : i32
    %dma_wait3A_238 = tpu.memref_slice %arg12[%dma_wait3A_231, %dma_wait3A_232, %dma_wait3A_237] : memref<8x2x80xi32, #tpu.memory_space<vmem>> -> memref<1x1x80xi32, #tpu.memory_space<vmem>>
    %dma_wait3A_239 = tpu.memref_squeeze %dma_wait3A_238 : memref<1x1x80xi32, #tpu.memory_space<vmem>> -> memref<80xi32, #tpu.memory_space<vmem>>
    %dma_wait3A_240 = arith.constant 0 : i32
    %dma_wait3A_241 = tpu.memref_slice %arg18[%dma_wait3A_240] : memref<10000xf32, #tpu.memory_space<vmem_shared>> -> memref<10000xf32, #tpu.memory_space<vmem_shared>>
    %dma_wait3A_242 = tpu.memref_slice %arg22[%dma_wait3A_233] : memref<4x!tpu.dma_semaphore, #tpu.memory_space<semaphore_mem>> -> memref<1x!tpu.dma_semaphore, #tpu.memory_space<semaphore_mem>>
    %dma_wait3A_243 = tpu.memref_squeeze %dma_wait3A_242 : memref<1x!tpu.dma_semaphore, #tpu.memory_space<semaphore_mem>> -> memref<!tpu.dma_semaphore, #tpu.memory_space<semaphore_mem>>
    tpu.wait_indirect_dma semaphore(%dma_wait3A_243 : memref<!tpu.dma_semaphore, #tpu.memory_space<semaphore_mem>>) src(%dma_wait3A_236 : memref<80xf32, #tpu.memory_space<vmem>>) dst(%dma_wait3A_241 : memref<10000xf32, #tpu.memory_space<vmem_shared>>)
    %barrier3A_244 = arith.constant 0 : index
    tpu.barrier barrier_id(%barrier3A_244)
    %lt3A_245 = arith.constant 10 : i32
    %lt3A_246 = arith.cmpi slt, %arg1, %lt3A_245 : i32
    %convert_element_type3A_247 = arith.extui %lt3A_246 : i1 to i32
    %cond3A_248 = arith.constant 0 : i32
    %cond3A_249 = arith.cmpi ne, %convert_element_type3A_247, %cond3A_248 : i32
    scf.if %cond3A_249 {
      %mul3A = arith.constant 1000 : i32
      %mul3A_255 = arith.muli %arg1, %mul3A : i32
      "tpu.region"() ({
        %run_scoped3A = tpu.sem_alloc : memref<!tpu.dma_semaphore, #tpu.memory_space<semaphore_mem>>
        %dma_start3A_256 = arith.constant 0 : i32
        %dma_start3A_257 = tpu.memref_slice %arg8[%arg0, %mul3A_255, %dma_start3A_256] : memref<2x10000x64xf32, #tpu.memory_space<hbm>> -> memref<1x1000x64xf32, #tpu.memory_space<hbm>>
        %dma_start3A_258 = tpu.memref_squeeze %dma_start3A_257 : memref<1x1000x64xf32, #tpu.memory_space<hbm>> -> memref<1000x64xf32, #tpu.memory_space<hbm>>
        %dma_start3A_259 = arith.constant 0 : i32
        %dma_start3A_260 = tpu.memref_slice %arg17[%mul3A_255, %dma_start3A_259] : memref<10000x64xf32, #tpu.memory_space<vmem_shared>> -> memref<1000x64xf32, #tpu.memory_space<vmem_shared>>
        tpu.enqueue_dma source(%dma_start3A_260 : memref<1000x64xf32, #tpu.memory_space<vmem_shared>>) target(%dma_start3A_258 : memref<1000x64xf32, #tpu.memory_space<hbm>>) target_semaphore(%run_scoped3A : memref<!tpu.dma_semaphore, #tpu.memory_space<semaphore_mem>>)
        %dma_wait3A_261 = arith.constant 0 : i32
        %dma_wait3A_262 = tpu.memref_slice %arg8[%arg0, %mul3A_255, %dma_wait3A_261] : memref<2x10000x64xf32, #tpu.memory_space<hbm>> -> memref<1x1000x64xf32, #tpu.memory_space<hbm>>
        %dma_wait3A_263 = tpu.memref_squeeze %dma_wait3A_262 : memref<1x1000x64xf32, #tpu.memory_space<hbm>> -> memref<1000x64xf32, #tpu.memory_space<hbm>>
        %dma_wait3A_264 = arith.constant 0 : i32
        %dma_wait3A_265 = tpu.memref_slice %arg17[%mul3A_255, %dma_wait3A_264] : memref<10000x64xf32, #tpu.memory_space<vmem_shared>> -> memref<1000x64xf32, #tpu.memory_space<vmem_shared>>
        tpu.wait_dma2 semaphore(%run_scoped3A : memref<!tpu.dma_semaphore, #tpu.memory_space<semaphore_mem>>) src(%dma_wait3A_265 : memref<1000x64xf32, #tpu.memory_space<vmem_shared>>) dst(%dma_wait3A_263 : memref<1000x64xf32, #tpu.memory_space<hbm>>)
        tpu.yield
      }) : () -> ()
    } else {
    }
    %lt3A_250 = arith.constant 5 : i32
    %lt3A_251 = arith.cmpi slt, %arg1, %lt3A_250 : i32
    %convert_element_type3A_252 = arith.extui %lt3A_251 : i1 to i32
    %cond3A_253 = arith.constant 0 : i32
    %cond3A_254 = arith.cmpi ne, %convert_element_type3A_252, %cond3A_253 : i32
    scf.if %cond3A_254 {
      %mul3A = arith.constant 2000 : i32
      %mul3A_255 = arith.muli %arg1, %mul3A : i32
      "tpu.region"() ({
        %run_scoped3A = tpu.sem_alloc : memref<!tpu.dma_semaphore, #tpu.memory_space<semaphore_mem>>
        %dma_start3A_258 = tpu.memref_slice %arg18[%mul3A_255] : memref<10000xf32, #tpu.memory_space<vmem_shared>> -> memref<2000xf32, #tpu.memory_space<vmem_shared>>
        %dma_start3A_259 = tpu.memref_slice %arg18[%mul3A_255] : memref<10000xf32, #tpu.memory_space<vmem_shared>> -> memref<2000xf32, #tpu.memory_space<vmem_shared>>
        tpu.enqueue_dma source(%dma_start3A_259 : memref<2000xf32, #tpu.memory_space<vmem_shared>>) target(%arg15 : memref<2000xf32, #tpu.memory_space<vmem>>) target_semaphore(%run_scoped3A : memref<!tpu.dma_semaphore, #tpu.memory_space<semaphore_mem>>)
        %dma_wait3A_260 = tpu.memref_slice %arg18[%mul3A_255] : memref<10000xf32, #tpu.memory_space<vmem_shared>> -> memref<2000xf32, #tpu.memory_space<vmem_shared>>
        %dma_wait3A_261 = tpu.memref_slice %arg18[%mul3A_255] : memref<10000xf32, #tpu.memory_space<vmem_shared>> -> memref<2000xf32, #tpu.memory_space<vmem_shared>>
        tpu.wait_dma2 semaphore(%run_scoped3A : memref<!tpu.dma_semaphore, #tpu.memory_space<semaphore_mem>>) src(%dma_wait3A_261 : memref<2000xf32, #tpu.memory_space<vmem_shared>>) dst(%arg15 : memref<2000xf32, #tpu.memory_space<vmem>>)
        tpu.yield
      }) : () -> ()
      %mul3A_256 = arith.constant 10000 : i32
      %mul3A_257 = arith.muli %arg0, %mul3A_256 : i32
      %add3A = arith.addi %mul3A_257, %mul3A_255 : i32
      "tpu.region"() ({
        %run_scoped3A = tpu.sem_alloc : memref<!tpu.dma_semaphore, #tpu.memory_space<semaphore_mem>>
        %dma_start3A_258 = tpu.memref_slice %arg9[%add3A] : memref<20000xf32, #tpu.memory_space<hbm>> -> memref<2000xf32, #tpu.memory_space<hbm>>
        %dma_start3A_259 = tpu.memref_slice %arg9[%add3A] : memref<20000xf32, #tpu.memory_space<hbm>> -> memref<2000xf32, #tpu.memory_space<hbm>>
        tpu.enqueue_dma source(%arg15 : memref<2000xf32, #tpu.memory_space<vmem>>) target(%dma_start3A_259 : memref<2000xf32, #tpu.memory_space<hbm>>) target_semaphore(%run_scoped3A : memref<!tpu.dma_semaphore, #tpu.memory_space<semaphore_mem>>)
        %dma_wait3A_260 = tpu.memref_slice %arg9[%add3A] : memref<20000xf32, #tpu.memory_space<hbm>> -> memref<2000xf32, #tpu.memory_space<hbm>>
        %dma_wait3A_261 = tpu.memref_slice %arg9[%add3A] : memref<20000xf32, #tpu.memory_space<hbm>> -> memref<2000xf32, #tpu.memory_space<hbm>>
        tpu.wait_dma2 semaphore(%run_scoped3A : memref<!tpu.dma_semaphore, #tpu.memory_space<semaphore_mem>>) src(%arg15 : memref<2000xf32, #tpu.memory_space<vmem>>) dst(%dma_wait3A_261 : memref<2000xf32, #tpu.memory_space<hbm>>)
        tpu.yield
      }) : () -> ()
    } else {
    }
    return
  }
}

module attributes {stable_mosaic.version = 14 : i64} {
  func.func @_feat_body(%arg0: i32, %arg1: memref<1000x128xf32, #tpu.memory_space<vmem>>, %arg2: memref<128x128xf32, #tpu.memory_space<vmem>>, %arg3: memref<256x1xf32, #tpu.memory_space<vmem>>, %arg4: memref<1000x64xf32, #tpu.memory_space<vmem>>, %arg5: memref<1000x64xf32, #tpu.memory_space<vmem>>, %arg6: memref<1000x1xf32, #tpu.memory_space<vmem>>, %arg7: memref<1000x1xf32, #tpu.memory_space<vmem>>, %arg8: memref<1x128xf32, #tpu.memory_space<vmem>>, %arg9: memref<1x128xf32, #tpu.memory_space<vmem>>) attributes {dimension_semantics = [#tpu.dimension_semantics<arbitrary>], iteration_bounds = array<i64: 10>, scalar_prefetch = 0 : i64, scratch_operands = 0 : i64, tpu.core_type = #tpu.core_type<tc>, window_params = [{transform_indices = @transform_0, window_bounds = array<i64: 1000, 128>}, {pipeline_mode = #tpu.pipeline_mode<synchronous>, transform_indices = @transform_1, window_bounds = array<i64: 128, 128>}, {pipeline_mode = #tpu.pipeline_mode<synchronous>, transform_indices = @transform_2, window_bounds = array<i64: 256, 1>}, {transform_indices = @transform_3, window_bounds = array<i64: 1000, 64>}, {transform_indices = @transform_4, window_bounds = array<i64: 1000, 64>}, {transform_indices = @transform_5, window_bounds = array<i64: 1000, 1>}, {transform_indices = @transform_6, window_bounds = array<i64: 1000, 1>}, {pipeline_mode = #tpu.pipeline_mode<synchronous>, transform_indices = @transform_7, window_bounds = array<i64: 1, 128>}, {pipeline_mode = #tpu.pipeline_mode<synchronous>, transform_indices = @transform_8, window_bounds = array<i64: 1, 128>}]} {
    %get3A = arith.constant 0 : index
    %get3A_0 = arith.constant 0 : index
    %get3A_1 = vector.load %arg1[%get3A, %get3A_0] : memref<1000x128xf32, #tpu.memory_space<vmem>>, vector<1000x128xf32>
    %get3A_2 = arith.constant 0 : index
    %get3A_3 = arith.constant 0 : index
    %get3A_4 = vector.load %arg2[%get3A_2, %get3A_3] : memref<128x128xf32, #tpu.memory_space<vmem>>, vector<128x128xf32>
    %dot_general3A = arith.constant dense<0.000000e+00> : vector<1000x128xf32>
    %dot_general3A_5 = tpu.matmul %get3A_1, %get3A_4, %dot_general3A {dimension_numbers = #tpu.dot_dimension_numbers<[1], [0], [0], [1], [0, 0, 1, 1], [], []>, transpose_lhs_hint = false} : vector<1000x128xf32>, vector<128x128xf32>, vector<1000x128xf32> -> vector<1000x128xf32>
    %slice3A = vector.extract_strided_slice %dot_general3A_5 {offsets = [0, 0], sizes = [1000, 64], strides = [1, 1]} : vector<1000x128xf32> to vector<1000x64xf32>
    %swap3A = arith.constant 0 : index
    %swap3A_6 = arith.constant 0 : index
    %swap3A_7 = vector.load %arg4[%swap3A, %swap3A_6] : memref<1000x64xf32, #tpu.memory_space<vmem>>, vector<1000x64xf32>
    tpu.vector_store %arg4[%swap3A, %swap3A_6], %slice3A {strides = array<i32>} : memref<1000x64xf32, #tpu.memory_space<vmem>>, vector<1000x64xf32>,
    %slice3A_8 = vector.extract_strided_slice %dot_general3A_5 {offsets = [0, 64], sizes = [1000, 64], strides = [1, 1]} : vector<1000x128xf32> to vector<1000x64xf32>
    %swap3A_9 = arith.constant 0 : index
    %swap3A_10 = arith.constant 0 : index
    %swap3A_11 = vector.load %arg5[%swap3A_9, %swap3A_10] : memref<1000x64xf32, #tpu.memory_space<vmem>>, vector<1000x64xf32>
    tpu.vector_store %arg5[%swap3A_9, %swap3A_10], %slice3A_8 {strides = array<i32>} : memref<1000x64xf32, #tpu.memory_space<vmem>>, vector<1000x64xf32>,
    %get3A_12 = arith.constant 0 : index
    %get3A_13 = arith.constant 0 : index
    %get3A_14 = vector.load %arg3[%get3A_12, %get3A_13] : memref<256x1xf32, #tpu.memory_space<vmem>>, vector<256x1xf32>
    %slice3A_15 = vector.extract_strided_slice %get3A_14 {offsets = [0, 0], sizes = [128, 1], strides = [1, 1]} : vector<256x1xf32> to vector<128x1xf32>
    %dot_general3A_16 = arith.constant dense<0.000000e+00> : vector<1000x1xf32>
    %dot_general3A_17 = tpu.matmul %dot_general3A_5, %slice3A_15, %dot_general3A_16 {dimension_numbers = #tpu.dot_dimension_numbers<[1], [0], [0], [1], [0, 0, 1, 1], [], []>, transpose_lhs_hint = false} : vector<1000x128xf32>, vector<128x1xf32>, vector<1000x1xf32> -> vector<1000x1xf32>
    %slice3A_18 = vector.extract_strided_slice %get3A_14 {offsets = [128, 0], sizes = [128, 1], strides = [1, 1]} : vector<256x1xf32> to vector<128x1xf32>
    %dot_general3A_19 = arith.constant dense<0.000000e+00> : vector<1000x1xf32>
    %dot_general3A_20 = tpu.matmul %dot_general3A_5, %slice3A_18, %dot_general3A_19 {dimension_numbers = #tpu.dot_dimension_numbers<[1], [0], [0], [1], [0, 0, 1, 1], [], []>, transpose_lhs_hint = false} : vector<1000x128xf32>, vector<128x1xf32>, vector<1000x1xf32> -> vector<1000x1xf32>
    %swap3A_21 = arith.constant 0 : index
    %swap3A_22 = arith.constant 0 : index
    %swap3A_23 = vector.load %arg6[%swap3A_21, %swap3A_22] : memref<1000x1xf32, #tpu.memory_space<vmem>>, vector<1000x1xf32>
    tpu.vector_store %arg6[%swap3A_21, %swap3A_22], %dot_general3A_17 {strides = array<i32>} : memref<1000x1xf32, #tpu.memory_space<vmem>>, vector<1000x1xf32>,
    %swap3A_24 = arith.constant 0 : index
    %swap3A_25 = arith.constant 0 : index
    %swap3A_26 = vector.load %arg7[%swap3A_24, %swap3A_25] : memref<1000x1xf32, #tpu.memory_space<vmem>>, vector<1000x1xf32>
    tpu.vector_store %arg7[%swap3A_24, %swap3A_25], %dot_general3A_20 {strides = array<i32>} : memref<1000x1xf32, #tpu.memory_space<vmem>>, vector<1000x1xf32>,
    %eq3A = arith.constant 0 : i32
    %eq3A_27 = arith.cmpi eq, %arg0, %eq3A : i32
    %convert_element_type3A = arith.extui %eq3A_27 : i1 to i32
    %cond3A = arith.constant 0 : i32
    %cond3A_28 = arith.cmpi ne, %convert_element_type3A, %cond3A : i32
    scf.if %cond3A_28 {
      %broadcast_in_dim3A = arith.constant -3.000000e+38 : f32
      %broadcast_in_dim3A_53 = vector.broadcast %broadcast_in_dim3A : f32 to vector<1x128xf32>
      %swap3A_54 = arith.constant 0 : index
      %swap3A_55 = arith.constant 0 : index
      %swap3A_56 = vector.load %arg8[%swap3A_54, %swap3A_55] : memref<1x128xf32, #tpu.memory_space<vmem>>, vector<1x128xf32>
      tpu.vector_store %arg8[%swap3A_54, %swap3A_55], %broadcast_in_dim3A_53 {strides = array<i32>} : memref<1x128xf32, #tpu.memory_space<vmem>>, vector<1x128xf32>,
      %broadcast_in_dim3A_57 = arith.constant -3.000000e+38 : f32
      %broadcast_in_dim3A_58 = vector.broadcast %broadcast_in_dim3A_57 : f32 to vector<1x128xf32>
      %swap3A_59 = arith.constant 0 : index
      %swap3A_60 = arith.constant 0 : index
      %swap3A_61 = vector.load %arg9[%swap3A_59, %swap3A_60] : memref<1x128xf32, #tpu.memory_space<vmem>>, vector<1x128xf32>
      tpu.vector_store %arg9[%swap3A_59, %swap3A_60], %broadcast_in_dim3A_58 {strides = array<i32>} : memref<1x128xf32, #tpu.memory_space<vmem>>, vector<1x128xf32>,
    } else {
    }
    %get3A_29 = arith.constant 0 : index
    %get3A_30 = arith.constant 0 : index
    %get3A_31 = vector.load %arg8[%get3A_29, %get3A_30] : memref<1x128xf32, #tpu.memory_space<vmem>>, vector<1x128xf32>
    %reduce_max3A = vector.shape_cast %dot_general3A_17 : vector<1000x1xf32> to vector<1x1000x1xf32>
    %reduce_max3A_32 = arith.constant dense<0xFF800000> : vector<1xf32>
    %reduce_max3A_33 = vector.multi_reduction <maximumf>, %reduce_max3A, %reduce_max3A_32 [1, 2] : vector<1x1000x1xf32> to vector<1xf32>
    %reduce_max3A_34 = vector.shape_cast %reduce_max3A_33 : vector<1xf32> to vector<1x1x1xf32>
    %reduce_max3A_35 = vector.extract %reduce_max3A_34[0, 0, 0] : f32 from vector<1x1x1xf32>
    %max3A = vector.broadcast %reduce_max3A_35 : f32 to vector<1x128xf32>
    %max3A_36 = arith.maximumf %get3A_31, %max3A : vector<1x128xf32>
    %swap3A_37 = arith.constant 0 : index
    %swap3A_38 = arith.constant 0 : index
    %swap3A_39 = vector.load %arg8[%swap3A_37, %swap3A_38] : memref<1x128xf32, #tpu.memory_space<vmem>>, vector<1x128xf32>
    tpu.vector_store %arg8[%swap3A_37, %swap3A_38], %max3A_36 {strides = array<i32>} : memref<1x128xf32, #tpu.memory_space<vmem>>, vector<1x128xf32>,
    %get3A_40 = arith.constant 0 : index
    %get3A_41 = arith.constant 0 : index
    %get3A_42 = vector.load %arg9[%get3A_40, %get3A_41] : memref<1x128xf32, #tpu.memory_space<vmem>>, vector<1x128xf32>
    %reduce_max3A_43 = vector.shape_cast %dot_general3A_20 : vector<1000x1xf32> to vector<1x1000x1xf32>
    %reduce_max3A_44 = arith.constant dense<0xFF800000> : vector<1xf32>
    %reduce_max3A_45 = vector.multi_reduction <maximumf>, %reduce_max3A_43, %reduce_max3A_44 [1, 2] : vector<1x1000x1xf32> to vector<1xf32>
    %reduce_max3A_46 = vector.shape_cast %reduce_max3A_45 : vector<1xf32> to vector<1x1x1xf32>
    %reduce_max3A_47 = vector.extract %reduce_max3A_46[0, 0, 0] : f32 from vector<1x1x1xf32>
    %max3A_48 = vector.broadcast %reduce_max3A_47 : f32 to vector<1x128xf32>
    %max3A_49 = arith.maximumf %get3A_42, %max3A_48 : vector<1x128xf32>
    %swap3A_50 = arith.constant 0 : index
    %swap3A_51 = arith.constant 0 : index
    %swap3A_52 = vector.load %arg9[%swap3A_50, %swap3A_51] : memref<1x128xf32, #tpu.memory_space<vmem>>, vector<1x128xf32>
    tpu.vector_store %arg9[%swap3A_50, %swap3A_51], %max3A_49 {strides = array<i32>} : memref<1x128xf32, #tpu.memory_space<vmem>>, vector<1x128xf32>,
    return
  }
  func.func @transform_0(%arg0: i32) -> (i32, i32) {
    %c0_i32 = arith.constant 0 : i32
    %c0_i32_0 = arith.constant 0 : i32
    return %arg0, %c0_i32 : i32, i32
  }
  func.func @transform_1(%arg0: i32) -> (i32, i32) {
    %c0_i32 = arith.constant 0 : i32
    %c0_i32_0 = arith.constant 0 : i32
    %c0_i32_1 = arith.constant 0 : i32
    return %c0_i32, %c0_i32_0 : i32, i32
  }
  func.func @transform_2(%arg0: i32) -> (i32, i32) {
    %c0_i32 = arith.constant 0 : i32
    %c0_i32_0 = arith.constant 0 : i32
    %c0_i32_1 = arith.constant 0 : i32
    return %c0_i32, %c0_i32_0 : i32, i32
  }
  func.func @transform_3(%arg0: i32) -> (i32, i32) {
    %c0_i32 = arith.constant 0 : i32
    %c0_i32_0 = arith.constant 0 : i32
    return %arg0, %c0_i32 : i32, i32
  }
  func.func @transform_4(%arg0: i32) -> (i32, i32) {
    %c0_i32 = arith.constant 0 : i32
    %c0_i32_0 = arith.constant 0 : i32
    return %arg0, %c0_i32 : i32, i32
  }
  func.func @transform_5(%arg0: i32) -> (i32, i32) {
    %c0_i32 = arith.constant 0 : i32
    %c0_i32_0 = arith.constant 0 : i32
    return %arg0, %c0_i32 : i32, i32
  }
  func.func @transform_6(%arg0: i32) -> (i32, i32) {
    %c0_i32 = arith.constant 0 : i32
    %c0_i32_0 = arith.constant 0 : i32
    return %arg0, %c0_i32 : i32, i32
  }
  func.func @transform_7(%arg0: i32) -> (i32, i32) {
    %c0_i32 = arith.constant 0 : i32
    %c0_i32_0 = arith.constant 0 : i32
    %c0_i32_1 = arith.constant 0 : i32
    return %c0_i32, %c0_i32_0 : i32, i32
  }
  func.func @transform_8(%arg0: i32) -> (i32, i32) {
    %c0_i32 = arith.constant 0 : i32
    %c0_i32_0 = arith.constant 0 : i32
    %c0_i32_1 = arith.constant 0 : i32
    return %c0_i32, %c0_i32_0 : i32, i32
  }
}

module attributes {stable_mosaic.version = 14 : i64} {
  func.func @_combine_body(%arg0: i32, %arg1: memref<1000x64xf32, #tpu.memory_space<vmem>>, %arg2: memref<1000x64xf32, #tpu.memory_space<vmem>>, %arg3: memref<1000x1xf32, #tpu.memory_space<vmem>>, %arg4: memref<1000x128xf32, #tpu.memory_space<vmem>>) attributes {dimension_semantics = [#tpu.dimension_semantics<arbitrary>], iteration_bounds = array<i64: 10>, scalar_prefetch = 0 : i64, scratch_operands = 0 : i64, tpu.core_type = #tpu.core_type<tc>, window_params = [{transform_indices = @transform_0, window_bounds = array<i64: 1000, 64>}, {transform_indices = @transform_1, window_bounds = array<i64: 1000, 64>}, {transform_indices = @transform_2, window_bounds = array<i64: 1000, 1>}, {transform_indices = @transform_3, window_bounds = array<i64: 1000, 128>}]} {
    %get3A = arith.constant 0 : index
    %get3A_0 = arith.constant 0 : index
    %get3A_1 = vector.load %arg3[%get3A, %get3A_0] : memref<1000x1xf32, #tpu.memory_space<vmem>>, vector<1000x1xf32>
    %gt3A = arith.constant 0.000000e+00 : f32
    %gt3A_2 = vector.broadcast %gt3A : f32 to vector<1000x1xf32>
    %gt3A_3 = arith.cmpf ogt, %get3A_1, %gt3A_2 : vector<1000x1xf32>
    %jit3A = arith.constant 1.000000e+00 : f32
    %broadcast_in_dim3A = vector.broadcast %jit3A : f32 to vector<1000x1xf32>
    %select_n3A = arith.select %gt3A_3, %get3A_1, %broadcast_in_dim3A : vector<1000x1xi1>, vector<1000x1xf32>
    %get3A_4 = arith.constant 0 : index
    %get3A_5 = arith.constant 0 : index
    %get3A_6 = vector.load %arg1[%get3A_4, %get3A_5] : memref<1000x64xf32, #tpu.memory_space<vmem>>, vector<1000x64xf32>
    %get3A_7 = arith.constant 0 : index
    %get3A_8 = arith.constant 0 : index
    %get3A_9 = vector.load %arg2[%get3A_7, %get3A_8] : memref<1000x64xf32, #tpu.memory_space<vmem>>, vector<1000x64xf32>
    %concatenate3A = tpu.concatenate %get3A_6, %get3A_9 in 1 : vector<1000x64xf32>, vector<1000x64xf32> -> vector<1000x128xf32>
    %div3A = vector.broadcast %select_n3A : vector<1000x1xf32> to vector<1000x128xf32>
    %div3A_10 = arith.divf %concatenate3A, %div3A : vector<1000x128xf32>
    %max3A = arith.constant 0.000000e+00 : f32
    %max3A_11 = vector.broadcast %max3A : f32 to vector<1000x128xf32>
    %max3A_12 = arith.maximumf %div3A_10, %max3A_11 : vector<1000x128xf32>
    %swap3A = arith.constant 0 : index
    %swap3A_13 = arith.constant 0 : index
    %swap3A_14 = vector.load %arg4[%swap3A, %swap3A_13] : memref<1000x128xf32, #tpu.memory_space<vmem>>, vector<1000x128xf32>
    tpu.vector_store %arg4[%swap3A, %swap3A_13], %max3A_12 {strides = array<i32>} : memref<1000x128xf32, #tpu.memory_space<vmem>>, vector<1000x128xf32>,
    return
  }
  func.func @transform_0(%arg0: i32) -> (i32, i32) {
    %c0_i32 = arith.constant 0 : i32
    %c0_i32_0 = arith.constant 0 : i32
    return %arg0, %c0_i32 : i32, i32
  }
  func.func @transform_1(%arg0: i32) -> (i32, i32) {
    %c0_i32 = arith.constant 0 : i32
    %c0_i32_0 = arith.constant 0 : i32
    return %arg0, %c0_i32 : i32, i32
  }
  func.func @transform_2(%arg0: i32) -> (i32, i32) {
    %c0_i32 = arith.constant 0 : i32
    %c0_i32_0 = arith.constant 0 : i32
    return %arg0, %c0_i32 : i32, i32
  }
  func.func @transform_3(%arg0: i32) -> (i32, i32) {
    %c0_i32 = arith.constant 0 : i32
    %c0_i32_0 = arith.constant 0 : i32
    return %arg0, %c0_i32 : i32, i32
  }
}

</mosaic_0001>

<sc_bundles>
// kernel: kernel.5.cloned.1.call-start
scs
__scs_entry_jumppad:
0x0: {  	(pc) =	sbr.rel $0x88, $3  }
0x1: {  	(tag) =	ssettag $0x0;
	lr =	simm.s32 $0x1  }
0x2: {  	[smem:$0x3F9D] =	sst lr;
	_ =	strace $0xD0000000  }
0x3: {  	_ = 	snop  }
0x4: {  	_ = 	snop  }
0x5: {  	_ = 	snop  }
0x6: {  	_ = 	snop  }
0x7: {  	_ = 	snop  }
__scs_overlays_trampoline_lowered:
0x8: {  	[smem:$0x3FAC] =	sst s0  }
0x9: {  	[smem:$0x3FAD] =	sst s1  }
0xa: {  	[smem:$0x3FAE] =	sst s2  }
0xb: {  	[smem:$0x3FAF] =	sst s3  }
0xc: {  	[smem:$0x3FB0] =	sst s4  }
0xd: {  	[smem:$0x3FB1] =	sst s5  }
0xe: {  	[smem:$0x3FB2] =	sst s6  }
0xf: {  	[smem:$0x3FB3] =	sst s7  }
0x10: {  	[smem:$0x3FB4] =	sst s8  }
0x11: {  	[smem:$0x3FB5] =	sst s9;
	s0 =	simm.s32 @!p0 $0x0  }
0x12: {  	s1 =	sld [smem:$0x3F9B];
	s0 =	simm.s32 @p0 $0x1  }
0x13: {  	[smem:$0x3FB6] =	sst s0;
	s0 =	simm.s32 @!p1 $0x0  }
0x14: {  	s2 =	sld [smem:$0x3F9A];
	s0 =	simm.s32 @p1 $0x1  }
0x15: {  	[smem:$0x3FB7] =	sst s0;
	s0 =	simm.s32 @!p2 $0x0  }
0x16: {  	s3 =	sld [smem:$0x3FDB];
	s0 =	simm.s32 @p2 $0x1  }
0x17: {  	s4 =	simm.s32 $0x1BF5;
	[smem:$0x3FB9] =	sst s0  }
0x18: {  	s0 =	sld [smem:$0x3F9C];
	_ =	swait.ge [sflag:s4], $0x0  }
0x19: {  	s7 =	sld [smem:$0x3F9D]  }
0x1a: {  	s8 =	sadd.s32 $0xFFFFE003, lr  }
0x1b: {  	s9 =	sadd.s32 $0xFFFFFEF7, lr;
	s5 =	simm.s32 $0xFFFFFFFF;
	p2 =	slt.u32 s8, $0xFFFFF086  }
0x1c: {  	p1 =	slt.u32 s9, $0xF7A;
	s5 =	simm.s32 @!p2 $0x0  }
0x1d: {  	s5 =	simm.s32 @p1 $0x1;
	p0 =	seq.s32 s7, s2  }
0x1e: {  	s7 =	smul.u32 @!p0 $0xF7A, s2;
	p2 =	seq.s32 @!p0 s5, $0x0  }
0x1f: {  	s9 =	smul.u32 $0xF7A, s1;
	s8 =	simm.s32 @!p0 $0x1BF5;
	p2 =	por !p2, p0  }
0x20: {  	[sflag:s8] =	ssyncset.s32 @!p0 $0xFFFFF086;
	s6 =	sadd.s32 @!p0 s3, s7;
	s7 =	simm.s32 @!p0 $0x108  }
0x21: {  	s3 =	sadd.s32 s3, s9;
	s6 =	sadd.s32 @!p0 $0x88, s6;
	s7 =	simm.s32 @p2 $0x1082  }
0x22: {  	[simem:s7], [sflag:s8] =	dma.local @!p0 [hbm:s6], $0xF7A  }
0x23: {  	s9 =	sor.u32 $0xD0000000, s2;
	s6 =	simm.s32 $0x108;
	_ =	swait.ge @!p0 [sflag:s8], $0x0  }
0x24: {  	s3 =	sadd.s32 $0x88, s3;
	s6 =	simm.s32 @!p1 $0x1082;
	[sflag:s4] =	ssyncset.s32 $0xFFFFF086  }
0x25: {  	[simem:s6], [sflag:s4] =	dma.local [hbm:s3], $0xF7A  }
0x26: {  	[smem:$0x3F9D] =	sst s1;
	(tag) =	ssettag s2;
	_ =	strace s9  }
0x27: {  	s1 =	sld [smem:$0x3FAD]  }
0x28: {  	s2 =	sld [smem:$0x3FAE]  }
0x29: {  	s4 =	sld [smem:$0x3FB0]  }
0x2a: {  	p0 =	seq.s32 s5, $0x0;
	s5 =	sld [smem:$0x3FB1]  }
0x2b: {  	s6 =	sld [smem:$0x3FB2]  }
0x2c: {  	s7 =	sld [smem:$0x3FB3]  }
0x2d: {  	s3 =	simm.s32 $0x108;
	s8 =	sld [smem:$0x3FB4]  }
0x2e: {  	s3 =	simm.s32 @!p0 $0x1082;
	s9 =	sld [smem:$0x3FB5]  }
0x2f: {  	lr =	sadd.s32 s0, s3;
	s0 =	sld [smem:$0x3FAC]  }
0x30: {  	s3 =	sld [smem:$0x3FAF]  }
0x31: {  	[smem:$0x3FB8] =	sst s10  }
0x32: {  	s10 =	sld [smem:$0x3FB6];
	_ =	sdelay $0x3  }
0x33: {  	p0 =	seq.s32 s10, $0x1;
	s10 =	sld [smem:$0x3FB8];
	_ =	sdelay $0x3  }
0x34: {  	[smem:$0x3FB8] =	sst s10  }
0x35: {  	s10 =	sld [smem:$0x3FB7];
	_ =	sdelay $0x3  }
0x36: {  	p1 =	seq.s32 s10, $0x1;
	s10 =	sld [smem:$0x3FB8];
	_ =	sdelay $0x3  }
0x37: {  	[smem:$0x3FB8] =	sst s10  }
0x38: {  	s10 =	sld [smem:$0x3FB9]  }
0x39: {  	_ = 	snop;
	(pc) =	sbr.ind lr, $3  }
0x3a: {  	_ = 	snop  }
0x3b: {  	_ = 	snop  }
0x3c: {  	p2 =	seq.s32 s10, $0x1;
	s10 =	sld [smem:$0x3FB8]  }
0x3d: {  	_ =	shalt  }
0x3e: {  	_ =	shalt  }
0x3f: {  	_ =	shalt  }
0x40: {  	_ =	shalt  }
0x41: {  	_ =	shalt  }
0x42: {  	_ =	shalt  }
0x43: {  	_ =	shalt  }
0x44: {  	_ =	shalt  }
0x45: {  	_ =	shalt  }
0x46: {  	_ =	shalt  }
0x47: {  	_ =	shalt  }
0x48: {  	_ =	shalt  }
0x49: {  	_ =	shalt  }
0x4a: {  	_ =	shalt  }
0x4b: {  	_ =	shalt  }
0x4c: {  	_ =	shalt  }
0x4d: {  	_ =	shalt  }
0x4e: {  	_ =	shalt  }
0x4f: {  	_ =	shalt  }
0x50: {  	_ =	shalt  }
0x51: {  	_ =	shalt  }
0x52: {  	_ =	shalt  }
0x53: {  	_ =	shalt  }
0x54: {  	_ =	shalt  }
0x55: {  	_ =	shalt  }
0x56: {  	_ =	shalt  }
0x57: {  	_ =	shalt  }
0x58: {  	_ =	shalt  }
0x59: {  	_ =	shalt  }
0x5a: {  	_ =	shalt  }
0x5b: {  	_ =	shalt  }
0x5c: {  	_ =	shalt  }
0x5d: {  	_ =	shalt  }
0x5e: {  	_ =	shalt  }
0x5f: {  	_ =	shalt  }
0x60: {  	_ =	shalt  }
0x61: {  	_ =	shalt  }
0x62: {  	_ =	shalt  }
0x63: {  	_ =	shalt  }
0x64: {  	_ =	shalt  }
0x65: {  	_ =	shalt  }
0x66: {  	_ =	shalt  }
0x67: {  	_ =	shalt  }
0x68: {  	_ =	shalt  }
0x69: {  	_ =	shalt  }
0x6a: {  	_ =	shalt  }
0x6b: {  	_ =	shalt  }
0x6c: {  	_ =	shalt  }
0x6d: {  	_ =	shalt  }
0x6e: {  	_ =	shalt  }
0x6f: {  	_ =	shalt  }
0x70: {  	_ =	shalt  }
0x71: {  	_ =	shalt  }
0x72: {  	_ =	shalt  }
0x73: {  	_ =	shalt  }
0x74: {  	_ =	shalt  }
0x75: {  	_ =	shalt  }
0x76: {  	_ =	shalt  }
0x77: {  	_ =	shalt  }
0x78: {  	_ =	shalt  }
0x79: {  	_ =	shalt  }
0x7a: {  	_ =	shalt  }
0x7b: {  	_ =	shalt  }
0x7c: {  	_ =	shalt  }
0x7d: {  	_ =	shalt  }
0x7e: {  	_ =	shalt  }
0x7f: {  	_ =	shalt  }
0x80: {  	_ =	shalt  }
0x81: {  	_ =	shalt  }
0x82: {  	_ =	shalt  }
0x83: {  	_ =	shalt  }
0x84: {  	_ =	shalt  }
0x85: {  	_ =	shalt  }
0x86: {  	_ =	shalt  }
0x87: {  	_ =	shalt  }
.Lfunc_end0:
.L_simem_size_0:
called_computation_lowered:
.L_overlay_start_0:
0x88: {  	s2 =	sld [smem:$0x3FD9]  }
0x89: {  	s3 =	sld [smem:$0x3FFE];
	_ =	sdelay $0x1  }
0x8a: {  	s1 =	srdreg.scid  }
0x8b: {  	s0 =	sand.u32 $0x1, s1  }
0x8c: {  	s17 =	sshll.u32 s0, $0xA;
	s2 =	sadd.s32 s3, s2  }
0x8d: {  	s2 =	sadd.s32 s2, s17  }
0x8e: {  	[smem:$0x3FC4] =	sst s2  }
0x8f: {  	_ = 	snop  }
0x90: {  	s2 =	sld [smem:$0x3FD0];
	(tm) =	ssettm $0x1  }
0x91: {  	s18 =	sld [smem:$0x3FFB];
	_ =	sdelay $0x3  }
0x92: {  	_ =	strace s18  }
0x93: {  	s3 =	sld [smem:$0x3FFC];
	_ =	sdelay $0x3  }
0x94: {  	_ =	strace s3  }
0x95: {  	s3 =	sld [smem:$0x3FFD];
	_ =	sdelay $0x3  }
0x96: {  	_ =	strace s3  }
0x97: {  	_ =	strace $0x8FFFFFFF  }
0x98: {  	s19 =	sld [smem:$0x3FDB];
	_ =	sdelay $0x1  }
0x99: {  	s4 =	simm.s32 $_scs_section_size  }
0x9a: {  	s5 =	simm.s32 $_size__tile_overlayer_lowered;
	s6 =	simm.s32 $_tile_overlayer_lowered  }
0x9b: {  	s22 =	simm.s32 $0x1BFF;
	s21 =	sshll.u32 s6, $0x1;
	s3 =	sadd.s32 s4, s19  }
0x9c: {  	s7 =	simm.s32 $0x0;
	s20 =	sshll.u32 s5, $0x1;
	s5 =	sadd.s32 s21, s3  }
0x9d: {  	[timem:s7], [sflag:s22] =	dma.local [hbm:s5], s20  }
0x9e: {  	_ =	swait.ge [sflag:s22], s20  }
0x9f: {  	s4 =	ssub.s32 $0x0, s20;
	[sflag:s22] =	ssyncset.done $0x0  }
0xa0: {  	[sflag:s22] =	ssyncadd.s32 s4;
	_ =	sdelay $0x1  }
0xa1: {  	s23 =	simm.s32 $0x1B8B  }
0xa2: {  	_ =	swait.ge [sflag:s23], $0x1  }
0xa3: {  	[sflag:s23] =	ssyncset.done $0x0  }
0xa4: {  	s25 =	simm.s32 $0x1B8E;
	s24 =	sld [smem:$0x3FFE];
	[sflag:s23] =	ssyncadd.s32 $0xFFFFFFFF  }
0xa5: {  	s26 =	simm.s32 $execute0_lowered;
	[smem:$0x3FD2] =	sst s25  }
0xa6: {  	s5 =	sshll.u32 s26, $0x1;
	_ =	strace $0x80000046;
	[dreg:$0x1] =	wrdreg $0xFFFFFFFF  }
0xa7: {  	s28 =	simm.s32 $_size_execute0_lowered;
	s3 =	sadd.s32 s3, s5;
	[dreg:$0x0] =	wrdreg $0x0  }
0xa8: {  	s5 =	sshll.u32 s28, $0x1;
	[dreg:$0x2] =	wrdreg s3  }
0xa9: {  	[dreg:$0x3] =	wrdreg s5  }
0xaa: {  	[dreg:$0x4] =	wrdreg $0xC0  }
0xab: {  	_ =	task [dreg:s7], $0x5FFFF  }
0xac: {  	[dreg:$0x1] =	wrdreg $0xFFFFFFFF  }
0xad: {  	[dreg:$0x0] =	wrdreg $0x60  }
0xae: {  	[dreg:$0x2] =	wrdreg s24  }
0xaf: {  	[dreg:$0x3] =	wrdreg s2  }
0xb0: {  	[dreg:$0x4] =	wrdreg $0xAC400  }
0xb1: {  	[dreg:$0x5] =	wrdreg $0x148800  }
0xb2: {  	[dreg:$0x6] =	wrdreg $0x14AF80  }
0xb3: {  	[dreg:$0x7] =	wrdreg $0x9  }
0xb4: {  	_ =	task.clear_ibuf [dreg:s7], $0x8FFFF;
	_ =	strace $0x90000046  }
0xb5: {  	s29 =	simm.s32 $0x9;
	_ =	strace $0x80000048  }
0xb6: {  	_ =	swait.ge [sflag:s29], $0x1  }
0xb7: {  	[sflag:s29] =	ssyncadd.s32 $0xFFFFFFFF  }
0xb8: {  	_ =	strace $0x90000048  }
0xb9: {  	_ =	sfence  }
0xba: {  	s30 =	sld [smem:$0x0];
	_ =	sdelay $0x2  }
0xbb: {  	s31 =	sshll.u32 s1, $0xD;
	s1 =	sshrl.u32 s1, $0x2  }
0xbc: {  	s3 =	sand.u32 $0x4000, s31;
	s1 =	sadd.s32 s1, s30  }
0xbd: {  	s0 =	sor.u32 s3, s0;
	s1 =	sshll.u32 s1, $0x11  }
0xbe: {  	s0 =	sor.u32 s1, s0  }
0xbf: {  	s0 =	sadd.s32 $0x8F2B, s0  }
0xc0: {  	[sflag:s0] =	ssyncadd.remote.s32 $0x1  }
0xc1: {  	_ =	sfence.sel $0xFFFF  }
0xc2: {  	[dreg:$0x0] =	wrdreg $0xFFFFFFFF;
	(pc) =	sbr.abs _section_cstart, $3  }
0xc3: {  	[dreg:$0x1] =	wrdreg $0xFFFFFFFF  }
0xc4: {  	_ =	task.clear_ibuf [dreg:s7], $0x2FFFF;
	_ =	strace $0x9FFFFFFF  }
0xc5: {  	(tm) =	ssettm $0x7FFFFFFF  }
tec
execute0_lowered:
.L_overlay_start_1:
0x0: {  	(tag) =	ssettag $0x1  }
0x1: {  	s0 =	rddreg [dreg:$0x0]  }
0x2: {  	s3 =	rddreg [dreg:$0x1]  }
0x3: {  	s1 =	rddreg [dreg:$0x2]  }
0x4: {  	s2 =	rddreg [dreg:$0x3]  }
0x5: {  	s4 =	rddreg [dreg:$0x4]  }
0x6: {  	s5 =	simm.s32 $0x0;
	s6 =	srdreg.scid;
	s15 =	stileid.u32  }
0x7: {  	s28 =	simm.s32 $0xE;
	s29 =	simm.s32 $0x5;
	s30 =	simm.s32 $0x9  }
0x8: {  	s31 =	simm.s32 $0x6;
	[smem:$0x7FF] =	sst s5;
	s7 =	smul.u32 $0x7D0, s15  }
0x9: {  	s6 =	sand.u32 $0x1, s6;
	s9 =	sadd.s32 $0x13A00, s0;
	s11 =	smul.u32 $0x3E800, s15  }
0xa: {  	s8 =	sadd.s32 $0x27A00, s0;
	s16 =	sadd.s32 $0x27400, s0;
	s20 =	smul.u32 $0x1F40, s15  }
0xb: {  	s12 =	sadd.s32 $0x3BA00, s0;
	s23 =	smul.u32 $0xFA00, s15;
	p0 =	slt.u32 s15, $0x5  }
0xc: {  	p2 =	sgt.u32 s15, $0x4;
	_ =	strace $0x80000047;
	[dreg:$0x6] =	wrdreg s8  }
0xd: {  	s10 =	smul.u32 $0x2710, s6;
	[dreg:$0x7] =	wrdreg s16;
	s8 =	sadd.s32 $0x28000, s0  }
0xe: {  	[dreg:$0x8] =	wrdreg s12;
	s17 =	ssub.s32 $0x2, s6;
	s12 =	sshrl.u32 s20, $0x2  }
0xf: {  	s24 =	smul.u32 $0x9C400, s6;
	s11 =	sshrl.u32 s11, $0x2;
	s12 =	sadd.s32 s12, s2  }
0x10: {  	p1 =	seq.s32 s6, $0x1;
	s16 =	sadd.s32 s11, s1;
	[dreg:$0xf] =	wrdreg s12  }
0x11: {  	s13 =	sshrl.u32 s17, $0x1;
	s19 =	sadd.s32 $0x1400, s16;
	[dreg:$0x9] =	wrdreg s16  }
0x12: {  	s9 =	smov.u32 @p1 s0;
	s21 =	sadd.s32 $0x2800, s16;
	[dreg:$0xa] =	wrdreg s19  }
0x13: {  	s26 =	sshrl.u32 s23, $0x3;
	s22 =	sadd.s32 $0x3C00, s16;
	[dreg:$0xb] =	wrdreg s21  }
0x14: {  	s10 =	sadd.s32 s7, s10;
	s14 =	sadd.s32 $0x5000, s16;
	[dreg:$0xc] =	wrdreg s22  }
0x15: {  	s18 =	ssub.s32 s17, s13;
	s17 =	sadd.s32 $0x6400, s16;
	[dreg:$0xd] =	wrdreg s14  }
0x16: {  	s25 =	sadd.s32 s23, s24;
	s12 =	sadd.s32 s7, s2;
	[dreg:$0xe] =	wrdreg s17  }
0x17: {  	s6 =	sshrl.u32 s25, $0x3;
	s24 =	sadd.s32 $0xE600, s16;
	[dreg:$0x12] =	wrdreg s12  }
0x18: {  	s10 =	sshrl.u32 s10, $0x3;
	s3 =	sadd.s32 s3, s6;
	[dreg:$0x1d] =	wrdreg s24  }
0x19: {  	s10 =	sadd.s32 s10, s0;
	s0 =	sadd.s32 s9, s26;
	[dreg:$0x10] =	wrdreg s3  }
0x1a: {  	p1 =	sgt.u32 s15, $0x9;
	s14 =	smax.u32 s18, $0x1;
	[dreg:$0x11] =	wrdreg s0  }
0x1b: {  	s17 =	smul.u32 $0x9C40, s15;
	s15 =	sadd.s32 $0x7800, s16;
	[dreg:$0x14] =	wrdreg s14  }
0x1c: {  	s11 =	simm.s32 $0x0;
	s18 =	sadd.s32 $0x8C00, s16;
	[dreg:$0x17] =	wrdreg s15  }
0x1d: {  	s9 =	sadd.s32 s23, s4;
	s19 =	sadd.s32 $0xA000, s16;
	[dreg:$0x18] =	wrdreg s18  }
0x1e: {  	s21 =	sadd.s32 $0xB400, s16;
	s22 =	sadd.s32 $0xC800, s16;
	[dreg:$0x19] =	wrdreg s19  }
0x1f: {  	s24 =	simm.s32 $0xD;
	s3 =	sadd.s32 s23, s1;
	[dreg:$0x1a] =	wrdreg s21  }
0x20: {  	s13 =	sadd.s32 $0x3BC00, s10;
	s0 =	sshrl.u32 s9, $0x3;
	[dreg:$0x1b] =	wrdreg s22  }
0x21: {  	s23 =	sadd.s32 $0xDC00, s16;
	s15 =	simm.s32 $0x15;
	[dreg:$0x13] =	wrdreg s13  }
0x22: {  	s16 =	simm.s32 $0x2710;
	s6 =	sshrl.u32 s17, $0x3;
	[dreg:$0x15] =	wrdreg s0  }
0x23: {  	s0 =	sshrl.u32 @!p1 s3, $0x3;
	[dreg:$0x1c] =	wrdreg s23;
	s20 =	sadd.s32 s8, s6  }
0x24: {  	s19 =	simm.s32 $0x5460;
	[dreg:$0x16] =	wrdreg s0;
	s25 =	sadd.s32 $0x14, s20  }
0x25: {  	v1 =	vimm.s32 $0x0;
	vm0 =	vcmask $0x300;
	s0 =	simm.s32 $0xA;
	s26 =	sadd.s32 $0x28, s20;
	[dreg:$0x1e] =	wrdreg s25  }
0x26: {  	v0 =	vimm.f32 $0.0e+00;
	v1 =	vsel vm0, $0x3, v1;
	s14 =	sadd.s32 $0x3C, s20;
	[dreg:$0x1f] =	wrdreg s26;
	s26 =	simm.s32 $0x50  }
.LBB2_1:
0x27: {  	s3 =	rddreg [dreg:$0x6]  }
0x28: {  	[tilespmem:s5], [sflag:$0x15] =	stream.linear.gather [hbm4b:s3+s5], $0x2710, $0x38;
	[tilespmem:$0x1E738] =	vst v63  }
0x29: {  	_ =	swait.ge [sflag:s15], $0x2710  }
0x2a: {  	[sflag:s15] =	ssyncset.done $0x0  }
0x2b: {  	s23 =	rddreg [dreg:$0x7];
	[sflag:s15] =	ssyncadd.s32 $0xFFFFD8F0  }
0x2c: {  	[tilespmem:s16], [sflag:$0x15] =	stream.linear.gather [hbm4b:s23+s5], $0x2710, $0x38;
	[tilespmem:$0x1E738] =	vst v63  }
0x2d: {  	_ =	swait.ge [sflag:s15], $0x2710  }
0x2e: {  	[sflag:s15] =	ssyncset.done $0x0  }
0x2f: {  	s6 =	simm.s32 $0xAC30;
	s25 =	rddreg [dreg:$0x8];
	[sflag:s15] =	ssyncadd.s32 $0xFFFFD8F0  }
0x30: {  	[tilespmem:s6], [sflag:$0x15] =	stream.linear.gather [hbm4b:s25+s5], $0x10, $0x38;
	[tilespmem:$0x1E738] =	vst v63  }
0x31: {  	_ =	swait.ge [sflag:s15], $0x10  }
0x32: {  	[sflag:s15] =	ssyncset.done $0x0  }
0x33: {  	s3 =	simm.s32 $0x0;
	[sflag:s15] =	ssyncadd.s32 $0xFFFFFFF0  }
.LBB2_2:
0x34: {  	p3 =	sne.s32 s3, $0x4F00  }
.Ltmp0:
0x35: {  	s6 =	sshra.s32 s3, $0x2;
	(pc) =	sbr.rel @p3 .LBB2_2-.Ltmp0, $4  }
0x36: {  	[tilespmem:s6+$0x5460] =	vst v0  }
0x37: {  	[tilespmem:s6+$0x5470] =	vst v0  }
0x38: {  	[tilespmem:s6+$0x5480] =	vst v0  }
0x39: {  	s3 =	sadd.s32 $0x100, s3;
	[tilespmem:s6+$0x5490] =	vst v0  }
0x3a: {  	s3 =	simm.s32 $0x40;
	s6 =	simm.s32 $0x0  }
.LBB2_4:
0x3b: {  	p3 =	sne.s32 s3, $0x1F00;
	[tilespmem:s6+$0xA460] =	vst v0;
	s6 =	smov.u32 s3;
	s3 =	sadd.s32 $0x40, s3  }
.Ltmp1:
0x3c: {  	(pc) =	sbr.rel @p3 .LBB2_4-.Ltmp1, $2  }
0x3d: {  	_ =	sdelay $0x2  }
0x3e: {  	s6 =	sshra.s32 s6, $0x2  }
.Ltmp2:
0x3f: {  	(pc) =	sbr.rel @p1 .LBB2_7-.Ltmp2, $2  }
0x40: {  	_ =	sdelay $0x2  }
0x41: {  	[tilespmem:s6+$0xA460] =	vst v0;
	p3 =	por $0x0, $0x0  }
0x42: {  	s3 =	rddreg [dreg:$0x9]  }
0x43: {  	[spmem:s3] =	stream.linear.scatter [tilespmem:s19], [sflag:$0x15], $0x1400, $0x38;
	[tilespmem:$0x1E738] =	vst v63  }
0x44: {  	_ =	swait.ge [sflag:s15], $0x1400  }
0x45: {  	[sflag:s15] =	ssyncset.done $0x0  }
0x46: {  	s21 =	rddreg [dreg:$0xa];
	[sflag:s15] =	ssyncadd.s32 $0xFFFFEC00  }
0x47: {  	[spmem:s21] =	stream.linear.scatter [tilespmem:s19], [sflag:$0x15], $0x1400, $0x38;
	[tilespmem:$0x1E738] =	vst v63  }
0x48: {  	_ =	swait.ge [sflag:s15], $0x1400  }
0x49: {  	[sflag:s15] =	ssyncset.done $0x0  }
0x4a: {  	s22 =	rddreg [dreg:$0xb];
	[sflag:s15] =	ssyncadd.s32 $0xFFFFEC00  }
0x4b: {  	[spmem:s22] =	stream.linear.scatter [tilespmem:s19], [sflag:$0x15], $0x1400, $0x38;
	[tilespmem:$0x1E738] =	vst v63  }
0x4c: {  	_ =	swait.ge [sflag:s15], $0x1400  }
0x4d: {  	[sflag:s15] =	ssyncset.done $0x0  }
0x4e: {  	s23 =	rddreg [dreg:$0xc];
	[sflag:s15] =	ssyncadd.s32 $0xFFFFEC00  }
0x4f: {  	[spmem:s23] =	stream.linear.scatter [tilespmem:s19], [sflag:$0x15], $0x1400, $0x38;
	[tilespmem:$0x1E738] =	vst v63  }
0x50: {  	_ =	swait.ge [sflag:s15], $0x1400  }
0x51: {  	[sflag:s15] =	ssyncset.done $0x0  }
0x52: {  	s25 =	rddreg [dreg:$0xd];
	[sflag:s15] =	ssyncadd.s32 $0xFFFFEC00  }
0x53: {  	[spmem:s25] =	stream.linear.scatter [tilespmem:s19], [sflag:$0x15], $0x1400, $0x38;
	[tilespmem:$0x1E738] =	vst v63  }
0x54: {  	_ =	swait.ge [sflag:s15], $0x1400  }
0x55: {  	[sflag:s15] =	ssyncset.done $0x0  }
0x56: {  	s6 =	rddreg [dreg:$0xe];
	[sflag:s15] =	ssyncadd.s32 $0xFFFFEC00  }
0x57: {  	[spmem:s6] =	stream.linear.scatter [tilespmem:s19], [sflag:$0x15], $0x1400, $0x38;
	[tilespmem:$0x1E738] =	vst v63  }
0x58: {  	_ =	swait.ge [sflag:s15], $0x1400  }
0x59: {  	[sflag:s15] =	ssyncset.done $0x0  }
0x5a: {  	s7 =	rddreg [dreg:$0x17];
	[sflag:s15] =	ssyncadd.s32 $0xFFFFEC00  }
0x5b: {  	[spmem:s7] =	stream.linear.scatter [tilespmem:s19], [sflag:$0x15], $0x1400, $0x38;
	[tilespmem:$0x1E738] =	vst v63  }
0x5c: {  	_ =	swait.ge [sflag:s15], $0x1400  }
0x5d: {  	[sflag:s15] =	ssyncset.done $0x0  }
0x5e: {  	s9 =	rddreg [dreg:$0x18];
	[sflag:s15] =	ssyncadd.s32 $0xFFFFEC00  }
0x5f: {  	[spmem:s9] =	stream.linear.scatter [tilespmem:s19], [sflag:$0x15], $0x1400, $0x38;
	[tilespmem:$0x1E738] =	vst v63  }
0x60: {  	_ =	swait.ge [sflag:s15], $0x1400  }
0x61: {  	[sflag:s15] =	ssyncset.done $0x0  }
0x62: {  	s10 =	rddreg [dreg:$0x19];
	[sflag:s15] =	ssyncadd.s32 $0xFFFFEC00  }
0x63: {  	[spmem:s10] =	stream.linear.scatter [tilespmem:s19], [sflag:$0x15], $0x1400, $0x38;
	[tilespmem:$0x1E738] =	vst v63  }
0x64: {  	_ =	swait.ge [sflag:s15], $0x1400  }
0x65: {  	[sflag:s15] =	ssyncset.done $0x0  }
0x66: {  	s12 =	rddreg [dreg:$0x1a];
	[sflag:s15] =	ssyncadd.s32 $0xFFFFEC00  }
0x67: {  	[spmem:s12] =	stream.linear.scatter [tilespmem:s19], [sflag:$0x15], $0x1400, $0x38;
	[tilespmem:$0x1E738] =	vst v63  }
0x68: {  	_ =	swait.ge [sflag:s15], $0x1400  }
0x69: {  	[sflag:s15] =	ssyncset.done $0x0  }
0x6a: {  	s13 =	rddreg [dreg:$0x1b];
	[sflag:s15] =	ssyncadd.s32 $0xFFFFEC00  }
0x6b: {  	[spmem:s13] =	stream.linear.scatter [tilespmem:s19], [sflag:$0x15], $0x1400, $0x38;
	[tilespmem:$0x1E738] =	vst v63  }
0x6c: {  	_ =	swait.ge [sflag:s15], $0x1400  }
0x6d: {  	[sflag:s15] =	ssyncset.done $0x0  }
0x6e: {  	s18 =	rddreg [dreg:$0x1c];
	[sflag:s15] =	ssyncadd.s32 $0xFFFFEC00  }
0x6f: {  	[spmem:s18] =	stream.linear.scatter [tilespmem:s19], [sflag:$0x15], $0x1400, $0x38;
	[tilespmem:$0x1E738] =	vst v63  }
0x70: {  	_ =	swait.ge [sflag:s15], $0x1400  }
0x71: {  	[sflag:s15] =	ssyncset.done $0x0  }
0x72: {  	s21 =	rddreg [dreg:$0x1d];
	[sflag:s15] =	ssyncadd.s32 $0xFFFFEC00  }
0x73: {  	[spmem:s21] =	stream.linear.scatter [tilespmem:s19], [sflag:$0x15], $0x1400, $0x38;
	[tilespmem:$0x1E738] =	vst v63  }
0x74: {  	_ =	swait.ge [sflag:s15], $0x1400  }
0x75: {  	[sflag:s15] =	ssyncset.done $0x0  }
0x76: {  	s3 =	simm.s32 @!p2 $0xA460;
	s6 =	rddreg [dreg:$0xf];
	[sflag:s15] =	ssyncadd.s32 $0xFFFFEC00  }
0x77: {  	[spmem:s6] =	stream.linear.scatter @!p2 [tilespmem:s3], [sflag:$0x15], $0x7D0, $0x38;
	[tilespmem:$0x1E738] =	vst v63  }
0x78: {  	s3 =	simm.s32 @!p2 $0x15  }
0x79: {  	s22 =	stileid.u32;
	_ =	swait.ge @!p2 [sflag:s3], $0x7D0  }
0x7a: {  	s6 =	sshll.u32 s22, $0x6;
	[sflag:s3] =	ssyncset.done @!p2 $0x0;
	s25 =	rddreg [dreg:$0x11]  }
0x7b: {  	s23 =	sor.u32 $0x1C15, s6;
	s7 =	rddreg [dreg:$0x15];
	[sflag:s3] =	ssyncadd.s32 @!p2 $0xFFFFF830  }
0x7c: {  	[spmem:s7], [sflag:s23] =	dma.local [hbm:s25], $0x1F40  }
0x7d: {  	_ =	swait.ge [sflag:s15], $0x1F40  }
0x7e: {  	[sflag:s15] =	ssyncset.done $0x0  }
0x7f: {  	p3 =	por p0, p0;
	[sflag:s15] =	ssyncadd.s32 $0xFFFFE0C0  }
.LBB2_7:
0x80: {  	[bflag:$0x0] =	sbarrier.arrive $0xFFFF;
	s3 =	simm.s32 $0x0;
	s6 =	simm.s32 $0x4E20  }
0x81: {  	v2 =	vld [tilespmem:$0xAC30];
	[tilespmem:s6], [sflag:$0xD] =	stream.linear.gather [hbm4b:s20+s3], $0xA0, $0x38  }
0x82: {  	s7 =	simm.s32 $0x4EC0;
	s12 =	rddreg [dreg:$0x1e]  }
0x83: {  	[tilespmem:s7], [sflag:$0xE] =	stream.linear.gather [hbm4b:s12+s3], $0xA0, $0x38;
	[tilespmem:$0x1E738] =	vst v63  }
0x84: {  	s18 =	simm.s32 $0x4F60;
	s13 =	rddreg [dreg:$0x1f]  }
0x85: {  	[tilespmem:s18], [sflag:$0xF] =	stream.linear.gather [hbm4b:s13+s3], $0xA0, $0x38;
	[tilespmem:$0x1E738] =	vst v63  }
0x86: {  	s21 =	simm.s32 $0x5000  }
0x87: {  	[tilespmem:s21], [sflag:$0x10] =	stream.linear.gather [hbm4b:s14+s3], $0xA0, $0x38;
	[tilespmem:$0x1E738] =	vst v63  }
0x88: {  	_ =	swait.ge [sflag:s24], $0xA0  }
0x89: {  	[sflag:s24] =	ssyncset.done $0x0  }
0x8a: {  	s22 =	simm.s32 $0x4E70;
	[sflag:s24] =	ssyncadd.s32 $0xFFFFFF60  }
0x8b: {  	[tilespmem:s19], [sflag:$0x1] =	stream.indirect.gather [spmem:s4], $0x40, s22, s26, $0xb8;
	[tilespmem:$0x1E738] =	vst v63  }
0x8c: {  	_ =	swait.ge [sflag:s28], $0xA0  }
0x8d: {  	s23 =	simm.s32 $0x4F10;
	[sflag:s28] =	ssyncset.done $0x0  }
0x8e: {  	s25 =	simm.s32 $0x6860;
	s10 =	simm.s32 $0x0;
	[sflag:s28] =	ssyncadd.s32 $0xFFFFFF60  }
0x8f: {  	[tilespmem:s25], [sflag:$0x2] =	stream.indirect.gather [spmem:s4], $0x40, s23, s26, $0xb8;
	[tilespmem:$0x1E738] =	vst v63  }
.LBB2_8:
0x90: {  	s6 =	sand.u32 $0x3, s10;
	p4 =	slt.u32 s10, $0x2  }
0x91: {  	s7 =	sxor.u32 @!p4 $0x2, s6  }
0x92: {  	p5 =	sgt.u32 @!p4 s10, $0xF5;
	s9 =	sadd.s32 @!p4 $0x5, s7  }
0x93: {  	p5 =	por p4, !p5;
	_ =	swait.ge @!p4 [sflag:s9], $0x1400  }
.Ltmp3:
0x94: {  	[sflag:s9] =	ssyncset.done @!p4 $0x0;
	(pc) =	sbr.rel @!p5 .LBB2_10-.Ltmp3, $4  }
0x95: {  	s7 =	sadd.s32 @!p4 $0x9, s7;
	[sflag:s9] =	ssyncadd.s32 @!p4 $0xFFFFEC00  }
0x96: {  	_ =	swait.ge @!p4 [sflag:s7], $0x50  }
0x97: {  	[sflag:s7] =	ssyncset.done @!p4 $0x0  }
0x98: {  	[sflag:s7] =	ssyncadd.s32 @!p4 $0xFFFFFFB0  }
0x99: {  	s7 =	sadd.s32 $0x4, s10  }
0x9a: {  	s9 =	smul.u32 $0xA0, s7;
	s7 =	sand.u32 $0x7, s7  }
0x9b: {  	s18 =	smul.u32 $0x280, s7  }
.Ltmp4:
0x9c: {  	_ = 	snop;
	(pc) =	sbr.rel .LBB2_11-.Ltmp4, $4  }
0x9d: {  	s9 =	sadd.s32 s17, s9  }
0x9e: {  	s18 =	sshrl.u32 s18, $0x2;
	s9 =	sshrl.u32 s9, $0x3  }
0x9f: {  	s7 =	sadd.s32 $0xD, s7;
	s18 =	sadd.s32 $0x4E20, s18;
	s9 =	sadd.s32 s8, s9  }
0xa0: {  	[tilespmem:s18], [sflag:s7] =	stream.linear.gather [hbm4b:s9+s5], $0xA0, $0x38;
	[tilespmem:$0x1E738] =	vst v63  }
.LBB2_10:
0xa1: {  	p4 =	sgt.u32 s10, $0xF7  }
.Ltmp5:
0xa2: {  	_ = 	snop;
	(pc) =	sbr.rel @p4 .LBB2_12-.Ltmp5, $1  }
0xa3: {  	_ =	sdelay $0x3  }
.LBB2_11:
0xa4: {  	s7 =	sadd.s32 $0x2, s10  }
0xa5: {  	s9 =	sand.u32 $0x7, s7;
	s7 =	sand.u32 $0x3, s7  }
0xa6: {  	s21 =	smul.u32 $0x5000, s7  }
0xa7: {  	s18 =	sadd.s32 $0xD, s9;
	s9 =	smul.u32 $0x280, s9  }
0xa8: {  	s7 =	sadd.s32 $0x1, s7;
	_ =	swait.ge [sflag:s18], $0xA0  }
0xa9: {  	[sflag:s18] =	ssyncset.done $0x0;
	s25 =	sshrl.u32 s21, $0x2;
	s9 =	sshrl.u32 s9, $0x2  }
0xaa: {  	[sflag:s18] =	ssyncadd.s32 $0xFFFFFF60;
	s18 =	sadd.s32 $0x5460, s25;
	s9 =	sadd.s32 $0x4E70, s9  }
0xab: {  	[tilespmem:s18], [sflag:s7] =	stream.indirect.gather [spmem:s4], $0x40, s9, s26, $0xb8;
	[tilespmem:$0x1E738] =	vst v63  }
.LBB2_12:
0xac: {  	s7 =	sand.u32 $0x7, s10  }
0xad: {  	s7 =	smul.u32 $0x280, s7;
	_ =	sdelay $0x1  }
0xae: {  	s21 =	sshrl.u32 s7, $0x2  }
0xaf: {  	v3 =	vld [tilespmem:s21+$0x4E20]  }
0xb0: {  	v4 =	vld [tilespmem:s21+$0x4E70];
	_ =	sdelay $0x5  }
0xb1: {  	s7 =	simm.s32 $0x0  }
0xb2: {  	v3 =	vld.idx.msk [tilespmem:v3+s7+$0x0], $0xffff  }
0xb3: {  	v4 =	vld.idx.msk [tilespmem:v4+s16+$0x0], $0xffff;
	_ =	sdelay $0x4  }
0xb4: {  	v3 =	vadd.f32 v4, v3;
	_ =	sdelay $0x1  }
0xb5: {  	v4 =	vmul.f32 $2.000000030e-01, v3  }
0xb6: {  	vm0 =	vge.f32 v3, $0.0e+00  }
0xb7: {  	v3 =	vsel vm0, v3, v4  }
0xb8: {  	v3 =	vsub.f32 v3, v2;
	_ =	sdelay $0x1  }
0xb9: {  	v3 =	vmul.f32 $1.442695020e+00, v3;
	_ =	sdelay $0x1  }
0xba: {  	v4 =	vtrunc.f32 v3  }
0xbb: {  	v4 =	vcvt.f32.s32 v4;
	_ =	sdelay $0x1  }
0xbc: {  	vm7 =	vgt.s32 v4, $0xFFFFFF82  }
0xbd: {  	v4 =	vnsel vm7, $0xFFFFFF82, v4  }
0xbe: {  	v5 =	vcvt.s32.f32 v4;
	_ =	sdelay $0x1  }
0xbf: {  	v3 =	vsub.f32 v3, v5;
	_ =	sdelay $0x1  }
0xc0: {  	v3 =	vmul.f32 $6.931471820e-01, v3;
	_ =	sdelay $0x1  }
0xc1: {  	v5 =	vmul.f32 $1.428571490e-01, v3;
	_ =	sdelay $0x1  }
0xc2: {  	v5 =	vadd.f32 $1.000000000e+00, v5;
	_ =	sdelay $0x1  }
0xc3: {  	v5 =	vmul.f32 v5, v3;
	_ =	sdelay $0x1  }
0xc4: {  	v5 =	vmul.f32 $1.666666720e-01, v5;
	_ =	sdelay $0x1  }
0xc5: {  	v5 =	vadd.f32 $1.000000000e+00, v5;
	_ =	sdelay $0x1  }
0xc6: {  	v5 =	vmul.f32 v5, v3;
	_ =	sdelay $0x1  }
0xc7: {  	v5 =	vmul.f32 $2.000000030e-01, v5;
	_ =	sdelay $0x1  }
0xc8: {  	v5 =	vadd.f32 $1.000000000e+00, v5;
	_ =	sdelay $0x1  }
0xc9: {  	v5 =	vmul.f32 v5, v3;
	_ =	sdelay $0x1  }
0xca: {  	v5 =	vmul.f32 $2.500000000e-01, v5;
	_ =	sdelay $0x1  }
0xcb: {  	v5 =	vadd.f32 $1.000000000e+00, v5;
	_ =	sdelay $0x1  }
0xcc: {  	v5 =	vmul.f32 v5, v3;
	_ =	sdelay $0x1  }
0xcd: {  	v5 =	vmul.f32 $3.333333430e-01, v5;
	_ =	sdelay $0x1  }
0xce: {  	v5 =	vadd.f32 $1.000000000e+00, v5;
	_ =	sdelay $0x1  }
0xcf: {  	v5 =	vmul.f32 v5, v3;
	_ =	sdelay $0x1  }
0xd0: {  	v5 =	vmul.f32 $5.000000000e-01, v5;
	_ =	sdelay $0x1  }
0xd1: {  	v5 =	vadd.f32 $1.000000000e+00, v5;
	_ =	sdelay $0x1  }
0xd2: {  	v3 =	vmul.f32 v5, v3;
	_ =	sdelay $0x1  }
0xd3: {  	v4 =	vshll.u32 v4, $0x17;
	v3 =	vadd.f32 $1.000000000e+00, v3  }
0xd4: {  	s9 =	smul.u32 $0x140, s6;
	v4 =	vadd.s32 $0x3F800000, v4  }
0xd5: {  	v3 =	vmul.f32 v4, v3  }
0xd6: {  	s9 =	sshrl.u32 s9, $0x2  }
0xd7: {  	[tilespmem:s9+$0x5320] =	vst v3  }
0xd8: {  	v3 =	vld [tilespmem:s21+$0x4E30]  }
0xd9: {  	v4 =	vld [tilespmem:s21+$0x4E80];
	_ =	sdelay $0x6  }
0xda: {  	v3 =	vld.idx.msk [tilespmem:v3+s7+$0x0], $0xffff  }
0xdb: {  	v4 =	vld.idx.msk [tilespmem:v4+s16+$0x0], $0xffff;
	_ =	sdelay $0x4  }
0xdc: {  	v3 =	vadd.f32 v4, v3;
	_ =	sdelay $0x1  }
0xdd: {  	v4 =	vmul.f32 $2.000000030e-01, v3  }
0xde: {  	vm8 =	vge.f32 v3, $0.0e+00  }
0xdf: {  	v3 =	vsel vm8, v3, v4  }
0xe0: {  	v3 =	vsub.f32 v3, v2;
	_ =	sdelay $0x1  }
0xe1: {  	v3 =	vmul.f32 $1.442695020e+00, v3;
	_ =	sdelay $0x1  }
0xe2: {  	v4 =	vtrunc.f32 v3  }
0xe3: {  	v4 =	vcvt.f32.s32 v4;
	_ =	sdelay $0x1  }
0xe4: {  	vm9 =	vgt.s32 v4, $0xFFFFFF82  }
0xe5: {  	v4 =	vnsel vm9, $0xFFFFFF82, v4  }
0xe6: {  	v5 =	vcvt.s32.f32 v4;
	_ =	sdelay $0x1  }
0xe7: {  	v3 =	vsub.f32 v3, v5;
	_ =	sdelay $0x1  }
0xe8: {  	v3 =	vmul.f32 $6.931471820e-01, v3;
	_ =	sdelay $0x1  }
0xe9: {  	v5 =	vmul.f32 $1.428571490e-01, v3;
	_ =	sdelay $0x1  }
0xea: {  	v5 =	vadd.f32 $1.000000000e+00, v5;
	_ =	sdelay $0x1  }
0xeb: {  	v5 =	vmul.f32 v5, v3;
	_ =	sdelay $0x1  }
0xec: {  	v5 =	vmul.f32 $1.666666720e-01, v5;
	_ =	sdelay $0x1  }
0xed: {  	v5 =	vadd.f32 $1.000000000e+00, v5;
	_ =	sdelay $0x1  }
0xee: {  	v5 =	vmul.f32 v5, v3;
	_ =	sdelay $0x1  }
0xef: {  	v5 =	vmul.f32 $2.000000030e-01, v5;
	_ =	sdelay $0x1  }
0xf0: {  	v5 =	vadd.f32 $1.000000000e+00, v5;
	_ =	sdelay $0x1  }
0xf1: {  	v5 =	vmul.f32 v5, v3;
	_ =	sdelay $0x1  }
0xf2: {  	v5 =	vmul.f32 $2.500000000e-01, v5;
	_ =	sdelay $0x1  }
0xf3: {  	v5 =	vadd.f32 $1.000000000e+00, v5;
	_ =	sdelay $0x1  }
0xf4: {  	v5 =	vmul.f32 v5, v3;
	_ =	sdelay $0x1  }
0xf5: {  	v5 =	vmul.f32 $3.333333430e-01, v5;
	_ =	sdelay $0x1  }
0xf6: {  	v5 =	vadd.f32 $1.000000000e+00, v5;
	_ =	sdelay $0x1  }
0xf7: {  	v5 =	vmul.f32 v5, v3;
	_ =	sdelay $0x1  }
0xf8: {  	v5 =	vmul.f32 $5.000000000e-01, v5;
	_ =	sdelay $0x1  }
0xf9: {  	v5 =	vadd.f32 $1.000000000e+00, v5;
	_ =	sdelay $0x1  }
0xfa: {  	v3 =	vmul.f32 v5, v3;
	_ =	sdelay $0x1  }
0xfb: {  	v4 =	vshll.u32 v4, $0x17;
	v3 =	vadd.f32 $1.000000000e+00, v3  }
0xfc: {  	v4 =	vadd.s32 $0x3F800000, v4  }
0xfd: {  	v3 =	vmul.f32 v4, v3;
	_ =	sdelay $0x1  }
0xfe: {  	[tilespmem:s9+$0x5330] =	vst v3  }
0xff: {  	v3 =	vld [tilespmem:s21+$0x4E40]  }
0x100: {  	v4 =	vld [tilespmem:s21+$0x4E90];
	_ =	sdelay $0x6  }
0x101: {  	v3 =	vld.idx.msk [tilespmem:v3+s7+$0x0], $0xffff  }
0x102: {  	v4 =	vld.idx.msk [tilespmem:v4+s16+$0x0], $0xffff;
	_ =	sdelay $0x4  }
0x103: {  	v3 =	vadd.f32 v4, v3;
	_ =	sdelay $0x1  }
0x104: {  	v4 =	vmul.f32 $2.000000030e-01, v3  }
0x105: {  	vm10 =	vge.f32 v3, $0.0e+00  }
0x106: {  	v3 =	vsel vm10, v3, v4  }
0x107: {  	v3 =	vsub.f32 v3, v2;
	_ =	sdelay $0x1  }
0x108: {  	v3 =	vmul.f32 $1.442695020e+00, v3;
	_ =	sdelay $0x1  }
0x109: {  	v4 =	vtrunc.f32 v3  }
0x10a: {  	v4 =	vcvt.f32.s32 v4;
	_ =	sdelay $0x1  }
0x10b: {  	vm11 =	vgt.s32 v4, $0xFFFFFF82  }
0x10c: {  	v4 =	vnsel vm11, $0xFFFFFF82, v4  }
0x10d: {  	v5 =	vcvt.s32.f32 v4;
	_ =	sdelay $0x1  }
0x10e: {  	v3 =	vsub.f32 v3, v5;
	_ =	sdelay $0x1  }
0x10f: {  	v3 =	vmul.f32 $6.931471820e-01, v3;
	_ =	sdelay $0x1  }
0x110: {  	v5 =	vmul.f32 $1.428571490e-01, v3;
	_ =	sdelay $0x1  }
0x111: {  	v5 =	vadd.f32 $1.000000000e+00, v5;
	_ =	sdelay $0x1  }
0x112: {  	v5 =	vmul.f32 v5, v3;
	_ =	sdelay $0x1  }
0x113: {  	v5 =	vmul.f32 $1.666666720e-01, v5;
	_ =	sdelay $0x1  }
0x114: {  	v5 =	vadd.f32 $1.000000000e+00, v5;
	_ =	sdelay $0x1  }
0x115: {  	v5 =	vmul.f32 v5, v3;
	_ =	sdelay $0x1  }
0x116: {  	v5 =	vmul.f32 $2.000000030e-01, v5;
	_ =	sdelay $0x1  }
0x117: {  	v5 =	vadd.f32 $1.000000000e+00, v5;
	_ =	sdelay $0x1  }
0x118: {  	v5 =	vmul.f32 v5, v3;
	_ =	sdelay $0x1  }
0x119: {  	v5 =	vmul.f32 $2.500000000e-01, v5;
	_ =	sdelay $0x1  }
0x11a: {  	v5 =	vadd.f32 $1.000000000e+00, v5;
	_ =	sdelay $0x1  }
0x11b: {  	v5 =	vmul.f32 v5, v3;
	_ =	sdelay $0x1  }
0x11c: {  	v5 =	vmul.f32 $3.333333430e-01, v5;
	_ =	sdelay $0x1  }
0x11d: {  	v5 =	vadd.f32 $1.000000000e+00, v5;
	_ =	sdelay $0x1  }
0x11e: {  	v5 =	vmul.f32 v5, v3;
	_ =	sdelay $0x1  }
0x11f: {  	v5 =	vmul.f32 $5.000000000e-01, v5;
	_ =	sdelay $0x1  }
0x120: {  	v5 =	vadd.f32 $1.000000000e+00, v5;
	_ =	sdelay $0x1  }
0x121: {  	v3 =	vmul.f32 v5, v3;
	_ =	sdelay $0x1  }
0x122: {  	v4 =	vshll.u32 v4, $0x17;
	v3 =	vadd.f32 $1.000000000e+00, v3  }
0x123: {  	v4 =	vadd.s32 $0x3F800000, v4  }
0x124: {  	v3 =	vmul.f32 v4, v3;
	_ =	sdelay $0x1  }
0x125: {  	[tilespmem:s9+$0x5340] =	vst v3  }
0x126: {  	v3 =	vld [tilespmem:s21+$0x4E50]  }
0x127: {  	v4 =	vld [tilespmem:s21+$0x4EA0];
	_ =	sdelay $0x6  }
0x128: {  	v3 =	vld.idx.msk [tilespmem:v3+s7+$0x0], $0xffff  }
0x129: {  	v4 =	vld.idx.msk [tilespmem:v4+s16+$0x0], $0xffff;
	_ =	sdelay $0x4  }
0x12a: {  	v3 =	vadd.f32 v4, v3;
	_ =	sdelay $0x1  }
0x12b: {  	v4 =	vmul.f32 $2.000000030e-01, v3  }
0x12c: {  	vm12 =	vge.f32 v3, $0.0e+00  }
0x12d: {  	v3 =	vsel vm12, v3, v4  }
0x12e: {  	v3 =	vsub.f32 v3, v2;
	_ =	sdelay $0x1  }
0x12f: {  	v3 =	vmul.f32 $1.442695020e+00, v3;
	_ =	sdelay $0x1  }
0x130: {  	v4 =	vtrunc.f32 v3  }
0x131: {  	v4 =	vcvt.f32.s32 v4;
	_ =	sdelay $0x1  }
0x132: {  	vm13 =	vgt.s32 v4, $0xFFFFFF82  }
0x133: {  	v4 =	vnsel vm13, $0xFFFFFF82, v4  }
0x134: {  	v5 =	vcvt.s32.f32 v4;
	_ =	sdelay $0x1  }
0x135: {  	v3 =	vsub.f32 v3, v5;
	_ =	sdelay $0x1  }
0x136: {  	v3 =	vmul.f32 $6.931471820e-01, v3;
	_ =	sdelay $0x1  }
0x137: {  	v5 =	vmul.f32 $1.428571490e-01, v3;
	_ =	sdelay $0x1  }
0x138: {  	v5 =	vadd.f32 $1.000000000e+00, v5;
	_ =	sdelay $0x1  }
0x139: {  	v5 =	vmul.f32 v5, v3;
	_ =	sdelay $0x1  }
0x13a: {  	v5 =	vmul.f32 $1.666666720e-01, v5;
	_ =	sdelay $0x1  }
0x13b: {  	v5 =	vadd.f32 $1.000000000e+00, v5;
	_ =	sdelay $0x1  }
0x13c: {  	v5 =	vmul.f32 v5, v3;
	_ =	sdelay $0x1  }
0x13d: {  	v5 =	vmul.f32 $2.000000030e-01, v5;
	_ =	sdelay $0x1  }
0x13e: {  	v5 =	vadd.f32 $1.000000000e+00, v5;
	_ =	sdelay $0x1  }
0x13f: {  	v5 =	vmul.f32 v5, v3;
	_ =	sdelay $0x1  }
0x140: {  	v5 =	vmul.f32 $2.500000000e-01, v5;
	_ =	sdelay $0x1  }
0x141: {  	v5 =	vadd.f32 $1.000000000e+00, v5;
	_ =	sdelay $0x1  }
0x142: {  	v5 =	vmul.f32 v5, v3;
	_ =	sdelay $0x1  }
0x143: {  	v5 =	vmul.f32 $3.333333430e-01, v5;
	_ =	sdelay $0x1  }
0x144: {  	v5 =	vadd.f32 $1.000000000e+00, v5;
	_ =	sdelay $0x1  }
0x145: {  	v5 =	vmul.f32 v5, v3;
	_ =	sdelay $0x1  }
0x146: {  	v5 =	vmul.f32 $5.000000000e-01, v5;
	_ =	sdelay $0x1  }
0x147: {  	v5 =	vadd.f32 $1.000000000e+00, v5;
	_ =	sdelay $0x1  }
0x148: {  	v3 =	vmul.f32 v5, v3;
	_ =	sdelay $0x1  }
0x149: {  	v4 =	vshll.u32 v4, $0x17;
	v3 =	vadd.f32 $1.000000000e+00, v3  }
0x14a: {  	v4 =	vadd.s32 $0x3F800000, v4  }
0x14b: {  	v3 =	vmul.f32 v4, v3;
	_ =	sdelay $0x1  }
0x14c: {  	[tilespmem:s9+$0x5350] =	vst v3  }
0x14d: {  	v3 =	vld [tilespmem:s21+$0x4E60]  }
0x14e: {  	v4 =	vld [tilespmem:s21+$0x4EB0];
	_ =	sdelay $0x6  }
0x14f: {  	v3 =	vld.idx.msk [tilespmem:v3+s7+$0x0], $0xffff  }
0x150: {  	v4 =	vld.idx.msk [tilespmem:v4+s16+$0x0], $0xffff;
	_ =	sdelay $0x4  }
0x151: {  	v3 =	vadd.f32 v4, v3;
	_ =	sdelay $0x1  }
0x152: {  	v4 =	vmul.f32 $2.000000030e-01, v3  }
0x153: {  	vm14 =	vge.f32 v3, $0.0e+00  }
0x154: {  	v3 =	vsel vm14, v3, v4  }
0x155: {  	v3 =	vsub.f32 v3, v2;
	_ =	sdelay $0x1  }
0x156: {  	v3 =	vmul.f32 $1.442695020e+00, v3;
	_ =	sdelay $0x1  }
0x157: {  	v4 =	vtrunc.f32 v3  }
0x158: {  	v4 =	vcvt.f32.s32 v4;
	_ =	sdelay $0x1  }
0x159: {  	vm15 =	vgt.s32 v4, $0xFFFFFF82  }
0x15a: {  	v4 =	vnsel vm15, $0xFFFFFF82, v4  }
0x15b: {  	v5 =	vcvt.s32.f32 v4;
	_ =	sdelay $0x1  }
0x15c: {  	v3 =	vsub.f32 v3, v5;
	_ =	sdelay $0x1  }
0x15d: {  	v3 =	vmul.f32 $6.931471820e-01, v3;
	_ =	sdelay $0x1  }
0x15e: {  	v5 =	vmul.f32 $1.428571490e-01, v3;
	_ =	sdelay $0x1  }
0x15f: {  	v5 =	vadd.f32 $1.000000000e+00, v5;
	_ =	sdelay $0x1  }
0x160: {  	v5 =	vmul.f32 v5, v3;
	_ =	sdelay $0x1  }
0x161: {  	v5 =	vmul.f32 $1.666666720e-01, v5;
	_ =	sdelay $0x1  }
0x162: {  	v5 =	vadd.f32 $1.000000000e+00, v5;
	_ =	sdelay $0x1  }
0x163: {  	v5 =	vmul.f32 v5, v3;
	_ =	sdelay $0x1  }
0x164: {  	v5 =	vmul.f32 $2.000000030e-01, v5;
	_ =	sdelay $0x1  }
0x165: {  	v5 =	vadd.f32 $1.000000000e+00, v5;
	_ =	sdelay $0x1  }
0x166: {  	v5 =	vmul.f32 v5, v3;
	_ =	sdelay $0x1  }
0x167: {  	v5 =	vmul.f32 $2.500000000e-01, v5;
	_ =	sdelay $0x1  }
0x168: {  	v5 =	vadd.f32 $1.000000000e+00, v5;
	_ =	sdelay $0x1  }
0x169: {  	v5 =	vmul.f32 v5, v3;
	_ =	sdelay $0x1  }
0x16a: {  	v5 =	vmul.f32 $3.333333430e-01, v5;
	_ =	sdelay $0x1  }
0x16b: {  	v5 =	vadd.f32 $1.000000000e+00, v5;
	_ =	sdelay $0x1  }
0x16c: {  	v5 =	vmul.f32 v5, v3;
	_ =	sdelay $0x1  }
0x16d: {  	v5 =	vmul.f32 $5.000000000e-01, v5;
	_ =	sdelay $0x1  }
0x16e: {  	v5 =	vadd.f32 $1.000000000e+00, v5;
	_ =	sdelay $0x1  }
0x16f: {  	v3 =	vmul.f32 v5, v3;
	_ =	sdelay $0x1  }
0x170: {  	v4 =	vshll.u32 v4, $0x17;
	v5 =	vmov s7;
	v3 =	vadd.f32 $1.000000000e+00, v3  }
0x171: {  	v4 =	vadd.s32 $0x3F800000, v4;
	v5 =	vshrl.u32 v5, $0x3  }
0x172: {  	v3 =	vmul.f32 v4, v3;
	v4 =	vshll.u32 v5, v1  }
0x173: {  	s18 =	sand.u32 $0x3, s3;
	v4 =	vbroadcast v4, $0x0  }
0x174: {  	s22 =	sadd.s32 $0x1, s6;
	s18 =	smul.u32 $0x5000, s18;
	[tilespmem:s9+$0x5360] =	vst v3  }
0x175: {  	_ =	swait.ge [sflag:s22], $0x1400  }
0x176: {  	s18 =	sshrl.u32 s18, $0x2;
	[sflag:s22] =	ssyncset.done $0x0  }
0x177: {  	s18 =	sadd.s32 $0x5560, s18;
	[sflag:s22] =	ssyncadd.s32 $0xFFFFEC00  }
0x178: {  	s9 =	sadd.s32 $0x5320, s9;
	v3 =	vld [tilespmem:s18+$0xFFFFFF20]  }
0x179: {  	s23 =	simm.s32 $0x1;
	v4 =	vld.idx.msk [tilespmem:v4+s9+$0x0], $0xffff  }
0x17a: {  	v6 =	vmov s23;
	v5 =	vld [tilespmem:s18+$0xFFFFFF30]  }
0x17b: {  	v6 =	vshrl.u32 v6, $0x3;
	v7 =	vld [tilespmem:s18+$0xFFFFFF10]  }
0x17c: {  	v6 =	vshll.u32 v6, v1;
	v8 =	vld [tilespmem:s18+$0xFFFFFF00]  }
0x17d: {  	v6 =	vadd.s32 $0x1, v6  }
0x17e: {  	v6 =	vbroadcast v6, $0x0;
	v3 =	vmul.f32 v3, v4  }
0x17f: {  	v5 =	vmul.f32 v5, v4  }
0x180: {  	[tilespmem:s18+$0xFFFFFF20] =	vst v3;
	v3 =	vmul.f32 v7, v4  }
0x181: {  	v4 =	vmul.f32 v8, v4;
	[tilespmem:s18+$0xFFFFFF30] =	vst v5  }
0x182: {  	[tilespmem:s18+$0xFFFFFF10] =	vst v3  }
0x183: {  	v7 =	vld [tilespmem:s18+$0xFFFFFF40];
	[tilespmem:s18+$0xFFFFFF00] =	vst v4  }
0x184: {  	s25 =	simm.s32 $0x2;
	v3 =	vld.idx.msk [tilespmem:v6+s9+$0x0], $0xffff  }
0x185: {  	v9 =	vld [tilespmem:s18+$0xFFFFFF50];
	v4 =	vmov s25  }
0x186: {  	v5 =	vld [tilespmem:s18+$0xFFFFFF60];
	v4 =	vshrl.u32 v4, $0x3  }
0x187: {  	v6 =	vld [tilespmem:s18+$0xFFFFFF70];
	v4 =	vshll.u32 v4, v1  }
0x188: {  	v4 =	vadd.s32 $0x2, v4  }
0x189: {  	v4 =	vbroadcast v4, $0x0;
	v7 =	vmul.f32 v7, v3  }
0x18a: {  	v8 =	vmul.f32 v9, v3  }
0x18b: {  	v5 =	vmul.f32 v5, v3;
	[tilespmem:s18+$0xFFFFFF40] =	vst v7  }
0x18c: {  	v3 =	vmul.f32 v6, v3;
	[tilespmem:s18+$0xFFFFFF50] =	vst v8  }
0x18d: {  	[tilespmem:s18+$0xFFFFFF60] =	vst v5  }
0x18e: {  	v6 =	vld [tilespmem:s18+$0xFFFFFFA0];
	[tilespmem:s18+$0xFFFFFF70] =	vst v3  }
0x18f: {  	s12 =	simm.s32 $0x3;
	v3 =	vld.idx.msk [tilespmem:v4+s9+$0x0], $0xffff  }
0x190: {  	v9 =	vld [tilespmem:s18+$0xFFFFFF80];
	v4 =	vmov s12  }
0x191: {  	v5 =	vld [tilespmem:s18+$0xFFFFFFB0];
	v4 =	vshrl.u32 v4, $0x3  }
0x192: {  	v7 =	vld [tilespmem:s18+$0xFFFFFF90];
	v4 =	vshll.u32 v4, v1  }
0x193: {  	v4 =	vadd.s32 $0x3, v4  }
0x194: {  	v4 =	vbroadcast v4, $0x0;
	v6 =	vmul.f32 v6, v3  }
0x195: {  	v9 =	vmul.f32 v9, v3  }
0x196: {  	v5 =	vmul.f32 v5, v3;
	[tilespmem:s18+$0xFFFFFFA0] =	vst v6  }
0x197: {  	v3 =	vmul.f32 v7, v3;
	[tilespmem:s18+$0xFFFFFF80] =	vst v9  }
0x198: {  	[tilespmem:s18+$0xFFFFFFB0] =	vst v5  }
0x199: {  	v8 =	vld [tilespmem:s18+$0xFFFFFFD0];
	[tilespmem:s18+$0xFFFFFF90] =	vst v3  }
0x19a: {  	s13 =	simm.s32 $0x4;
	v3 =	vld.idx.msk [tilespmem:v4+s9+$0x0], $0xffff  }
0x19b: {  	v10 =	vld [tilespmem:s18+$0xFFFFFFC0];
	v4 =	vmov s13  }
0x19c: {  	v5 =	vld [tilespmem:s18+$0xFFFFFFF0];
	v4 =	vshrl.u32 v4, $0x3  }
0x19d: {  	v6 =	vld [tilespmem:s18+$0xFFFFFFE0];
	v4 =	vshll.u32 v4, v1  }
0x19e: {  	v4 =	vadd.s32 $0x4, v4  }
0x19f: {  	v4 =	vbroadcast v4, $0x0;
	v7 =	vmul.f32 v8, v3  }
0x1a0: {  	v8 =	vmul.f32 v10, v3  }
0x1a1: {  	v5 =	vmul.f32 v5, v3;
	[tilespmem:s18+$0xFFFFFFD0] =	vst v7  }
0x1a2: {  	v3 =	vmul.f32 v6, v3;
	[tilespmem:s18+$0xFFFFFFC0] =	vst v8  }
0x1a3: {  	[tilespmem:s18+$0xFFFFFFF0] =	vst v5  }
0x1a4: {  	v9 =	vld [tilespmem:s18+$0x0];
	[tilespmem:s18+$0xFFFFFFE0] =	vst v3  }
0x1a5: {  	v4 =	vld.idx.msk [tilespmem:v4+s9+$0x0], $0xffff  }
0x1a6: {  	v6 =	vld [tilespmem:s18+$0x20];
	_ =	sdelay $0x2  }
0x1a7: {  	v5 =	vld [tilespmem:s18+$0x30]  }
0x1a8: {  	s23 =	simm.s32 $0x5;
	v7 =	vmul.f32 v9, v4  }
0x1a9: {  	v10 =	vld [tilespmem:s18+$0x10];
	v8 =	vmov s23;
	v6 =	vmul.f32 v6, v4  }
0x1aa: {  	[tilespmem:s18+$0x0] =	vst v7;
	v7 =	vshrl.u32 v8, $0x3  }
0x1ab: {  	[tilespmem:s18+$0x20] =	vst v6;
	v6 =	vshll.u32 v7, v1  }
0x1ac: {  	v9 =	vmul.f32 v5, v4;
	v5 =	vadd.s32 $0x5, v6  }
0x1ad: {  	v7 =	vbroadcast v5, $0x0  }
0x1ae: {  	s25 =	smul.u32 $0x5000, s6;
	v3 =	vld [tilespmem:s18+$0x40];
	v8 =	vmul.f32 v10, v4  }
0x1af: {  	s23 =	simm.s32 $0x6;
	v4 =	vld [tilespmem:s18+$0x50]  }
0x1b0: {  	s21 =	sadd.s32 $0x4E20, s21;
	s22 =	sshrl.u32 s25, $0x2;
	[tilespmem:s18+$0x10] =	vst v8;
	v6 =	vld [tilespmem:s18+$0x60];
	v8 =	vmov s23  }
0x1b1: {  	s25 =	simm.s32 $0x8;
	s22 =	sadd.s32 $0x5460, s22;
	[tilespmem:s18+$0x30] =	vst v9;
	s23 =	smov.u32 s18;
	v5 =	vld [tilespmem:s18+$0x70];
	v8 =	vshrl.u32 v8, $0x3  }
.LBB2_13:
0x1b2: {  	p4 =	slt.u32 s25, $0x48  }
0x1b3: {  	v7 =	vld.idx.msk [tilespmem:v7+s9+$0x0], $0xffff;
	v8 =	vshll.u32 v8, v1;
	s18 =	sadd.s32 $0x200, s18;
	s12 =	smov.u32 s25;
	s25 =	sadd.s32 $0x8, s25  }
0x1b4: {  	v8 =	vadd.s32 $0x6, v8;
	_ =	sdelay $0x1  }
0x1b5: {  	v8 =	vbroadcast v8, $0x0;
	_ =	sdelay $0x2  }
0x1b6: {  	v3 =	vmul.f32 v3, v7;
	v6 =	vmul.f32 v6, v7;
	v9 =	vld [tilespmem:s23+$0xB0]  }
0x1b7: {  	v4 =	vmul.f32 v4, v7;
	v5 =	vmul.f32 v5, v7;
	v7 =	vld [tilespmem:s23+$0x80]  }
0x1b8: {  	[tilespmem:s23+$0x40] =	vst v3  }
0x1b9: {  	[tilespmem:s23+$0x70] =	vst v5  }
0x1ba: {  	[tilespmem:s23+$0x60] =	vst v6  }
0x1bb: {  	[tilespmem:s23+$0x50] =	vst v4  }
0x1bc: {  	v3 =	vld.idx.msk [tilespmem:v8+s9+$0x0], $0xffff  }
0x1bd: {  	v4 =	vld [tilespmem:s23+$0xA0]  }
0x1be: {  	v5 =	vld [tilespmem:s23+$0x90]  }
0x1bf: {  	s13 =	sadd.s32 $0x7, s7;
	s7 =	smov.u32 s12  }
0x1c0: {  	v6 =	vmov s13  }
0x1c1: {  	v6 =	vshrl.u32 v6, $0x3  }
0x1c2: {  	v6 =	vshll.u32 v6, v1;
	v7 =	vmul.f32 v7, v3;
	v4 =	vmul.f32 v4, v3  }
0x1c3: {  	v6 =	vadd.s32 $0x7, v6;
	v5 =	vmul.f32 v5, v3;
	v3 =	vmul.f32 v9, v3  }
0x1c4: {  	v6 =	vbroadcast v6, $0x0;
	[tilespmem:s23+$0x80] =	vst v7  }
0x1c5: {  	v7 =	vmov s7;
	[tilespmem:s23+$0xB0] =	vst v3;
	v3 =	vld [tilespmem:s23+$0xC0]  }
0x1c6: {  	v7 =	vshrl.u32 v7, $0x3;
	[tilespmem:s23+$0x90] =	vst v5;
	v5 =	vld [tilespmem:s23+$0xF0]  }
0x1c7: {  	v7 =	vshll.u32 v7, v1  }
0x1c8: {  	v7 =	vbroadcast v7, $0x0;
	v8 =	vld [tilespmem:s23+$0xD0]  }
0x1c9: {  	[tilespmem:s23+$0xA0] =	vst v4;
	v4 =	vld [tilespmem:s23+$0xE0]  }
0x1ca: {  	v6 =	vld.idx.msk [tilespmem:v6+s9+$0x0], $0xffff;
	_ =	sdelay $0x2  }
0x1cb: {  	v9 =	vld [tilespmem:s18+$0xFFFFFF30];
	_ =	sdelay $0x1  }
0x1cc: {  	s12 =	sadd.s32 $0x1, s7  }
0x1cd: {  	v11 =	vmov s12;
	v3 =	vmul.f32 v3, v6;
	v8 =	vmul.f32 v8, v6;
	v10 =	vld [tilespmem:s18+$0xFFFFFF20]  }
0x1ce: {  	v11 =	vshrl.u32 v11, $0x3;
	v4 =	vmul.f32 v4, v6;
	v5 =	vmul.f32 v5, v6  }
0x1cf: {  	v11 =	vshll.u32 v11, v1;
	v6 =	vld [tilespmem:s18+$0xFFFFFF10];
	[tilespmem:s23+$0xC0] =	vst v3  }
0x1d0: {  	v3 =	vadd.s32 $0x1, v11;
	[tilespmem:s23+$0xF0] =	vst v5  }
0x1d1: {  	v3 =	vbroadcast v3, $0x0;
	[tilespmem:s23+$0xD0] =	vst v8  }
0x1d2: {  	[tilespmem:s23+$0xE0] =	vst v4;
	s23 =	smov.u32 s18  }
0x1d3: {  	v4 =	vld.idx.msk [tilespmem:v7+s9+$0x0], $0xffff;
	_ =	sdelay $0x1  }
0x1d4: {  	v5 =	vld [tilespmem:s18+$0xFFFFFF00];
	_ =	sdelay $0x3  }
0x1d5: {  	v6 =	vmul.f32 v6, v4;
	v7 =	vmul.f32 v10, v4;
	v8 =	vld [tilespmem:s18+$0xFFFFFF50]  }
0x1d6: {  	v5 =	vmul.f32 v5, v4;
	v4 =	vmul.f32 v9, v4  }
0x1d7: {  	s12 =	sadd.s32 $0x2, s7;
	[tilespmem:s18+$0xFFFFFF20] =	vst v7;
	v7 =	vld [tilespmem:s18+$0xFFFFFF40]  }
0x1d8: {  	[tilespmem:s18+$0xFFFFFF30] =	vst v4;
	v4 =	vmov s12  }
0x1d9: {  	[tilespmem:s18+$0xFFFFFF10] =	vst v6;
	v4 =	vshrl.u32 v4, $0x3  }
0x1da: {  	v6 =	vld [tilespmem:s18+$0xFFFFFF60];
	v4 =	vshll.u32 v4, v1  }
0x1db: {  	v4 =	vadd.s32 $0x2, v4;
	_ =	sdelay $0x1  }
0x1dc: {  	v4 =	vbroadcast v4, $0x0;
	[tilespmem:s18+$0xFFFFFF00] =	vst v5  }
0x1dd: {  	v3 =	vld.idx.msk [tilespmem:v3+s9+$0x0], $0xffff;
	_ =	sdelay $0x1  }
0x1de: {  	v5 =	vld [tilespmem:s18+$0xFFFFFF70];
	_ =	sdelay $0x1  }
0x1df: {  	v9 =	vld [tilespmem:s18+$0xFFFFFFB0]  }
0x1e0: {  	v10 =	vld [tilespmem:s18+$0xFFFFFF90]  }
0x1e1: {  	v7 =	vmul.f32 v7, v3;
	v8 =	vmul.f32 v8, v3  }
0x1e2: {  	s12 =	sadd.s32 $0x3, s7;
	v6 =	vmul.f32 v6, v3;
	v3 =	vmul.f32 v5, v3;
	v5 =	vld [tilespmem:s18+$0xFFFFFF80]  }
0x1e3: {  	v11 =	vmov s12;
	[tilespmem:s18+$0xFFFFFF40] =	vst v7;
	v7 =	vld [tilespmem:s18+$0xFFFFFFA0]  }
0x1e4: {  	[tilespmem:s18+$0xFFFFFF50] =	vst v8;
	v8 =	vshrl.u32 v11, $0x3  }
0x1e5: {  	[tilespmem:s18+$0xFFFFFF60] =	vst v6;
	v6 =	vshll.u32 v8, v1  }
0x1e6: {  	[tilespmem:s18+$0xFFFFFF70] =	vst v3;
	v3 =	vadd.s32 $0x3, v6  }
0x1e7: {  	v4 =	vld.idx.msk [tilespmem:v4+s9+$0x0], $0xffff;
	v3 =	vbroadcast v3, $0x0;
	_ =	sdelay $0x3  }
0x1e8: {  	v6 =	vld [tilespmem:s18+$0xFFFFFFF0]  }
0x1e9: {  	v8 =	vld [tilespmem:s18+$0xFFFFFFD0]  }
0x1ea: {  	v5 =	vmul.f32 v5, v4;
	v7 =	vmul.f32 v7, v4  }
0x1eb: {  	s12 =	sadd.s32 $0x4, s7;
	v10 =	vmul.f32 v10, v4;
	v4 =	vmul.f32 v9, v4;
	v9 =	vld [tilespmem:s18+$0xFFFFFFC0]  }
0x1ec: {  	v11 =	vmov s12;
	[tilespmem:s18+$0xFFFFFFA0] =	vst v7;
	v7 =	vld [tilespmem:s18+$0xFFFFFFE0]  }
0x1ed: {  	[tilespmem:s18+$0xFFFFFF80] =	vst v5;
	v5 =	vshrl.u32 v11, $0x3  }
0x1ee: {  	[tilespmem:s18+$0xFFFFFFB0] =	vst v4;
	v4 =	vshll.u32 v5, v1  }
0x1ef: {  	[tilespmem:s18+$0xFFFFFF90] =	vst v10;
	v4 =	vadd.s32 $0x4, v4  }
0x1f0: {  	v3 =	vld.idx.msk [tilespmem:v3+s9+$0x0], $0xffff;
	v4 =	vbroadcast v4, $0x0;
	_ =	sdelay $0x3  }
0x1f1: {  	v5 =	vld [tilespmem:s18+$0x30]  }
0x1f2: {  	v10 =	vld [tilespmem:s18+$0x10]  }
0x1f3: {  	v9 =	vmul.f32 v9, v3;
	v8 =	vmul.f32 v8, v3  }
0x1f4: {  	v7 =	vmul.f32 v7, v3;
	v3 =	vmul.f32 v6, v3;
	v6 =	vld [tilespmem:s18+$0x0]  }
0x1f5: {  	[tilespmem:s18+$0xFFFFFFD0] =	vst v8;
	v8 =	vld [tilespmem:s18+$0x20]  }
0x1f6: {  	s12 =	sadd.s32 $0x5, s7;
	[tilespmem:s18+$0xFFFFFFC0] =	vst v9  }
0x1f7: {  	[tilespmem:s18+$0xFFFFFFF0] =	vst v3;
	v3 =	vmov s12  }
0x1f8: {  	[tilespmem:s18+$0xFFFFFFE0] =	vst v7;
	v3 =	vshrl.u32 v3, $0x3  }
0x1f9: {  	v4 =	vld.idx.msk [tilespmem:v4+s9+$0x0], $0xffff;
	v3 =	vshll.u32 v3, v1  }
0x1fa: {  	v3 =	vadd.s32 $0x5, v3  }
0x1fb: {  	v7 =	vbroadcast v3, $0x0;
	_ =	sdelay $0x3  }
0x1fc: {  	v6 =	vmul.f32 v6, v4;
	v9 =	vmul.f32 v10, v4;
	v3 =	vld [tilespmem:s18+$0x40]  }
.Ltmp6:
0x1fd: {  	v8 =	vmul.f32 v8, v4;
	v10 =	vmul.f32 v5, v4;
	v5 =	vld [tilespmem:s18+$0x70];
	(pc) =	sbr.rel @p4 .LBB2_13-.Ltmp6, $4  }
0x1fe: {  	[tilespmem:s18+$0x0] =	vst v6  }
0x1ff: {  	s12 =	sadd.s32 $0x6, s7;
	[tilespmem:s18+$0x20] =	vst v8;
	v4 =	vld [tilespmem:s18+$0x50]  }
0x200: {  	v8 =	vmov s12;
	[tilespmem:s18+$0x10] =	vst v9;
	v6 =	vld [tilespmem:s18+$0x60]  }
0x201: {  	v8 =	vshrl.u32 v8, $0x3;
	[tilespmem:s18+$0x30] =	vst v10  }
0x202: {  	_ =	sdelay $0x3  }
0x203: {  	v7 =	vld.idx.msk [tilespmem:v7+s9+$0x0], $0xffff;
	_ =	sdelay $0x2  }
0x204: {  	v8 =	vshll.u32 v8, v1  }
0x205: {  	v8 =	vadd.s32 $0x6, v8  }
0x206: {  	v8 =	vbroadcast v8, $0x0;
	v3 =	vmul.f32 v3, v7  }
0x207: {  	v5 =	vmul.f32 v5, v7  }
0x208: {  	v6 =	vmul.f32 v6, v7;
	[tilespmem:s23+$0x40] =	vst v3  }
0x209: {  	v3 =	vmul.f32 v4, v7;
	[tilespmem:s23+$0x70] =	vst v5  }
0x20a: {  	[tilespmem:s23+$0x60] =	vst v6  }
0x20b: {  	v9 =	vld [tilespmem:s23+$0x80];
	[tilespmem:s23+$0x50] =	vst v3  }
0x20c: {  	s7 =	sadd.s32 $0x7, s7;
	v3 =	vld.idx.msk [tilespmem:v8+s9+$0x0], $0xffff  }
0x20d: {  	v56 =	vld [tilespmem:s23+$0xB0];
	v57 =	vmov s7  }
0x20e: {  	v58 =	vld [tilespmem:s23+$0x90];
	v5 =	vshrl.u32 v57, $0x3  }
0x20f: {  	v59 =	vld [tilespmem:s23+$0xA0];
	v5 =	vshll.u32 v5, v1  }
0x210: {  	v5 =	vadd.s32 $0x7, v5  }
0x211: {  	v5 =	vbroadcast v5, $0x0;
	v8 =	vmul.f32 v9, v3  }
0x212: {  	v4 =	vmul.f32 v56, v3  }
0x213: {  	v6 =	vmul.f32 v58, v3;
	[tilespmem:s23+$0x80] =	vst v8  }
0x214: {  	v3 =	vmul.f32 v59, v3;
	[tilespmem:s23+$0xB0] =	vst v4  }
0x215: {  	[tilespmem:s23+$0x90] =	vst v6  }
0x216: {  	v60 =	vld [tilespmem:s23+$0xC0];
	[tilespmem:s23+$0xA0] =	vst v3  }
0x217: {  	v3 =	vld.idx.msk [tilespmem:v5+s9+$0x0], $0xffff  }
0x218: {  	v62 =	vld [tilespmem:s23+$0xF0]  }
0x219: {  	v61 =	vld [tilespmem:s23+$0xD0]  }
0x21a: {  	v63 =	vld [tilespmem:s23+$0xE0];
	_ =	sdelay $0x1  }
0x21b: {  	v4 =	vmul.f32 v60, v3  }
0x21c: {  	v5 =	vmul.f32 v62, v3  }
0x21d: {  	s10 =	sadd.s32 $0x1, s10;
	v6 =	vmul.f32 v61, v3;
	[tilespmem:s23+$0xC0] =	vst v4  }
0x21e: {  	p4 =	sne.s32 s10, $0xFA;
	v3 =	vmul.f32 v63, v3;
	[tilespmem:s23+$0xF0] =	vst v5  }
.Ltmp7:
0x21f: {  	[tilespmem:s23+$0xD0] =	vst v6;
	(pc) =	sbr.rel @p4 .LBB2_8-.Ltmp7, $4  }
0x220: {  	[tilespmem:s23+$0xE0] =	vst v3;
	s23 =	sadd.s32 $0x5, s6  }
0x221: {  	[spmem:s1] =	stream.indirect.scatter.add.f32 [tilespmem:s22], [sflag:s23], $0x40, s21, s26, $0xb8;
	[tilespmem:$0x1E738] =	vst v63  }
0x222: {  	s25 =	sadd.s32 $0x9, s6;
	s3 =	sadd.s32 $0x1, s3  }
0x223: {  	[spmem:s2] =	stream.indirect.scatter.add.f32 [tilespmem:s9], [sflag:s25], $0x1, s21, s26, $0xb8;
	[tilespmem:$0x1E738] =	vst v63  }
0x224: {  	_ =	swait.ge [sflag:s29], $0x1400  }
0x225: {  	[sflag:s29] =	ssyncset.done $0x0  }
0x226: {  	[sflag:s29] =	ssyncadd.s32 $0xFFFFEC00  }
0x227: {  	_ =	swait.ge [sflag:s30], $0x50  }
0x228: {  	[sflag:s30] =	ssyncset.done $0x0  }
0x229: {  	[sflag:s30] =	ssyncadd.s32 $0xFFFFFFB0  }
0x22a: {  	_ =	swait.ge [sflag:s31], $0x1400  }
0x22b: {  	[sflag:s31] =	ssyncset.done $0x0  }
0x22c: {  	[sflag:s31] =	ssyncadd.s32 $0xFFFFEC00  }
0x22d: {  	_ =	swait.ge [sflag:s0], $0x50  }
0x22e: {  	[sflag:s0] =	ssyncset.done $0x0  }
0x22f: {  	[sflag:s0] =	ssyncadd.s32 $0xFFFFFFB0  }
0x230: {  	s3 =	stileid.u32;
	[bflag:$0x0] =	sbarrier.arrive $0xFFFF  }
0x231: {  	s3 =	sshll.u32 @!p1 s3, $0x6;
	s6 =	rddreg [dreg:$0x10]  }
0x232: {  	s3 =	sor.u32 @!p1 $0x1C15, s3;
	s7 =	rddreg [dreg:$0x16]  }
0x233: {  	[hbm:s6], [sflag:s3] =	dma.local @!p1 [spmem:s7], $0x1F40  }
0x234: {  	s3 =	simm.s32 @!p1 $0x15  }
0x235: {  	_ =	swait.ge @!p1 [sflag:s3], $0x1F40  }
0x236: {  	[sflag:s3] =	ssyncset.done @!p1 $0x0  }
0x237: {  	s6 =	rddreg [dreg:$0x12];
	[sflag:s3] =	ssyncadd.s32 @!p1 $0xFFFFE0C0;
	s3 =	simm.s32 @p3 $0xA460  }
0x238: {  	[tilespmem:s3], [sflag:$0x15] =	stream.linear.gather @p3 [spmem:s6], $0x7D0, $0x38;
	[tilespmem:$0x1E738] =	vst v63  }
0x239: {  	s6 =	simm.s32 @p3 $0x15  }
0x23a: {  	_ =	swait.ge @p3 [sflag:s6], $0x7D0  }
0x23b: {  	[sflag:s6] =	ssyncset.done @p3 $0x0  }
0x23c: {  	s7 =	simm.s32 @p3 $0x0;
	s9 =	rddreg [dreg:$0x13];
	[sflag:s6] =	ssyncadd.s32 @p3 $0xFFFFF830  }
0x23d: {  	[hbm4b:s9+s7] =	stream.linear.scatter @p3 [tilespmem:s3], [sflag:$0x15], $0x7D0, $0x38;
	[tilespmem:$0x1E738] =	vst v63  }
0x23e: {  	_ =	swait.ge @p3 [sflag:s6], $0x7D0  }
0x23f: {  	s11 =	sadd.s32 $0x1, s11;
	s25 =	rddreg [dreg:$0x14]  }
0x240: {  	p4 =	sne.s32 s11, s25  }
.Ltmp8:
0x241: {  	_ = 	snop;
	(pc) =	sbr.rel @p4 .LBB2_1-.Ltmp8, $3  }
0x242: {  	_ =	sdelay $0x1  }
0x243: {  	[sflag:s6] =	ssyncset.done @p3 $0x0  }
0x244: {  	[sflag:s6] =	ssyncadd.s32 @p3 $0xFFFFF830  }
0x245: {  	_ =	sfence.sel $0x180000  }
0x246: {  	[bflag:$0x0] =	sbarrier.arrive $0xFFFF  }
0x247: {  	_ =	strace $0x90000047  }
0x248: {  	s0 =	stileid.u32;
	[bflag:$0x2] =	sbarrier.arrive $0xFFFF  }
0x249: {  	p0 =	sne.s32 s0, $0x0;
	s0 =	rddreg [dreg:$0x5]  }
0x24a: {  	s0 =	sadd.s32 @!p0 $0x100000, s0  }
0x24b: {  	[sflag:s0] =	ssyncadd.tile.s32 @!p0 $0x1;
	_ =	shalt  }
.Lfunc_end2:
_tile_overlayer_lowered:
.L_overlay_start_2:
0x24c: {  	(tag) =	ssettag $0x2  }
0x24d: {  	s0 =	rddreg [dreg:$0x0];
	s2 =	stileid.u32  }
0x24e: {  	s1 =	rddreg [dreg:$0x1];
	p0 =	sne.s32 s2, $0x0  }
0x24f: {  	s3 =	rddreg [dreg:$0x2];
	[bflag:$0x3] =	sbarrier.arrive $0xFFFF;
	s2 =	simm.s32 @!p0 $0x1C15  }
0x250: {  	[timem:s3], [sflag:s2] =	dma.local @!p0 [hbm:s0], s1  }
0x251: {  	s0 =	simm.s32 @!p0 $0x15  }
0x252: {  	_ =	swait.ge @!p0 [sflag:s0], s1  }
0x253: {  	s1 =	ssub.s32 @!p0 $0x0, s1;
	[sflag:s0] =	ssyncset.done @!p0 $0x0  }
0x254: {  	[sflag:s0] =	ssyncadd.s32 @!p0 s1  }
0x255: {  	[bflag:$0x3] =	sbarrier.arrive $0xFFFF  }
0x256: {  	_ =	shalt  }

</sc_bundles>
